<compile_context>
chip_gen: v7x
topology: tpu7x:2x2x1
jax: 0.10.2.dev20260603
libtpu: 0.0.44.dev20260713+nightly
codegen_flags: <defaults>
</compile_context>

<pallas_src>
import functools

import jax
import jax.numpy as jnp
from jax import lax
from jax.experimental import pallas as pl
from jax.experimental.pallas import tpu as pltpu
from jax.experimental.pallas import tpu_sc as plsc

N = 10000
E = 320000
D = 128
EPS = 1e-5

NC = 2
NS = 16
NW = NC * NS

CH = 128
NPAD = 10240
PADV = 10200

DEG_EPT = E // NS
DG_CH = 160
DEG_RPT = NPAD // NS

EPT = E // NW
AG_CH = 80
GRP = 8
RPT = NPAD // NS
RNCH = RPT // CH

_MESH = dict(core_axis_name="c", subcore_axis_name="s")


def _pad_edges(edge_index):
    src, dst = edge_index[0], edge_index[1]
    apad = AG_CH * CH - EPT
    fill = (PADV + (jnp.arange(apad, dtype=jnp.int32) % 32)).astype(jnp.int32)
    s2 = jnp.concatenate(
        [src.reshape(NW, EPT), jnp.zeros((NW, apad), jnp.int32)], axis=1
    ).reshape(NW * AG_CH * CH)
    d2 = jnp.concatenate(
        [dst.reshape(NW, EPT), jnp.broadcast_to(fill, (NW, apad))], axis=1
    ).reshape(NW * AG_CH * CH)
    gpad = DG_CH * CH - DEG_EPT
    gfill = (PADV + (jnp.arange(gpad, dtype=jnp.int32) % 32)).astype(jnp.int32)
    g2 = jnp.stack([src.reshape(NS, DEG_EPT), dst.reshape(NS, DEG_EPT)])
    g3 = jnp.concatenate(
        [g2, jnp.broadcast_to(gfill, (2, NS, gpad))], axis=2
    ).reshape(2, NS, DG_CH, CH)
    return s2, d2, g3


def _rsqrt16(x):
    bits = lax.bitcast_convert_type(x, jnp.int32)
    i = jnp.int32(0x5F3759DF) - lax.shift_right_logical(bits, 1)
    y = lax.bitcast_convert_type(i, jnp.float32)
    for _ in range(3):
        y = y * (jnp.float32(1.5) - jnp.float32(0.5) * x * y * y)
    return y


def _sc_norms(g3, zeros_deg, ones_v):
    mesh = plsc.VectorSubcoreMesh(**_MESH)

    @functools.partial(
        pl.kernel,
        out_type=jax.ShapeDtypeStruct((NC, NPAD), jnp.float32),
        mesh=mesh,
        scratch_types=[
            pltpu.VMEM_SHARED((NPAD,), jnp.float32),
            pltpu.VMEM((CH,), jnp.float32),
            pltpu.VMEM((DG_CH, CH), jnp.int32),
            pltpu.VMEM((DEG_RPT,), jnp.float32),
            pltpu.VMEM((DEG_RPT,), jnp.float32),
            pltpu.SemaphoreType.DMA,
        ],
    )
    def kern(g3_hbm, zeros_hbm, ones_hbm, norms_hbm,
             acc, ones_b, slab, stripe_b, nbuf, sem):
        cid = lax.axis_index("c")
        sid = lax.axis_index("s")
        pltpu.sync_copy(g3_hbm.at[cid, sid], slab)
        pltpu.sync_copy(zeros_hbm, stripe_b)
        pltpu.sync_copy(stripe_b, acc.at[pl.ds(sid * DEG_RPT, DEG_RPT)])
        pltpu.sync_copy(ones_hbm, ones_b)
        plsc.subcore_barrier()

        @pl.loop(0, DG_CH, step=16)
        def _(c0):
            descs = [
                pltpu.async_copy(ones_b, acc.at[slab.at[c0 + j]], sem, add=True)
                for j in range(16)
            ]
            for dsc in descs:
                dsc.wait()

        plsc.subcore_barrier()

        pltpu.sync_copy(acc.at[pl.ds(sid * DEG_RPT, DEG_RPT)], stripe_b)

        def nbody(j, carry):
            d = stripe_b[pl.ds(j * 16, 16)]
            nbuf[pl.ds(j * 16, 16)] = _rsqrt16(jnp.maximum(d, jnp.float32(1.0)))
            return carry

        lax.fori_loop(0, DEG_RPT // 16, nbody, 0)
        pltpu.sync_copy(nbuf, norms_hbm.at[cid, pl.ds(sid * DEG_RPT, DEG_RPT)])

    return kern(g3, zeros_deg, ones_v)


def _sc_aggregate(hn, s_flat, d_flat, zeros_rows):
    mesh = plsc.VectorSubcoreMesh(**_MESH)

    @functools.partial(
        pl.kernel,
        out_type=jax.ShapeDtypeStruct((NC, NPAD, D), jnp.float32),
        mesh=mesh,
        scratch_types=[
            pltpu.VMEM_SHARED((NPAD, D), jnp.float32),
            pltpu.VMEM((CH,), jnp.int32),
            pltpu.VMEM((CH,), jnp.int32),
            pltpu.VMEM((CH, D), jnp.float32),
            pltpu.SemaphoreType.DMA,
        ],
    )
    def kern(hn_hbm, s_hbm, d_hbm, zeros_hbm, out_hbm,
             acc, sidx, didx, rows, gsem):
        cid = lax.axis_index("c")
        sid = lax.axis_index("s")
        wid = cid * NS + sid
        for k in range(RNCH):
            pltpu.sync_copy(zeros_hbm, acc.at[pl.ds(sid * RPT + k * CH, CH)])
        plsc.subcore_barrier()

        base = wid * (AG_CH * CH)

        def body(c, carry):
            off = base + c * CH
            pltpu.sync_copy(s_hbm.at[pl.ds(off, CH)], sidx)
            pltpu.sync_copy(d_hbm.at[pl.ds(off, CH)], didx)
            pltpu.async_copy(hn_hbm.at[sidx], rows, gsem).wait()
            pltpu.sync_copy(rows, acc.at[didx], add=True)
            return carry

        lax.fori_loop(0, AG_CH, body, 0)
        plsc.subcore_barrier()

        for k in range(RNCH):
            r0 = sid * RPT + k * CH
            pltpu.sync_copy(acc.at[pl.ds(r0, CH)], out_hbm.at[cid, pl.ds(r0, CH)])

    return kern(hn, s_flat, d_flat, zeros_rows)


def _tc_scale(h, ns):
    def body(h_ref, ns_ref, o_ref):
        o_ref[...] = h_ref[...] * ns_ref[...]

    return pl.pallas_call(
        body, out_shape=jax.ShapeDtypeStruct((N, D), jnp.float32)
    )(h, ns)


def _bn_relu(y, g, bt):
    mu = jnp.mean(y, axis=0, keepdims=True)
    yc = y - mu
    var = jnp.mean(yc * yc, axis=0, keepdims=True)
    z = g * (yc * lax.rsqrt(var + EPS)) + bt
    return jnp.maximum(z, 0.0)


def _tc_dense_mid(parts, nd, ns, W, b, g, bt):
    def body(p_ref, nd_ref, ns_ref, W_ref, b_ref, g_ref, bt_ref, o_ref):
        x = (p_ref[0, :N] + p_ref[1, :N]) * nd_ref[...]
        y = jnp.dot(x, W_ref[...], preferred_element_type=jnp.float32) + b_ref[...]
        z = _bn_relu(y, g_ref[...], bt_ref[...])
        o_ref[...] = z * ns_ref[...]

    return pl.pallas_call(
        body, out_shape=jax.ShapeDtypeStruct((N, D), jnp.float32)
    )(parts, nd, ns, W, b, g, bt)


def _tc_dense_last(parts, nd, W, b, g, bt, W_fc, b_fc):
    def body(p_ref, nd_ref, W_ref, b_ref, g_ref, bt_ref, Wf_ref, bf_ref, o_ref):
        x = (p_ref[0, :N] + p_ref[1, :N]) * nd_ref[...]
        y = jnp.dot(x, W_ref[...], preferred_element_type=jnp.float32) + b_ref[...]
        z = _bn_relu(y, g_ref[...], bt_ref[...])
        o_ref[...] = (
            jnp.dot(z, Wf_ref[...], preferred_element_type=jnp.float32) + bf_ref[...]
        )

    return pl.pallas_call(
        body, out_shape=jax.ShapeDtypeStruct((N, D), jnp.float32)
    )(parts, nd, W, b, g, bt, W_fc, b_fc)


def kernel(h, edge_index, W0, b0, gamma0, beta0, W1, b1, gamma1, beta1,
           W2, b2, gamma2, beta2, W_fc, b_fc):
    zeros_deg = jnp.zeros((DEG_RPT,), jnp.float32)
    ones_v = jnp.ones((CH,), jnp.float32)
    zeros_rows = jnp.zeros((CH, D), jnp.float32)

    s_flat, d_flat, g3 = _pad_edges(edge_index)
    norms = _sc_norms(g3, zeros_deg, ones_v)
    ns = norms[0, :N].reshape(N, 1)
    nd = norms[1, :N].reshape(N, 1)

    hn = _tc_scale(h, ns)
    for W, b, g, bt in [(W0, b0, gamma0, beta0), (W1, b1, gamma1, beta1)]:
        parts = _sc_aggregate(hn, s_flat, d_flat, zeros_rows)
        hn = _tc_dense_mid(parts, nd, ns, W, b.reshape(1, D), g.reshape(1, D),
                           bt.reshape(1, D))
    parts = _sc_aggregate(hn, s_flat, d_flat, zeros_rows)
    out = _tc_dense_last(parts, nd, W2, b2.reshape(1, D), gamma2.reshape(1, D),
                         beta2.reshape(1, D), W_fc, b_fc.reshape(1, D))
    return out

# --- scband reference (transcript-rebuilt; emitter-appended) ---
"""Pipeline reference for scband-vanilla-gcn-61967788146722 (READ-ONLY COPY).

The authoritative reference and input builder live on the scoring server;
editing this copy changes nothing except your own understanding.
"""

import jax, jax.numpy as jnp
import numpy as np

N = 10000
E = 320000
D_IN = 128
D_HID = 128
D_OUT = 128
NUM_LAYERS = 3
EPS = 1e-5


def setup_inputs(seed: int = 0) -> dict:
    key = jax.random.key(seed)
    ks = jax.random.split(key, 20)
    inp = {}
    inp["h"] = jax.random.normal(ks[0], (N, D_IN), dtype=jnp.float32)
    inp["edge_index"] = jax.random.randint(ks[1], (2, E), 0, N, dtype=jnp.int32)
    dims = [D_IN] + [D_HID] * NUM_LAYERS
    for i in range(NUM_LAYERS):
        fan_in = dims[i]
        inp[f"W{i}"] = jax.random.normal(ks[2 + i], (dims[i], D_HID), dtype=jnp.float32) / np.sqrt(fan_in)
        inp[f"b{i}"] = jnp.zeros((D_HID,), dtype=jnp.float32)
        inp[f"gamma{i}"] = jnp.ones((D_HID,), dtype=jnp.float32)
        inp[f"beta{i}"] = jnp.zeros((D_HID,), dtype=jnp.float32)
    inp["W_fc"] = jax.random.normal(ks[10], (D_HID, D_OUT), dtype=jnp.float32) / np.sqrt(D_HID)
    inp["b_fc"] = jnp.zeros((D_OUT,), dtype=jnp.float32)
    return inp


def reference(h, edge_index, W0, b0, gamma0, beta0, W1, b1, gamma1, beta1, W2, b2, gamma2, beta2, W_fc, b_fc):
    src = edge_index[0]
    dst = edge_index[1]
    # DGL GraphConv norm='both': symmetric normalization D_out^{-1/2} A D_in^{-1/2}
    deg_out = jnp.zeros((N,), jnp.float32).at[src].add(1.0)
    deg_in = jnp.zeros((N,), jnp.float32).at[dst].add(1.0)
    norm_src = (1.0 / jnp.sqrt(jnp.clip(deg_out, 1.0)))[:, None]
    norm_dst = (1.0 / jnp.sqrt(jnp.clip(deg_in, 1.0)))[:, None]
    params = [(W0, b0, gamma0, beta0), (W1, b1, gamma1, beta1), (W2, b2, gamma2, beta2)]
    for W, b, g, bt in params:
        hn = h * norm_src
        msg = jnp.take(hn, src, axis=0)
        agg = jnp.zeros((N, hn.shape[1]), hn.dtype).at[dst].add(msg)
        agg = agg * norm_dst
        h = agg @ W + b
        # BatchNorm1d (training mode: batch statistics, biased variance)
        mu = jnp.mean(h, axis=0)
        var = jnp.mean((h - mu) ** 2, axis=0)
        h = g * (h - mu) / jnp.sqrt(var + EPS) + bt
        h = jax.nn.relu(h)
    out = h @ W_fc + b_fc
    return out

if __name__ == "__main__":
    import jax
    _d = setup_inputs()
    print(jax.jit(kernel)(*tuple(_d.values())))

</pallas_src>

<mosaic_0001>
#map = affine_map<(d0, d1) -> (0, 0, 0, 0)>
#map1 = affine_map<(d0, d1) -> (0)>
#map2 = affine_map<(d0, d1) -> (0, 0)>
module attributes {stable_mosaic.version = 14 : i64} {
  func.func @kern(%arg0: i32, %arg1: i32, %arg2: memref<2x16x160x128xi32, #tpu.memory_space<hbm>>, %arg3: memref<640xf32, #tpu.memory_space<hbm>>, %arg4: memref<128xf32, #tpu.memory_space<hbm>>, %arg5: memref<2x10240xf32, #tpu.memory_space<hbm>>, %arg6: memref<10240xf32, #tpu.memory_space<vmem_shared>>, %arg7: memref<128xf32, #tpu.memory_space<vmem>>, %arg8: memref<160x128xi32, #tpu.memory_space<vmem>>, %arg9: memref<640xf32, #tpu.memory_space<vmem>>, %arg10: memref<640xf32, #tpu.memory_space<vmem>>, %arg11: memref<!tpu.dma_semaphore, #tpu.memory_space<semaphore_mem>>) attributes {dimension_semantics = [#tpu.dimension_semantics<core_parallel>, #tpu.dimension_semantics<subcore_parallel>], iteration_bounds = array<i64: 2, 16>, scalar_prefetch = 0 : i64, scratch_operands = 6 : i64, tpu.core_type = #tpu.core_type<sc_vector_subcore>, window_params = [{transform_indices = #map}, {transform_indices = #map1}, {transform_indices = #map1}, {transform_indices = #map2}]} {
    "tpu.region"() ({
      %run_scoped3A = tpu.sem_alloc : memref<!tpu.dma_semaphore, #tpu.memory_space<semaphore_mem>>
      %dma_start3A = arith.constant 0 : i32
      %dma_start3A_16 = arith.constant 0 : i32
      %dma_start3A_17 = tpu.memref_slice %arg2[%arg0, %arg1, %dma_start3A, %dma_start3A_16] : memref<2x16x160x128xi32, #tpu.memory_space<hbm>> -> memref<1x1x160x128xi32, #tpu.memory_space<hbm>>
      %dma_start3A_18 = tpu.memref_squeeze %dma_start3A_17 : memref<1x1x160x128xi32, #tpu.memory_space<hbm>> -> memref<160x128xi32, #tpu.memory_space<hbm>>
      %dma_start3A_19 = arith.constant 0 : i32
      %dma_start3A_20 = arith.constant 0 : i32
      %dma_start3A_21 = tpu.memref_slice %arg2[%arg0, %arg1, %dma_start3A_19, %dma_start3A_20] : memref<2x16x160x128xi32, #tpu.memory_space<hbm>> -> memref<1x1x160x128xi32, #tpu.memory_space<hbm>>
      %dma_start3A_22 = tpu.memref_squeeze %dma_start3A_21 : memref<1x1x160x128xi32, #tpu.memory_space<hbm>> -> memref<160x128xi32, #tpu.memory_space<hbm>>
      tpu.enqueue_dma source(%dma_start3A_22 : memref<160x128xi32, #tpu.memory_space<hbm>>) target(%arg8 : memref<160x128xi32, #tpu.memory_space<vmem>>) target_semaphore(%run_scoped3A : memref<!tpu.dma_semaphore, #tpu.memory_space<semaphore_mem>>)
      %dma_wait3A = arith.constant 0 : i32
      %dma_wait3A_23 = arith.constant 0 : i32
      %dma_wait3A_24 = tpu.memref_slice %arg2[%arg0, %arg1, %dma_wait3A, %dma_wait3A_23] : memref<2x16x160x128xi32, #tpu.memory_space<hbm>> -> memref<1x1x160x128xi32, #tpu.memory_space<hbm>>
      %dma_wait3A_25 = tpu.memref_squeeze %dma_wait3A_24 : memref<1x1x160x128xi32, #tpu.memory_space<hbm>> -> memref<160x128xi32, #tpu.memory_space<hbm>>
      %dma_wait3A_26 = arith.constant 0 : i32
      %dma_wait3A_27 = arith.constant 0 : i32
      %dma_wait3A_28 = tpu.memref_slice %arg2[%arg0, %arg1, %dma_wait3A_26, %dma_wait3A_27] : memref<2x16x160x128xi32, #tpu.memory_space<hbm>> -> memref<1x1x160x128xi32, #tpu.memory_space<hbm>>
      %dma_wait3A_29 = tpu.memref_squeeze %dma_wait3A_28 : memref<1x1x160x128xi32, #tpu.memory_space<hbm>> -> memref<160x128xi32, #tpu.memory_space<hbm>>
      tpu.wait_dma2 semaphore(%run_scoped3A : memref<!tpu.dma_semaphore, #tpu.memory_space<semaphore_mem>>) src(%dma_wait3A_29 : memref<160x128xi32, #tpu.memory_space<hbm>>) dst(%arg8 : memref<160x128xi32, #tpu.memory_space<vmem>>)
      tpu.yield
    }) : () -> ()
    "tpu.region"() ({
      %run_scoped3A = tpu.sem_alloc : memref<!tpu.dma_semaphore, #tpu.memory_space<semaphore_mem>>
      tpu.enqueue_dma source(%arg3 : memref<640xf32, #tpu.memory_space<hbm>>) target(%arg9 : memref<640xf32, #tpu.memory_space<vmem>>) target_semaphore(%run_scoped3A : memref<!tpu.dma_semaphore, #tpu.memory_space<semaphore_mem>>)
      tpu.wait_dma2 semaphore(%run_scoped3A : memref<!tpu.dma_semaphore, #tpu.memory_space<semaphore_mem>>) src(%arg3 : memref<640xf32, #tpu.memory_space<hbm>>) dst(%arg9 : memref<640xf32, #tpu.memory_space<vmem>>)
      tpu.yield
    }) : () -> ()
    %mul3A = arith.constant 640 : i32
    %mul3A_0 = arith.muli %arg1, %mul3A : i32
    "tpu.region"() ({
      %run_scoped3A = tpu.sem_alloc : memref<!tpu.dma_semaphore, #tpu.memory_space<semaphore_mem>>
      %dma_start3A = tpu.memref_slice %arg6[%mul3A_0] : memref<10240xf32, #tpu.memory_space<vmem_shared>> -> memref<640xf32, #tpu.memory_space<vmem_shared>>
      %dma_start3A_16 = tpu.memref_slice %arg6[%mul3A_0] : memref<10240xf32, #tpu.memory_space<vmem_shared>> -> memref<640xf32, #tpu.memory_space<vmem_shared>>
      tpu.enqueue_dma source(%arg9 : memref<640xf32, #tpu.memory_space<vmem>>) target(%dma_start3A_16 : memref<640xf32, #tpu.memory_space<vmem_shared>>) target_semaphore(%run_scoped3A : memref<!tpu.dma_semaphore, #tpu.memory_space<semaphore_mem>>)
      %dma_wait3A = tpu.memref_slice %arg6[%mul3A_0] : memref<10240xf32, #tpu.memory_space<vmem_shared>> -> memref<640xf32, #tpu.memory_space<vmem_shared>>
      %dma_wait3A_17 = tpu.memref_slice %arg6[%mul3A_0] : memref<10240xf32, #tpu.memory_space<vmem_shared>> -> memref<640xf32, #tpu.memory_space<vmem_shared>>
      tpu.wait_dma2 semaphore(%run_scoped3A : memref<!tpu.dma_semaphore, #tpu.memory_space<semaphore_mem>>) src(%arg9 : memref<640xf32, #tpu.memory_space<vmem>>) dst(%dma_wait3A_17 : memref<640xf32, #tpu.memory_space<vmem_shared>>)
      tpu.yield
    }) : () -> ()
    "tpu.region"() ({
      %run_scoped3A = tpu.sem_alloc : memref<!tpu.dma_semaphore, #tpu.memory_space<semaphore_mem>>
      tpu.enqueue_dma source(%arg4 : memref<128xf32, #tpu.memory_space<hbm>>) target(%arg7 : memref<128xf32, #tpu.memory_space<vmem>>) target_semaphore(%run_scoped3A : memref<!tpu.dma_semaphore, #tpu.memory_space<semaphore_mem>>)
      tpu.wait_dma2 semaphore(%run_scoped3A : memref<!tpu.dma_semaphore, #tpu.memory_space<semaphore_mem>>) src(%arg4 : memref<128xf32, #tpu.memory_space<hbm>>) dst(%arg7 : memref<128xf32, #tpu.memory_space<vmem>>)
      tpu.yield
    }) : () -> ()
    %barrier3A = arith.constant 0 : index
    tpu.barrier barrier_id(%barrier3A)
    %scan3A = arith.constant 0 : i32
    %scan3A_1 = arith.constant 10 : i32
    %scan3A_2 = arith.addi %scan3A, %scan3A_1 : i32
    %scan3A_3 = arith.constant 1 : i32
    scf.for %scan3A_16 = %scan3A to %scan3A_2 step %scan3A_3  : i32 {
      %mul3A_17 = arith.constant 16 : i32
      %mul3A_18 = arith.muli %scan3A_16, %mul3A_17 : i32
      %add3A = arith.constant 0 : i32
      %add3A_19 = arith.addi %add3A, %mul3A_18 : i32
      %add3A_20 = arith.constant 0 : i32
      %add3A_21 = arith.addi %add3A_19, %add3A_20 : i32
      %dma_start3A = arith.constant 0 : i32
      %dma_start3A_22 = tpu.memref_slice %arg8[%add3A_21, %dma_start3A] : memref<160x128xi32, #tpu.memory_space<vmem>> -> memref<1x128xi32, #tpu.memory_space<vmem>>
      %dma_start3A_23 = tpu.memref_squeeze %dma_start3A_22 : memref<1x128xi32, #tpu.memory_space<vmem>> -> memref<128xi32, #tpu.memory_space<vmem>>
      %dma_start3A_24 = arith.constant 0 : i32
      %dma_start3A_25 = tpu.memref_slice %arg6[%dma_start3A_24] : memref<10240xf32, #tpu.memory_space<vmem_shared>> -> memref<10240xf32, #tpu.memory_space<vmem_shared>>
      tpu.enqueue_indirect_dma source(%arg7 : memref<128xf32, #tpu.memory_space<vmem>>) target(%dma_start3A_25 : memref<10240xf32, #tpu.memory_space<vmem_shared>>) offsets(%dma_start3A_23 : memref<128xi32, #tpu.memory_space<vmem>>) semaphore(%arg11 : memref<!tpu.dma_semaphore, #tpu.memory_space<semaphore_mem>>) {add = true}
      %add3A_26 = arith.constant 1 : i32
      %add3A_27 = arith.addi %add3A_19, %add3A_26 : i32
      %dma_start3A_28 = arith.constant 0 : i32
      %dma_start3A_29 = tpu.memref_slice %arg8[%add3A_27, %dma_start3A_28] : memref<160x128xi32, #tpu.memory_space<vmem>> -> memref<1x128xi32, #tpu.memory_space<vmem>>
      %dma_start3A_30 = tpu.memref_squeeze %dma_start3A_29 : memref<1x128xi32, #tpu.memory_space<vmem>> -> memref<128xi32, #tpu.memory_space<vmem>>
      %dma_start3A_31 = arith.constant 0 : i32
      %dma_start3A_32 = tpu.memref_slice %arg6[%dma_start3A_31] : memref<10240xf32, #tpu.memory_space<vmem_shared>> -> memref<10240xf32, #tpu.memory_space<vmem_shared>>
      tpu.enqueue_indirect_dma source(%arg7 : memref<128xf32, #tpu.memory_space<vmem>>) target(%dma_start3A_32 : memref<10240xf32, #tpu.memory_space<vmem_shared>>) offsets(%dma_start3A_30 : memref<128xi32, #tpu.memory_space<vmem>>) semaphore(%arg11 : memref<!tpu.dma_semaphore, #tpu.memory_space<semaphore_mem>>) {add = true}
      %add3A_33 = arith.constant 2 : i32
      %add3A_34 = arith.addi %add3A_19, %add3A_33 : i32
      %dma_start3A_35 = arith.constant 0 : i32
      %dma_start3A_36 = tpu.memref_slice %arg8[%add3A_34, %dma_start3A_35] : memref<160x128xi32, #tpu.memory_space<vmem>> -> memref<1x128xi32, #tpu.memory_space<vmem>>
      %dma_start3A_37 = tpu.memref_squeeze %dma_start3A_36 : memref<1x128xi32, #tpu.memory_space<vmem>> -> memref<128xi32, #tpu.memory_space<vmem>>
      %dma_start3A_38 = arith.constant 0 : i32
      %dma_start3A_39 = tpu.memref_slice %arg6[%dma_start3A_38] : memref<10240xf32, #tpu.memory_space<vmem_shared>> -> memref<10240xf32, #tpu.memory_space<vmem_shared>>
      tpu.enqueue_indirect_dma source(%arg7 : memref<128xf32, #tpu.memory_space<vmem>>) target(%dma_start3A_39 : memref<10240xf32, #tpu.memory_space<vmem_shared>>) offsets(%dma_start3A_37 : memref<128xi32, #tpu.memory_space<vmem>>) semaphore(%arg11 : memref<!tpu.dma_semaphore, #tpu.memory_space<semaphore_mem>>) {add = true}
      %add3A_40 = arith.constant 3 : i32
      %add3A_41 = arith.addi %add3A_19, %add3A_40 : i32
      %dma_start3A_42 = arith.constant 0 : i32
      %dma_start3A_43 = tpu.memref_slice %arg8[%add3A_41, %dma_start3A_42] : memref<160x128xi32, #tpu.memory_space<vmem>> -> memref<1x128xi32, #tpu.memory_space<vmem>>
      %dma_start3A_44 = tpu.memref_squeeze %dma_start3A_43 : memref<1x128xi32, #tpu.memory_space<vmem>> -> memref<128xi32, #tpu.memory_space<vmem>>
      %dma_start3A_45 = arith.constant 0 : i32
      %dma_start3A_46 = tpu.memref_slice %arg6[%dma_start3A_45] : memref<10240xf32, #tpu.memory_space<vmem_shared>> -> memref<10240xf32, #tpu.memory_space<vmem_shared>>
      tpu.enqueue_indirect_dma source(%arg7 : memref<128xf32, #tpu.memory_space<vmem>>) target(%dma_start3A_46 : memref<10240xf32, #tpu.memory_space<vmem_shared>>) offsets(%dma_start3A_44 : memref<128xi32, #tpu.memory_space<vmem>>) semaphore(%arg11 : memref<!tpu.dma_semaphore, #tpu.memory_space<semaphore_mem>>) {add = true}
      %add3A_47 = arith.constant 4 : i32
      %add3A_48 = arith.addi %add3A_19, %add3A_47 : i32
      %dma_start3A_49 = arith.constant 0 : i32
      %dma_start3A_50 = tpu.memref_slice %arg8[%add3A_48, %dma_start3A_49] : memref<160x128xi32, #tpu.memory_space<vmem>> -> memref<1x128xi32, #tpu.memory_space<vmem>>
      %dma_start3A_51 = tpu.memref_squeeze %dma_start3A_50 : memref<1x128xi32, #tpu.memory_space<vmem>> -> memref<128xi32, #tpu.memory_space<vmem>>
      %dma_start3A_52 = arith.constant 0 : i32
      %dma_start3A_53 = tpu.memref_slice %arg6[%dma_start3A_52] : memref<10240xf32, #tpu.memory_space<vmem_shared>> -> memref<10240xf32, #tpu.memory_space<vmem_shared>>
      tpu.enqueue_indirect_dma source(%arg7 : memref<128xf32, #tpu.memory_space<vmem>>) target(%dma_start3A_53 : memref<10240xf32, #tpu.memory_space<vmem_shared>>) offsets(%dma_start3A_51 : memref<128xi32, #tpu.memory_space<vmem>>) semaphore(%arg11 : memref<!tpu.dma_semaphore, #tpu.memory_space<semaphore_mem>>) {add = true}
      %add3A_54 = arith.constant 5 : i32
      %add3A_55 = arith.addi %add3A_19, %add3A_54 : i32
      %dma_start3A_56 = arith.constant 0 : i32
      %dma_start3A_57 = tpu.memref_slice %arg8[%add3A_55, %dma_start3A_56] : memref<160x128xi32, #tpu.memory_space<vmem>> -> memref<1x128xi32, #tpu.memory_space<vmem>>
      %dma_start3A_58 = tpu.memref_squeeze %dma_start3A_57 : memref<1x128xi32, #tpu.memory_space<vmem>> -> memref<128xi32, #tpu.memory_space<vmem>>
      %dma_start3A_59 = arith.constant 0 : i32
      %dma_start3A_60 = tpu.memref_slice %arg6[%dma_start3A_59] : memref<10240xf32, #tpu.memory_space<vmem_shared>> -> memref<10240xf32, #tpu.memory_space<vmem_shared>>
      tpu.enqueue_indirect_dma source(%arg7 : memref<128xf32, #tpu.memory_space<vmem>>) target(%dma_start3A_60 : memref<10240xf32, #tpu.memory_space<vmem_shared>>) offsets(%dma_start3A_58 : memref<128xi32, #tpu.memory_space<vmem>>) semaphore(%arg11 : memref<!tpu.dma_semaphore, #tpu.memory_space<semaphore_mem>>) {add = true}
      %add3A_61 = arith.constant 6 : i32
      %add3A_62 = arith.addi %add3A_19, %add3A_61 : i32
      %dma_start3A_63 = arith.constant 0 : i32
      %dma_start3A_64 = tpu.memref_slice %arg8[%add3A_62, %dma_start3A_63] : memref<160x128xi32, #tpu.memory_space<vmem>> -> memref<1x128xi32, #tpu.memory_space<vmem>>
      %dma_start3A_65 = tpu.memref_squeeze %dma_start3A_64 : memref<1x128xi32, #tpu.memory_space<vmem>> -> memref<128xi32, #tpu.memory_space<vmem>>
      %dma_start3A_66 = arith.constant 0 : i32
      %dma_start3A_67 = tpu.memref_slice %arg6[%dma_start3A_66] : memref<10240xf32, #tpu.memory_space<vmem_shared>> -> memref<10240xf32, #tpu.memory_space<vmem_shared>>
      tpu.enqueue_indirect_dma source(%arg7 : memref<128xf32, #tpu.memory_space<vmem>>) target(%dma_start3A_67 : memref<10240xf32, #tpu.memory_space<vmem_shared>>) offsets(%dma_start3A_65 : memref<128xi32, #tpu.memory_space<vmem>>) semaphore(%arg11 : memref<!tpu.dma_semaphore, #tpu.memory_space<semaphore_mem>>) {add = true}
      %add3A_68 = arith.constant 7 : i32
      %add3A_69 = arith.addi %add3A_19, %add3A_68 : i32
      %dma_start3A_70 = arith.constant 0 : i32
      %dma_start3A_71 = tpu.memref_slice %arg8[%add3A_69, %dma_start3A_70] : memref<160x128xi32, #tpu.memory_space<vmem>> -> memref<1x128xi32, #tpu.memory_space<vmem>>
      %dma_start3A_72 = tpu.memref_squeeze %dma_start3A_71 : memref<1x128xi32, #tpu.memory_space<vmem>> -> memref<128xi32, #tpu.memory_space<vmem>>
      %dma_start3A_73 = arith.constant 0 : i32
      %dma_start3A_74 = tpu.memref_slice %arg6[%dma_start3A_73] : memref<10240xf32, #tpu.memory_space<vmem_shared>> -> memref<10240xf32, #tpu.memory_space<vmem_shared>>
      tpu.enqueue_indirect_dma source(%arg7 : memref<128xf32, #tpu.memory_space<vmem>>) target(%dma_start3A_74 : memref<10240xf32, #tpu.memory_space<vmem_shared>>) offsets(%dma_start3A_72 : memref<128xi32, #tpu.memory_space<vmem>>) semaphore(%arg11 : memref<!tpu.dma_semaphore, #tpu.memory_space<semaphore_mem>>) {add = true}
      %add3A_75 = arith.constant 8 : i32
      %add3A_76 = arith.addi %add3A_19, %add3A_75 : i32
      %dma_start3A_77 = arith.constant 0 : i32
      %dma_start3A_78 = tpu.memref_slice %arg8[%add3A_76, %dma_start3A_77] : memref<160x128xi32, #tpu.memory_space<vmem>> -> memref<1x128xi32, #tpu.memory_space<vmem>>
      %dma_start3A_79 = tpu.memref_squeeze %dma_start3A_78 : memref<1x128xi32, #tpu.memory_space<vmem>> -> memref<128xi32, #tpu.memory_space<vmem>>
      %dma_start3A_80 = arith.constant 0 : i32
      %dma_start3A_81 = tpu.memref_slice %arg6[%dma_start3A_80] : memref<10240xf32, #tpu.memory_space<vmem_shared>> -> memref<10240xf32, #tpu.memory_space<vmem_shared>>
      tpu.enqueue_indirect_dma source(%arg7 : memref<128xf32, #tpu.memory_space<vmem>>) target(%dma_start3A_81 : memref<10240xf32, #tpu.memory_space<vmem_shared>>) offsets(%dma_start3A_79 : memref<128xi32, #tpu.memory_space<vmem>>) semaphore(%arg11 : memref<!tpu.dma_semaphore, #tpu.memory_space<semaphore_mem>>) {add = true}
      %add3A_82 = arith.constant 9 : i32
      %add3A_83 = arith.addi %add3A_19, %add3A_82 : i32
      %dma_start3A_84 = arith.constant 0 : i32
      %dma_start3A_85 = tpu.memref_slice %arg8[%add3A_83, %dma_start3A_84] : memref<160x128xi32, #tpu.memory_space<vmem>> -> memref<1x128xi32, #tpu.memory_space<vmem>>
      %dma_start3A_86 = tpu.memref_squeeze %dma_start3A_85 : memref<1x128xi32, #tpu.memory_space<vmem>> -> memref<128xi32, #tpu.memory_space<vmem>>
      %dma_start3A_87 = arith.constant 0 : i32
      %dma_start3A_88 = tpu.memref_slice %arg6[%dma_start3A_87] : memref<10240xf32, #tpu.memory_space<vmem_shared>> -> memref<10240xf32, #tpu.memory_space<vmem_shared>>
      tpu.enqueue_indirect_dma source(%arg7 : memref<128xf32, #tpu.memory_space<vmem>>) target(%dma_start3A_88 : memref<10240xf32, #tpu.memory_space<vmem_shared>>) offsets(%dma_start3A_86 : memref<128xi32, #tpu.memory_space<vmem>>) semaphore(%arg11 : memref<!tpu.dma_semaphore, #tpu.memory_space<semaphore_mem>>) {add = true}
      %add3A_89 = arith.constant 10 : i32
      %add3A_90 = arith.addi %add3A_19, %add3A_89 : i32
      %dma_start3A_91 = arith.constant 0 : i32
      %dma_start3A_92 = tpu.memref_slice %arg8[%add3A_90, %dma_start3A_91] : memref<160x128xi32, #tpu.memory_space<vmem>> -> memref<1x128xi32, #tpu.memory_space<vmem>>
      %dma_start3A_93 = tpu.memref_squeeze %dma_start3A_92 : memref<1x128xi32, #tpu.memory_space<vmem>> -> memref<128xi32, #tpu.memory_space<vmem>>
      %dma_start3A_94 = arith.constant 0 : i32
      %dma_start3A_95 = tpu.memref_slice %arg6[%dma_start3A_94] : memref<10240xf32, #tpu.memory_space<vmem_shared>> -> memref<10240xf32, #tpu.memory_space<vmem_shared>>
      tpu.enqueue_indirect_dma source(%arg7 : memref<128xf32, #tpu.memory_space<vmem>>) target(%dma_start3A_95 : memref<10240xf32, #tpu.memory_space<vmem_shared>>) offsets(%dma_start3A_93 : memref<128xi32, #tpu.memory_space<vmem>>) semaphore(%arg11 : memref<!tpu.dma_semaphore, #tpu.memory_space<semaphore_mem>>) {add = true}
      %add3A_96 = arith.constant 11 : i32
      %add3A_97 = arith.addi %add3A_19, %add3A_96 : i32
      %dma_start3A_98 = arith.constant 0 : i32
      %dma_start3A_99 = tpu.memref_slice %arg8[%add3A_97, %dma_start3A_98] : memref<160x128xi32, #tpu.memory_space<vmem>> -> memref<1x128xi32, #tpu.memory_space<vmem>>
      %dma_start3A_100 = tpu.memref_squeeze %dma_start3A_99 : memref<1x128xi32, #tpu.memory_space<vmem>> -> memref<128xi32, #tpu.memory_space<vmem>>
      %dma_start3A_101 = arith.constant 0 : i32
      %dma_start3A_102 = tpu.memref_slice %arg6[%dma_start3A_101] : memref<10240xf32, #tpu.memory_space<vmem_shared>> -> memref<10240xf32, #tpu.memory_space<vmem_shared>>
      tpu.enqueue_indirect_dma source(%arg7 : memref<128xf32, #tpu.memory_space<vmem>>) target(%dma_start3A_102 : memref<10240xf32, #tpu.memory_space<vmem_shared>>) offsets(%dma_start3A_100 : memref<128xi32, #tpu.memory_space<vmem>>) semaphore(%arg11 : memref<!tpu.dma_semaphore, #tpu.memory_space<semaphore_mem>>) {add = true}
      %add3A_103 = arith.constant 12 : i32
      %add3A_104 = arith.addi %add3A_19, %add3A_103 : i32
      %dma_start3A_105 = arith.constant 0 : i32
      %dma_start3A_106 = tpu.memref_slice %arg8[%add3A_104, %dma_start3A_105] : memref<160x128xi32, #tpu.memory_space<vmem>> -> memref<1x128xi32, #tpu.memory_space<vmem>>
      %dma_start3A_107 = tpu.memref_squeeze %dma_start3A_106 : memref<1x128xi32, #tpu.memory_space<vmem>> -> memref<128xi32, #tpu.memory_space<vmem>>
      %dma_start3A_108 = arith.constant 0 : i32
      %dma_start3A_109 = tpu.memref_slice %arg6[%dma_start3A_108] : memref<10240xf32, #tpu.memory_space<vmem_shared>> -> memref<10240xf32, #tpu.memory_space<vmem_shared>>
      tpu.enqueue_indirect_dma source(%arg7 : memref<128xf32, #tpu.memory_space<vmem>>) target(%dma_start3A_109 : memref<10240xf32, #tpu.memory_space<vmem_shared>>) offsets(%dma_start3A_107 : memref<128xi32, #tpu.memory_space<vmem>>) semaphore(%arg11 : memref<!tpu.dma_semaphore, #tpu.memory_space<semaphore_mem>>) {add = true}
      %add3A_110 = arith.constant 13 : i32
      %add3A_111 = arith.addi %add3A_19, %add3A_110 : i32
      %dma_start3A_112 = arith.constant 0 : i32
      %dma_start3A_113 = tpu.memref_slice %arg8[%add3A_111, %dma_start3A_112] : memref<160x128xi32, #tpu.memory_space<vmem>> -> memref<1x128xi32, #tpu.memory_space<vmem>>
      %dma_start3A_114 = tpu.memref_squeeze %dma_start3A_113 : memref<1x128xi32, #tpu.memory_space<vmem>> -> memref<128xi32, #tpu.memory_space<vmem>>
      %dma_start3A_115 = arith.constant 0 : i32
      %dma_start3A_116 = tpu.memref_slice %arg6[%dma_start3A_115] : memref<10240xf32, #tpu.memory_space<vmem_shared>> -> memref<10240xf32, #tpu.memory_space<vmem_shared>>
      tpu.enqueue_indirect_dma source(%arg7 : memref<128xf32, #tpu.memory_space<vmem>>) target(%dma_start3A_116 : memref<10240xf32, #tpu.memory_space<vmem_shared>>) offsets(%dma_start3A_114 : memref<128xi32, #tpu.memory_space<vmem>>) semaphore(%arg11 : memref<!tpu.dma_semaphore, #tpu.memory_space<semaphore_mem>>) {add = true}
      %add3A_117 = arith.constant 14 : i32
      %add3A_118 = arith.addi %add3A_19, %add3A_117 : i32
      %dma_start3A_119 = arith.constant 0 : i32
      %dma_start3A_120 = tpu.memref_slice %arg8[%add3A_118, %dma_start3A_119] : memref<160x128xi32, #tpu.memory_space<vmem>> -> memref<1x128xi32, #tpu.memory_space<vmem>>
      %dma_start3A_121 = tpu.memref_squeeze %dma_start3A_120 : memref<1x128xi32, #tpu.memory_space<vmem>> -> memref<128xi32, #tpu.memory_space<vmem>>
      %dma_start3A_122 = arith.constant 0 : i32
      %dma_start3A_123 = tpu.memref_slice %arg6[%dma_start3A_122] : memref<10240xf32, #tpu.memory_space<vmem_shared>> -> memref<10240xf32, #tpu.memory_space<vmem_shared>>
      tpu.enqueue_indirect_dma source(%arg7 : memref<128xf32, #tpu.memory_space<vmem>>) target(%dma_start3A_123 : memref<10240xf32, #tpu.memory_space<vmem_shared>>) offsets(%dma_start3A_121 : memref<128xi32, #tpu.memory_space<vmem>>) semaphore(%arg11 : memref<!tpu.dma_semaphore, #tpu.memory_space<semaphore_mem>>) {add = true}
      %add3A_124 = arith.constant 15 : i32
      %add3A_125 = arith.addi %add3A_19, %add3A_124 : i32
      %dma_start3A_126 = arith.constant 0 : i32
      %dma_start3A_127 = tpu.memref_slice %arg8[%add3A_125, %dma_start3A_126] : memref<160x128xi32, #tpu.memory_space<vmem>> -> memref<1x128xi32, #tpu.memory_space<vmem>>
      %dma_start3A_128 = tpu.memref_squeeze %dma_start3A_127 : memref<1x128xi32, #tpu.memory_space<vmem>> -> memref<128xi32, #tpu.memory_space<vmem>>
      %dma_start3A_129 = arith.constant 0 : i32
      %dma_start3A_130 = tpu.memref_slice %arg6[%dma_start3A_129] : memref<10240xf32, #tpu.memory_space<vmem_shared>> -> memref<10240xf32, #tpu.memory_space<vmem_shared>>
      tpu.enqueue_indirect_dma source(%arg7 : memref<128xf32, #tpu.memory_space<vmem>>) target(%dma_start3A_130 : memref<10240xf32, #tpu.memory_space<vmem_shared>>) offsets(%dma_start3A_128 : memref<128xi32, #tpu.memory_space<vmem>>) semaphore(%arg11 : memref<!tpu.dma_semaphore, #tpu.memory_space<semaphore_mem>>) {add = true}
      %dma_wait3A = arith.constant 0 : i32
      %dma_wait3A_131 = tpu.memref_slice %arg8[%add3A_21, %dma_wait3A] : memref<160x128xi32, #tpu.memory_space<vmem>> -> memref<1x128xi32, #tpu.memory_space<vmem>>
      %dma_wait3A_132 = tpu.memref_squeeze %dma_wait3A_131 : memref<1x128xi32, #tpu.memory_space<vmem>> -> memref<128xi32, #tpu.memory_space<vmem>>
      %dma_wait3A_133 = arith.constant 0 : i32
      %dma_wait3A_134 = tpu.memref_slice %arg6[%dma_wait3A_133] : memref<10240xf32, #tpu.memory_space<vmem_shared>> -> memref<10240xf32, #tpu.memory_space<vmem_shared>>
      tpu.wait_indirect_dma semaphore(%arg11 : memref<!tpu.dma_semaphore, #tpu.memory_space<semaphore_mem>>) src(%arg7 : memref<128xf32, #tpu.memory_space<vmem>>) dst(%dma_wait3A_134 : memref<10240xf32, #tpu.memory_space<vmem_shared>>)
      %dma_wait3A_135 = arith.constant 0 : i32
      %dma_wait3A_136 = tpu.memref_slice %arg8[%add3A_27, %dma_wait3A_135] : memref<160x128xi32, #tpu.memory_space<vmem>> -> memref<1x128xi32, #tpu.memory_space<vmem>>
      %dma_wait3A_137 = tpu.memref_squeeze %dma_wait3A_136 : memref<1x128xi32, #tpu.memory_space<vmem>> -> memref<128xi32, #tpu.memory_space<vmem>>
      %dma_wait3A_138 = arith.constant 0 : i32
      %dma_wait3A_139 = tpu.memref_slice %arg6[%dma_wait3A_138] : memref<10240xf32, #tpu.memory_space<vmem_shared>> -> memref<10240xf32, #tpu.memory_space<vmem_shared>>
      tpu.wait_indirect_dma semaphore(%arg11 : memref<!tpu.dma_semaphore, #tpu.memory_space<semaphore_mem>>) src(%arg7 : memref<128xf32, #tpu.memory_space<vmem>>) dst(%dma_wait3A_139 : memref<10240xf32, #tpu.memory_space<vmem_shared>>)
      %dma_wait3A_140 = arith.constant 0 : i32
      %dma_wait3A_141 = tpu.memref_slice %arg8[%add3A_34, %dma_wait3A_140] : memref<160x128xi32, #tpu.memory_space<vmem>> -> memref<1x128xi32, #tpu.memory_space<vmem>>
      %dma_wait3A_142 = tpu.memref_squeeze %dma_wait3A_141 : memref<1x128xi32, #tpu.memory_space<vmem>> -> memref<128xi32, #tpu.memory_space<vmem>>
      %dma_wait3A_143 = arith.constant 0 : i32
      %dma_wait3A_144 = tpu.memref_slice %arg6[%dma_wait3A_143] : memref<10240xf32, #tpu.memory_space<vmem_shared>> -> memref<10240xf32, #tpu.memory_space<vmem_shared>>
      tpu.wait_indirect_dma semaphore(%arg11 : memref<!tpu.dma_semaphore, #tpu.memory_space<semaphore_mem>>) src(%arg7 : memref<128xf32, #tpu.memory_space<vmem>>) dst(%dma_wait3A_144 : memref<10240xf32, #tpu.memory_space<vmem_shared>>)
      %dma_wait3A_145 = arith.constant 0 : i32
      %dma_wait3A_146 = tpu.memref_slice %arg8[%add3A_41, %dma_wait3A_145] : memref<160x128xi32, #tpu.memory_space<vmem>> -> memref<1x128xi32, #tpu.memory_space<vmem>>
      %dma_wait3A_147 = tpu.memref_squeeze %dma_wait3A_146 : memref<1x128xi32, #tpu.memory_space<vmem>> -> memref<128xi32, #tpu.memory_space<vmem>>
      %dma_wait3A_148 = arith.constant 0 : i32
      %dma_wait3A_149 = tpu.memref_slice %arg6[%dma_wait3A_148] : memref<10240xf32, #tpu.memory_space<vmem_shared>> -> memref<10240xf32, #tpu.memory_space<vmem_shared>>
      tpu.wait_indirect_dma semaphore(%arg11 : memref<!tpu.dma_semaphore, #tpu.memory_space<semaphore_mem>>) src(%arg7 : memref<128xf32, #tpu.memory_space<vmem>>) dst(%dma_wait3A_149 : memref<10240xf32, #tpu.memory_space<vmem_shared>>)
      %dma_wait3A_150 = arith.constant 0 : i32
      %dma_wait3A_151 = tpu.memref_slice %arg8[%add3A_48, %dma_wait3A_150] : memref<160x128xi32, #tpu.memory_space<vmem>> -> memref<1x128xi32, #tpu.memory_space<vmem>>
      %dma_wait3A_152 = tpu.memref_squeeze %dma_wait3A_151 : memref<1x128xi32, #tpu.memory_space<vmem>> -> memref<128xi32, #tpu.memory_space<vmem>>
      %dma_wait3A_153 = arith.constant 0 : i32
      %dma_wait3A_154 = tpu.memref_slice %arg6[%dma_wait3A_153] : memref<10240xf32, #tpu.memory_space<vmem_shared>> -> memref<10240xf32, #tpu.memory_space<vmem_shared>>
      tpu.wait_indirect_dma semaphore(%arg11 : memref<!tpu.dma_semaphore, #tpu.memory_space<semaphore_mem>>) src(%arg7 : memref<128xf32, #tpu.memory_space<vmem>>) dst(%dma_wait3A_154 : memref<10240xf32, #tpu.memory_space<vmem_shared>>)
      %dma_wait3A_155 = arith.constant 0 : i32
      %dma_wait3A_156 = tpu.memref_slice %arg8[%add3A_55, %dma_wait3A_155] : memref<160x128xi32, #tpu.memory_space<vmem>> -> memref<1x128xi32, #tpu.memory_space<vmem>>
      %dma_wait3A_157 = tpu.memref_squeeze %dma_wait3A_156 : memref<1x128xi32, #tpu.memory_space<vmem>> -> memref<128xi32, #tpu.memory_space<vmem>>
      %dma_wait3A_158 = arith.constant 0 : i32
      %dma_wait3A_159 = tpu.memref_slice %arg6[%dma_wait3A_158] : memref<10240xf32, #tpu.memory_space<vmem_shared>> -> memref<10240xf32, #tpu.memory_space<vmem_shared>>
      tpu.wait_indirect_dma semaphore(%arg11 : memref<!tpu.dma_semaphore, #tpu.memory_space<semaphore_mem>>) src(%arg7 : memref<128xf32, #tpu.memory_space<vmem>>) dst(%dma_wait3A_159 : memref<10240xf32, #tpu.memory_space<vmem_shared>>)
      %dma_wait3A_160 = arith.constant 0 : i32
      %dma_wait3A_161 = tpu.memref_slice %arg8[%add3A_62, %dma_wait3A_160] : memref<160x128xi32, #tpu.memory_space<vmem>> -> memref<1x128xi32, #tpu.memory_space<vmem>>
      %dma_wait3A_162 = tpu.memref_squeeze %dma_wait3A_161 : memref<1x128xi32, #tpu.memory_space<vmem>> -> memref<128xi32, #tpu.memory_space<vmem>>
      %dma_wait3A_163 = arith.constant 0 : i32
      %dma_wait3A_164 = tpu.memref_slice %arg6[%dma_wait3A_163] : memref<10240xf32, #tpu.memory_space<vmem_shared>> -> memref<10240xf32, #tpu.memory_space<vmem_shared>>
      tpu.wait_indirect_dma semaphore(%arg11 : memref<!tpu.dma_semaphore, #tpu.memory_space<semaphore_mem>>) src(%arg7 : memref<128xf32, #tpu.memory_space<vmem>>) dst(%dma_wait3A_164 : memref<10240xf32, #tpu.memory_space<vmem_shared>>)
      %dma_wait3A_165 = arith.constant 0 : i32
      %dma_wait3A_166 = tpu.memref_slice %arg8[%add3A_69, %dma_wait3A_165] : memref<160x128xi32, #tpu.memory_space<vmem>> -> memref<1x128xi32, #tpu.memory_space<vmem>>
      %dma_wait3A_167 = tpu.memref_squeeze %dma_wait3A_166 : memref<1x128xi32, #tpu.memory_space<vmem>> -> memref<128xi32, #tpu.memory_space<vmem>>
      %dma_wait3A_168 = arith.constant 0 : i32
      %dma_wait3A_169 = tpu.memref_slice %arg6[%dma_wait3A_168] : memref<10240xf32, #tpu.memory_space<vmem_shared>> -> memref<10240xf32, #tpu.memory_space<vmem_shared>>
      tpu.wait_indirect_dma semaphore(%arg11 : memref<!tpu.dma_semaphore, #tpu.memory_space<semaphore_mem>>) src(%arg7 : memref<128xf32, #tpu.memory_space<vmem>>) dst(%dma_wait3A_169 : memref<10240xf32, #tpu.memory_space<vmem_shared>>)
      %dma_wait3A_170 = arith.constant 0 : i32
      %dma_wait3A_171 = tpu.memref_slice %arg8[%add3A_76, %dma_wait3A_170] : memref<160x128xi32, #tpu.memory_space<vmem>> -> memref<1x128xi32, #tpu.memory_space<vmem>>
      %dma_wait3A_172 = tpu.memref_squeeze %dma_wait3A_171 : memref<1x128xi32, #tpu.memory_space<vmem>> -> memref<128xi32, #tpu.memory_space<vmem>>
      %dma_wait3A_173 = arith.constant 0 : i32
      %dma_wait3A_174 = tpu.memref_slice %arg6[%dma_wait3A_173] : memref<10240xf32, #tpu.memory_space<vmem_shared>> -> memref<10240xf32, #tpu.memory_space<vmem_shared>>
      tpu.wait_indirect_dma semaphore(%arg11 : memref<!tpu.dma_semaphore, #tpu.memory_space<semaphore_mem>>) src(%arg7 : memref<128xf32, #tpu.memory_space<vmem>>) dst(%dma_wait3A_174 : memref<10240xf32, #tpu.memory_space<vmem_shared>>)
      %dma_wait3A_175 = arith.constant 0 : i32
      %dma_wait3A_176 = tpu.memref_slice %arg8[%add3A_83, %dma_wait3A_175] : memref<160x128xi32, #tpu.memory_space<vmem>> -> memref<1x128xi32, #tpu.memory_space<vmem>>
      %dma_wait3A_177 = tpu.memref_squeeze %dma_wait3A_176 : memref<1x128xi32, #tpu.memory_space<vmem>> -> memref<128xi32, #tpu.memory_space<vmem>>
      %dma_wait3A_178 = arith.constant 0 : i32
      %dma_wait3A_179 = tpu.memref_slice %arg6[%dma_wait3A_178] : memref<10240xf32, #tpu.memory_space<vmem_shared>> -> memref<10240xf32, #tpu.memory_space<vmem_shared>>
      tpu.wait_indirect_dma semaphore(%arg11 : memref<!tpu.dma_semaphore, #tpu.memory_space<semaphore_mem>>) src(%arg7 : memref<128xf32, #tpu.memory_space<vmem>>) dst(%dma_wait3A_179 : memref<10240xf32, #tpu.memory_space<vmem_shared>>)
      %dma_wait3A_180 = arith.constant 0 : i32
      %dma_wait3A_181 = tpu.memref_slice %arg8[%add3A_90, %dma_wait3A_180] : memref<160x128xi32, #tpu.memory_space<vmem>> -> memref<1x128xi32, #tpu.memory_space<vmem>>
      %dma_wait3A_182 = tpu.memref_squeeze %dma_wait3A_181 : memref<1x128xi32, #tpu.memory_space<vmem>> -> memref<128xi32, #tpu.memory_space<vmem>>
      %dma_wait3A_183 = arith.constant 0 : i32
      %dma_wait3A_184 = tpu.memref_slice %arg6[%dma_wait3A_183] : memref<10240xf32, #tpu.memory_space<vmem_shared>> -> memref<10240xf32, #tpu.memory_space<vmem_shared>>
      tpu.wait_indirect_dma semaphore(%arg11 : memref<!tpu.dma_semaphore, #tpu.memory_space<semaphore_mem>>) src(%arg7 : memref<128xf32, #tpu.memory_space<vmem>>) dst(%dma_wait3A_184 : memref<10240xf32, #tpu.memory_space<vmem_shared>>)
      %dma_wait3A_185 = arith.constant 0 : i32
      %dma_wait3A_186 = tpu.memref_slice %arg8[%add3A_97, %dma_wait3A_185] : memref<160x128xi32, #tpu.memory_space<vmem>> -> memref<1x128xi32, #tpu.memory_space<vmem>>
      %dma_wait3A_187 = tpu.memref_squeeze %dma_wait3A_186 : memref<1x128xi32, #tpu.memory_space<vmem>> -> memref<128xi32, #tpu.memory_space<vmem>>
      %dma_wait3A_188 = arith.constant 0 : i32
      %dma_wait3A_189 = tpu.memref_slice %arg6[%dma_wait3A_188] : memref<10240xf32, #tpu.memory_space<vmem_shared>> -> memref<10240xf32, #tpu.memory_space<vmem_shared>>
      tpu.wait_indirect_dma semaphore(%arg11 : memref<!tpu.dma_semaphore, #tpu.memory_space<semaphore_mem>>) src(%arg7 : memref<128xf32, #tpu.memory_space<vmem>>) dst(%dma_wait3A_189 : memref<10240xf32, #tpu.memory_space<vmem_shared>>)
      %dma_wait3A_190 = arith.constant 0 : i32
      %dma_wait3A_191 = tpu.memref_slice %arg8[%add3A_104, %dma_wait3A_190] : memref<160x128xi32, #tpu.memory_space<vmem>> -> memref<1x128xi32, #tpu.memory_space<vmem>>
      %dma_wait3A_192 = tpu.memref_squeeze %dma_wait3A_191 : memref<1x128xi32, #tpu.memory_space<vmem>> -> memref<128xi32, #tpu.memory_space<vmem>>
      %dma_wait3A_193 = arith.constant 0 : i32
      %dma_wait3A_194 = tpu.memref_slice %arg6[%dma_wait3A_193] : memref<10240xf32, #tpu.memory_space<vmem_shared>> -> memref<10240xf32, #tpu.memory_space<vmem_shared>>
      tpu.wait_indirect_dma semaphore(%arg11 : memref<!tpu.dma_semaphore, #tpu.memory_space<semaphore_mem>>) src(%arg7 : memref<128xf32, #tpu.memory_space<vmem>>) dst(%dma_wait3A_194 : memref<10240xf32, #tpu.memory_space<vmem_shared>>)
      %dma_wait3A_195 = arith.constant 0 : i32
      %dma_wait3A_196 = tpu.memref_slice %arg8[%add3A_111, %dma_wait3A_195] : memref<160x128xi32, #tpu.memory_space<vmem>> -> memref<1x128xi32, #tpu.memory_space<vmem>>
      %dma_wait3A_197 = tpu.memref_squeeze %dma_wait3A_196 : memref<1x128xi32, #tpu.memory_space<vmem>> -> memref<128xi32, #tpu.memory_space<vmem>>
      %dma_wait3A_198 = arith.constant 0 : i32
      %dma_wait3A_199 = tpu.memref_slice %arg6[%dma_wait3A_198] : memref<10240xf32, #tpu.memory_space<vmem_shared>> -> memref<10240xf32, #tpu.memory_space<vmem_shared>>
      tpu.wait_indirect_dma semaphore(%arg11 : memref<!tpu.dma_semaphore, #tpu.memory_space<semaphore_mem>>) src(%arg7 : memref<128xf32, #tpu.memory_space<vmem>>) dst(%dma_wait3A_199 : memref<10240xf32, #tpu.memory_space<vmem_shared>>)
      %dma_wait3A_200 = arith.constant 0 : i32
      %dma_wait3A_201 = tpu.memref_slice %arg8[%add3A_118, %dma_wait3A_200] : memref<160x128xi32, #tpu.memory_space<vmem>> -> memref<1x128xi32, #tpu.memory_space<vmem>>
      %dma_wait3A_202 = tpu.memref_squeeze %dma_wait3A_201 : memref<1x128xi32, #tpu.memory_space<vmem>> -> memref<128xi32, #tpu.memory_space<vmem>>
      %dma_wait3A_203 = arith.constant 0 : i32
      %dma_wait3A_204 = tpu.memref_slice %arg6[%dma_wait3A_203] : memref<10240xf32, #tpu.memory_space<vmem_shared>> -> memref<10240xf32, #tpu.memory_space<vmem_shared>>
      tpu.wait_indirect_dma semaphore(%arg11 : memref<!tpu.dma_semaphore, #tpu.memory_space<semaphore_mem>>) src(%arg7 : memref<128xf32, #tpu.memory_space<vmem>>) dst(%dma_wait3A_204 : memref<10240xf32, #tpu.memory_space<vmem_shared>>)
      %dma_wait3A_205 = arith.constant 0 : i32
      %dma_wait3A_206 = tpu.memref_slice %arg8[%add3A_125, %dma_wait3A_205] : memref<160x128xi32, #tpu.memory_space<vmem>> -> memref<1x128xi32, #tpu.memory_space<vmem>>
      %dma_wait3A_207 = tpu.memref_squeeze %dma_wait3A_206 : memref<1x128xi32, #tpu.memory_space<vmem>> -> memref<128xi32, #tpu.memory_space<vmem>>
      %dma_wait3A_208 = arith.constant 0 : i32
      %dma_wait3A_209 = tpu.memref_slice %arg6[%dma_wait3A_208] : memref<10240xf32, #tpu.memory_space<vmem_shared>> -> memref<10240xf32, #tpu.memory_space<vmem_shared>>
      tpu.wait_indirect_dma semaphore(%arg11 : memref<!tpu.dma_semaphore, #tpu.memory_space<semaphore_mem>>) src(%arg7 : memref<128xf32, #tpu.memory_space<vmem>>) dst(%dma_wait3A_209 : memref<10240xf32, #tpu.memory_space<vmem_shared>>)
    }
    %scan3A_4 = arith.constant 10 : i32
    %barrier3A_5 = arith.constant 0 : index
    tpu.barrier barrier_id(%barrier3A_5)
    %mul3A_6 = arith.constant 640 : i32
    %mul3A_7 = arith.muli %arg1, %mul3A_6 : i32
    "tpu.region"() ({
      %run_scoped3A = tpu.sem_alloc : memref<!tpu.dma_semaphore, #tpu.memory_space<semaphore_mem>>
      %dma_start3A = tpu.memref_slice %arg6[%mul3A_7] : memref<10240xf32, #tpu.memory_space<vmem_shared>> -> memref<640xf32, #tpu.memory_space<vmem_shared>>
      %dma_start3A_16 = tpu.memref_slice %arg6[%mul3A_7] : memref<10240xf32, #tpu.memory_space<vmem_shared>> -> memref<640xf32, #tpu.memory_space<vmem_shared>>
      tpu.enqueue_dma source(%dma_start3A_16 : memref<640xf32, #tpu.memory_space<vmem_shared>>) target(%arg9 : memref<640xf32, #tpu.memory_space<vmem>>) target_semaphore(%run_scoped3A : memref<!tpu.dma_semaphore, #tpu.memory_space<semaphore_mem>>)
      %dma_wait3A = tpu.memref_slice %arg6[%mul3A_7] : memref<10240xf32, #tpu.memory_space<vmem_shared>> -> memref<640xf32, #tpu.memory_space<vmem_shared>>
      %dma_wait3A_17 = tpu.memref_slice %arg6[%mul3A_7] : memref<10240xf32, #tpu.memory_space<vmem_shared>> -> memref<640xf32, #tpu.memory_space<vmem_shared>>
      tpu.wait_dma2 semaphore(%run_scoped3A : memref<!tpu.dma_semaphore, #tpu.memory_space<semaphore_mem>>) src(%dma_wait3A_17 : memref<640xf32, #tpu.memory_space<vmem_shared>>) dst(%arg9 : memref<640xf32, #tpu.memory_space<vmem>>)
      tpu.yield
    }) : () -> ()
    %scan3A_8 = arith.constant 0 : i32
    %scan3A_9 = arith.constant 0 : i32
    %scan3A_10 = arith.constant 40 : i32
    %scan3A_11 = arith.addi %scan3A_9, %scan3A_10 : i32
    %scan3A_12 = arith.constant 1 : i32
    scf.for %scan3A_16 = %scan3A_9 to %scan3A_11 step %scan3A_12  : i32 {
      %mul3A_17 = arith.constant 16 : i32
      %mul3A_18 = arith.muli %scan3A_16, %mul3A_17 : i32
      %get3A = arith.index_cast %mul3A_18 : i32 to index
      %get3A_19 = tpu.vector_load %arg9[%get3A] {strides = array<i32>} : memref<640xf32, #tpu.memory_space<vmem>>, vector<16xf32>,
      %get3A_20 = vector.shape_cast %get3A_19 : vector<16xf32> to vector<16xf32>
      %max3A = arith.constant 1.000000e+00 : f32
      %max3A_21 = vector.broadcast %max3A : f32 to vector<16xf32>
      %max3A_22 = arith.maximumf %get3A_20, %max3A_21 : vector<16xf32>
      %bitcast_convert_type3A = tpu.bitcast %max3A_22 : vector<16xf32> -> vector<16xi32>
      %shift_right_logical3A = arith.constant 1 : i32
      %shift_right_logical3A_23 = vector.broadcast %shift_right_logical3A : i32 to vector<16xi32>
      %shift_right_logical3A_24 = arith.shrui %bitcast_convert_type3A, %shift_right_logical3A_23 : vector<16xi32>
      %sub3A = arith.constant 1597463007 : i32
      %sub3A_25 = vector.broadcast %sub3A : i32 to vector<16xi32>
      %sub3A_26 = arith.subi %sub3A_25, %shift_right_logical3A_24 : vector<16xi32>
      %bitcast_convert_type3A_27 = tpu.bitcast %sub3A_26 : vector<16xi32> -> vector<16xf32>
      %mul3A_28 = arith.constant 5.000000e-01 : f32
      %mul3A_29 = vector.broadcast %mul3A_28 : f32 to vector<16xf32>
      %mul3A_30 = arith.mulf %mul3A_29, %max3A_22 : vector<16xf32>
      %mul3A_31 = arith.mulf %mul3A_30, %bitcast_convert_type3A_27 : vector<16xf32>
      %mul3A_32 = arith.mulf %mul3A_31, %bitcast_convert_type3A_27 : vector<16xf32>
      %sub3A_33 = arith.constant 1.500000e+00 : f32
      %sub3A_34 = vector.broadcast %sub3A_33 : f32 to vector<16xf32>
      %sub3A_35 = arith.subf %sub3A_34, %mul3A_32 : vector<16xf32>
      %mul3A_36 = arith.mulf %bitcast_convert_type3A_27, %sub3A_35 : vector<16xf32>
      %mul3A_37 = arith.constant 5.000000e-01 : f32
      %mul3A_38 = vector.broadcast %mul3A_37 : f32 to vector<16xf32>
      %mul3A_39 = arith.mulf %mul3A_38, %max3A_22 : vector<16xf32>
      %mul3A_40 = arith.mulf %mul3A_39, %mul3A_36 : vector<16xf32>
      %mul3A_41 = arith.mulf %mul3A_40, %mul3A_36 : vector<16xf32>
      %sub3A_42 = arith.constant 1.500000e+00 : f32
      %sub3A_43 = vector.broadcast %sub3A_42 : f32 to vector<16xf32>
      %sub3A_44 = arith.subf %sub3A_43, %mul3A_41 : vector<16xf32>
      %mul3A_45 = arith.mulf %mul3A_36, %sub3A_44 : vector<16xf32>
      %mul3A_46 = arith.constant 5.000000e-01 : f32
      %mul3A_47 = vector.broadcast %mul3A_46 : f32 to vector<16xf32>
      %mul3A_48 = arith.mulf %mul3A_47, %max3A_22 : vector<16xf32>
      %mul3A_49 = arith.mulf %mul3A_48, %mul3A_45 : vector<16xf32>
      %mul3A_50 = arith.mulf %mul3A_49, %mul3A_45 : vector<16xf32>
      %sub3A_51 = arith.constant 1.500000e+00 : f32
      %sub3A_52 = vector.broadcast %sub3A_51 : f32 to vector<16xf32>
      %sub3A_53 = arith.subf %sub3A_52, %mul3A_50 : vector<16xf32>
      %mul3A_54 = arith.mulf %mul3A_45, %sub3A_53 : vector<16xf32>
      %mul3A_55 = arith.constant 16 : i32
      %mul3A_56 = arith.muli %scan3A_16, %mul3A_55 : i32
      %swap3A = arith.index_cast %mul3A_56 : i32 to index
      %swap3A_57 = tpu.vector_load %arg10[%swap3A] {strides = array<i32>} : memref<640xf32, #tpu.memory_space<vmem>>, vector<16xf32>,
      %swap3A_58 = vector.shape_cast %swap3A_57 : vector<16xf32> to vector<16xf32>
      %swap3A_59 = vector.shape_cast %mul3A_54 : vector<16xf32> to vector<16xf32>
      tpu.vector_store %arg10[%swap3A], %swap3A_59 {strides = array<i32>} : memref<640xf32, #tpu.memory_space<vmem>>, vector<16xf32>,
    }
    %scan3A_13 = arith.constant 40 : i32
    %mul3A_14 = arith.constant 640 : i32
    %mul3A_15 = arith.muli %arg1, %mul3A_14 : i32
    "tpu.region"() ({
      %run_scoped3A = tpu.sem_alloc : memref<!tpu.dma_semaphore, #tpu.memory_space<semaphore_mem>>
      %dma_start3A = tpu.memref_slice %arg5[%arg0, %mul3A_15] : memref<2x10240xf32, #tpu.memory_space<hbm>> -> memref<1x640xf32, #tpu.memory_space<hbm>>
      %dma_start3A_16 = tpu.memref_squeeze %dma_start3A : memref<1x640xf32, #tpu.memory_space<hbm>> -> memref<640xf32, #tpu.memory_space<hbm>>
      %dma_start3A_17 = tpu.memref_slice %arg5[%arg0, %mul3A_15] : memref<2x10240xf32, #tpu.memory_space<hbm>> -> memref<1x640xf32, #tpu.memory_space<hbm>>
      %dma_start3A_18 = tpu.memref_squeeze %dma_start3A_17 : memref<1x640xf32, #tpu.memory_space<hbm>> -> memref<640xf32, #tpu.memory_space<hbm>>
      tpu.enqueue_dma source(%arg10 : memref<640xf32, #tpu.memory_space<vmem>>) target(%dma_start3A_18 : memref<640xf32, #tpu.memory_space<hbm>>) target_semaphore(%run_scoped3A : memref<!tpu.dma_semaphore, #tpu.memory_space<semaphore_mem>>)
      %dma_wait3A = tpu.memref_slice %arg5[%arg0, %mul3A_15] : memref<2x10240xf32, #tpu.memory_space<hbm>> -> memref<1x640xf32, #tpu.memory_space<hbm>>
      %dma_wait3A_19 = tpu.memref_squeeze %dma_wait3A : memref<1x640xf32, #tpu.memory_space<hbm>> -> memref<640xf32, #tpu.memory_space<hbm>>
      %dma_wait3A_20 = tpu.memref_slice %arg5[%arg0, %mul3A_15] : memref<2x10240xf32, #tpu.memory_space<hbm>> -> memref<1x640xf32, #tpu.memory_space<hbm>>
      %dma_wait3A_21 = tpu.memref_squeeze %dma_wait3A_20 : memref<1x640xf32, #tpu.memory_space<hbm>> -> memref<640xf32, #tpu.memory_space<hbm>>
      tpu.wait_dma2 semaphore(%run_scoped3A : memref<!tpu.dma_semaphore, #tpu.memory_space<semaphore_mem>>) src(%arg10 : memref<640xf32, #tpu.memory_space<vmem>>) dst(%dma_wait3A_21 : memref<640xf32, #tpu.memory_space<hbm>>)
      tpu.yield
    }) : () -> ()
    return
  }
}

#map = affine_map<(d0, d1) -> (0, 0)>
#map1 = affine_map<(d0, d1) -> (0)>
#map2 = affine_map<(d0, d1) -> (0, 0, 0)>
module attributes {stable_mosaic.version = 14 : i64} {
  func.func @kern(%arg0: i32, %arg1: i32, %arg2: memref<10000x128xf32, #tpu.memory_space<hbm>>, %arg3: memref<327680xi32, #tpu.memory_space<hbm>>, %arg4: memref<327680xi32, #tpu.memory_space<hbm>>, %arg5: memref<128x128xf32, #tpu.memory_space<hbm>>, %arg6: memref<2x10240x128xf32, #tpu.memory_space<hbm>>, %arg7: memref<10240x128xf32, #tpu.memory_space<vmem_shared>>, %arg8: memref<128xi32, #tpu.memory_space<vmem>>, %arg9: memref<128xi32, #tpu.memory_space<vmem>>, %arg10: memref<128x128xf32, #tpu.memory_space<vmem>>, %arg11: memref<!tpu.dma_semaphore, #tpu.memory_space<semaphore_mem>>) attributes {dimension_semantics = [#tpu.dimension_semantics<core_parallel>, #tpu.dimension_semantics<subcore_parallel>], iteration_bounds = array<i64: 2, 16>, scalar_prefetch = 0 : i64, scratch_operands = 5 : i64, tpu.core_type = #tpu.core_type<sc_vector_subcore>, window_params = [{transform_indices = #map}, {transform_indices = #map1}, {transform_indices = #map1}, {transform_indices = #map}, {transform_indices = #map2}]} {
    %mul3A = arith.constant 16 : i32
    %mul3A_0 = arith.muli %arg0, %mul3A : i32
    %add3A = arith.addi %mul3A_0, %arg1 : i32
    %mul3A_1 = arith.constant 640 : i32
    %mul3A_2 = arith.muli %arg1, %mul3A_1 : i32
    %add3A_3 = arith.constant 0 : i32
    %add3A_4 = arith.addi %mul3A_2, %add3A_3 : i32
    "tpu.region"() ({
      %run_scoped3A = tpu.sem_alloc : memref<!tpu.dma_semaphore, #tpu.memory_space<semaphore_mem>>
      %dma_start3A = arith.constant 0 : i32
      %dma_start3A_49 = tpu.memref_slice %arg7[%add3A_4, %dma_start3A] : memref<10240x128xf32, #tpu.memory_space<vmem_shared>> -> memref<128x128xf32, #tpu.memory_space<vmem_shared>>
      tpu.enqueue_dma source(%arg5 : memref<128x128xf32, #tpu.memory_space<hbm>>) target(%dma_start3A_49 : memref<128x128xf32, #tpu.memory_space<vmem_shared>>) target_semaphore(%run_scoped3A : memref<!tpu.dma_semaphore, #tpu.memory_space<semaphore_mem>>)
      %dma_wait3A = arith.constant 0 : i32
      %dma_wait3A_50 = tpu.memref_slice %arg7[%add3A_4, %dma_wait3A] : memref<10240x128xf32, #tpu.memory_space<vmem_shared>> -> memref<128x128xf32, #tpu.memory_space<vmem_shared>>
      tpu.wait_dma2 semaphore(%run_scoped3A : memref<!tpu.dma_semaphore, #tpu.memory_space<semaphore_mem>>) src(%arg5 : memref<128x128xf32, #tpu.memory_space<hbm>>) dst(%dma_wait3A_50 : memref<128x128xf32, #tpu.memory_space<vmem_shared>>)
      tpu.yield
    }) : () -> ()
    %mul3A_5 = arith.constant 640 : i32
    %mul3A_6 = arith.muli %arg1, %mul3A_5 : i32
    %add3A_7 = arith.constant 128 : i32
    %add3A_8 = arith.addi %mul3A_6, %add3A_7 : i32
    "tpu.region"() ({
      %run_scoped3A = tpu.sem_alloc : memref<!tpu.dma_semaphore, #tpu.memory_space<semaphore_mem>>
      %dma_start3A = arith.constant 0 : i32
      %dma_start3A_49 = tpu.memref_slice %arg7[%add3A_8, %dma_start3A] : memref<10240x128xf32, #tpu.memory_space<vmem_shared>> -> memref<128x128xf32, #tpu.memory_space<vmem_shared>>
      tpu.enqueue_dma source(%arg5 : memref<128x128xf32, #tpu.memory_space<hbm>>) target(%dma_start3A_49 : memref<128x128xf32, #tpu.memory_space<vmem_shared>>) target_semaphore(%run_scoped3A : memref<!tpu.dma_semaphore, #tpu.memory_space<semaphore_mem>>)
      %dma_wait3A = arith.constant 0 : i32
      %dma_wait3A_50 = tpu.memref_slice %arg7[%add3A_8, %dma_wait3A] : memref<10240x128xf32, #tpu.memory_space<vmem_shared>> -> memref<128x128xf32, #tpu.memory_space<vmem_shared>>
      tpu.wait_dma2 semaphore(%run_scoped3A : memref<!tpu.dma_semaphore, #tpu.memory_space<semaphore_mem>>) src(%arg5 : memref<128x128xf32, #tpu.memory_space<hbm>>) dst(%dma_wait3A_50 : memref<128x128xf32, #tpu.memory_space<vmem_shared>>)
      tpu.yield
    }) : () -> ()
    %mul3A_9 = arith.constant 640 : i32
    %mul3A_10 = arith.muli %arg1, %mul3A_9 : i32
    %add3A_11 = arith.constant 256 : i32
    %add3A_12 = arith.addi %mul3A_10, %add3A_11 : i32
    "tpu.region"() ({
      %run_scoped3A = tpu.sem_alloc : memref<!tpu.dma_semaphore, #tpu.memory_space<semaphore_mem>>
      %dma_start3A = arith.constant 0 : i32
      %dma_start3A_49 = tpu.memref_slice %arg7[%add3A_12, %dma_start3A] : memref<10240x128xf32, #tpu.memory_space<vmem_shared>> -> memref<128x128xf32, #tpu.memory_space<vmem_shared>>
      tpu.enqueue_dma source(%arg5 : memref<128x128xf32, #tpu.memory_space<hbm>>) target(%dma_start3A_49 : memref<128x128xf32, #tpu.memory_space<vmem_shared>>) target_semaphore(%run_scoped3A : memref<!tpu.dma_semaphore, #tpu.memory_space<semaphore_mem>>)
      %dma_wait3A = arith.constant 0 : i32
      %dma_wait3A_50 = tpu.memref_slice %arg7[%add3A_12, %dma_wait3A] : memref<10240x128xf32, #tpu.memory_space<vmem_shared>> -> memref<128x128xf32, #tpu.memory_space<vmem_shared>>
      tpu.wait_dma2 semaphore(%run_scoped3A : memref<!tpu.dma_semaphore, #tpu.memory_space<semaphore_mem>>) src(%arg5 : memref<128x128xf32, #tpu.memory_space<hbm>>) dst(%dma_wait3A_50 : memref<128x128xf32, #tpu.memory_space<vmem_shared>>)
      tpu.yield
    }) : () -> ()
    %mul3A_13 = arith.constant 640 : i32
    %mul3A_14 = arith.muli %arg1, %mul3A_13 : i32
    %add3A_15 = arith.constant 384 : i32
    %add3A_16 = arith.addi %mul3A_14, %add3A_15 : i32
    "tpu.region"() ({
      %run_scoped3A = tpu.sem_alloc : memref<!tpu.dma_semaphore, #tpu.memory_space<semaphore_mem>>
      %dma_start3A = arith.constant 0 : i32
      %dma_start3A_49 = tpu.memref_slice %arg7[%add3A_16, %dma_start3A] : memref<10240x128xf32, #tpu.memory_space<vmem_shared>> -> memref<128x128xf32, #tpu.memory_space<vmem_shared>>
      tpu.enqueue_dma source(%arg5 : memref<128x128xf32, #tpu.memory_space<hbm>>) target(%dma_start3A_49 : memref<128x128xf32, #tpu.memory_space<vmem_shared>>) target_semaphore(%run_scoped3A : memref<!tpu.dma_semaphore, #tpu.memory_space<semaphore_mem>>)
      %dma_wait3A = arith.constant 0 : i32
      %dma_wait3A_50 = tpu.memref_slice %arg7[%add3A_16, %dma_wait3A] : memref<10240x128xf32, #tpu.memory_space<vmem_shared>> -> memref<128x128xf32, #tpu.memory_space<vmem_shared>>
      tpu.wait_dma2 semaphore(%run_scoped3A : memref<!tpu.dma_semaphore, #tpu.memory_space<semaphore_mem>>) src(%arg5 : memref<128x128xf32, #tpu.memory_space<hbm>>) dst(%dma_wait3A_50 : memref<128x128xf32, #tpu.memory_space<vmem_shared>>)
      tpu.yield
    }) : () -> ()
    %mul3A_17 = arith.constant 640 : i32
    %mul3A_18 = arith.muli %arg1, %mul3A_17 : i32
    %add3A_19 = arith.constant 512 : i32
    %add3A_20 = arith.addi %mul3A_18, %add3A_19 : i32
    "tpu.region"() ({
      %run_scoped3A = tpu.sem_alloc : memref<!tpu.dma_semaphore, #tpu.memory_space<semaphore_mem>>
      %dma_start3A = arith.constant 0 : i32
      %dma_start3A_49 = tpu.memref_slice %arg7[%add3A_20, %dma_start3A] : memref<10240x128xf32, #tpu.memory_space<vmem_shared>> -> memref<128x128xf32, #tpu.memory_space<vmem_shared>>
      tpu.enqueue_dma source(%arg5 : memref<128x128xf32, #tpu.memory_space<hbm>>) target(%dma_start3A_49 : memref<128x128xf32, #tpu.memory_space<vmem_shared>>) target_semaphore(%run_scoped3A : memref<!tpu.dma_semaphore, #tpu.memory_space<semaphore_mem>>)
      %dma_wait3A = arith.constant 0 : i32
      %dma_wait3A_50 = tpu.memref_slice %arg7[%add3A_20, %dma_wait3A] : memref<10240x128xf32, #tpu.memory_space<vmem_shared>> -> memref<128x128xf32, #tpu.memory_space<vmem_shared>>
      tpu.wait_dma2 semaphore(%run_scoped3A : memref<!tpu.dma_semaphore, #tpu.memory_space<semaphore_mem>>) src(%arg5 : memref<128x128xf32, #tpu.memory_space<hbm>>) dst(%dma_wait3A_50 : memref<128x128xf32, #tpu.memory_space<vmem_shared>>)
      tpu.yield
    }) : () -> ()
    %barrier3A = arith.constant 0 : index
    tpu.barrier barrier_id(%barrier3A)
    %mul3A_21 = arith.constant 10240 : i32
    %mul3A_22 = arith.muli %add3A, %mul3A_21 : i32
    %scan3A = arith.constant 0 : i32
    %scan3A_23 = arith.constant 0 : i32
    %scan3A_24 = arith.constant 80 : i32
    %scan3A_25 = arith.addi %scan3A_23, %scan3A_24 : i32
    %scan3A_26 = arith.constant 1 : i32
    scf.for %scan3A_49 = %scan3A_23 to %scan3A_25 step %scan3A_26  : i32 {
      %mul3A_50 = arith.constant 128 : i32
      %mul3A_51 = arith.muli %scan3A_49, %mul3A_50 : i32
      %add3A_52 = arith.addi %mul3A_22, %mul3A_51 : i32
      "tpu.region"() ({
        %run_scoped3A = tpu.sem_alloc : memref<!tpu.dma_semaphore, #tpu.memory_space<semaphore_mem>>
        %dma_start3A_57 = tpu.memref_slice %arg3[%add3A_52] : memref<327680xi32, #tpu.memory_space<hbm>> -> memref<128xi32, #tpu.memory_space<hbm>>
        %dma_start3A_58 = tpu.memref_slice %arg3[%add3A_52] : memref<327680xi32, #tpu.memory_space<hbm>> -> memref<128xi32, #tpu.memory_space<hbm>>
        tpu.enqueue_dma source(%dma_start3A_58 : memref<128xi32, #tpu.memory_space<hbm>>) target(%arg8 : memref<128xi32, #tpu.memory_space<vmem>>) target_semaphore(%run_scoped3A : memref<!tpu.dma_semaphore, #tpu.memory_space<semaphore_mem>>)
        %dma_wait3A_59 = tpu.memref_slice %arg3[%add3A_52] : memref<327680xi32, #tpu.memory_space<hbm>> -> memref<128xi32, #tpu.memory_space<hbm>>
        %dma_wait3A_60 = tpu.memref_slice %arg3[%add3A_52] : memref<327680xi32, #tpu.memory_space<hbm>> -> memref<128xi32, #tpu.memory_space<hbm>>
        tpu.wait_dma2 semaphore(%run_scoped3A : memref<!tpu.dma_semaphore, #tpu.memory_space<semaphore_mem>>) src(%dma_wait3A_60 : memref<128xi32, #tpu.memory_space<hbm>>) dst(%arg8 : memref<128xi32, #tpu.memory_space<vmem>>)
        tpu.yield
      }) : () -> ()
      "tpu.region"() ({
        %run_scoped3A = tpu.sem_alloc : memref<!tpu.dma_semaphore, #tpu.memory_space<semaphore_mem>>
        %dma_start3A_57 = tpu.memref_slice %arg4[%add3A_52] : memref<327680xi32, #tpu.memory_space<hbm>> -> memref<128xi32, #tpu.memory_space<hbm>>
        %dma_start3A_58 = tpu.memref_slice %arg4[%add3A_52] : memref<327680xi32, #tpu.memory_space<hbm>> -> memref<128xi32, #tpu.memory_space<hbm>>
        tpu.enqueue_dma source(%dma_start3A_58 : memref<128xi32, #tpu.memory_space<hbm>>) target(%arg9 : memref<128xi32, #tpu.memory_space<vmem>>) target_semaphore(%run_scoped3A : memref<!tpu.dma_semaphore, #tpu.memory_space<semaphore_mem>>)
        %dma_wait3A_59 = tpu.memref_slice %arg4[%add3A_52] : memref<327680xi32, #tpu.memory_space<hbm>> -> memref<128xi32, #tpu.memory_space<hbm>>
        %dma_wait3A_60 = tpu.memref_slice %arg4[%add3A_52] : memref<327680xi32, #tpu.memory_space<hbm>> -> memref<128xi32, #tpu.memory_space<hbm>>
        tpu.wait_dma2 semaphore(%run_scoped3A : memref<!tpu.dma_semaphore, #tpu.memory_space<semaphore_mem>>) src(%dma_wait3A_60 : memref<128xi32, #tpu.memory_space<hbm>>) dst(%arg9 : memref<128xi32, #tpu.memory_space<vmem>>)
        tpu.yield
      }) : () -> ()
      %dma_start3A = arith.constant 0 : i32
      %dma_start3A_53 = arith.constant 0 : i32
      %dma_start3A_54 = tpu.memref_slice %arg2[%dma_start3A, %dma_start3A_53] : memref<10000x128xf32, #tpu.memory_space<hbm>> -> memref<10000x128xf32, #tpu.memory_space<hbm>>
      tpu.enqueue_indirect_dma source(%dma_start3A_54 : memref<10000x128xf32, #tpu.memory_space<hbm>>) target(%arg10 : memref<128x128xf32, #tpu.memory_space<vmem>>) offsets(%arg8 : memref<128xi32, #tpu.memory_space<vmem>>) semaphore(%arg11 : memref<!tpu.dma_semaphore, #tpu.memory_space<semaphore_mem>>)
      %dma_wait3A = arith.constant 0 : i32
      %dma_wait3A_55 = arith.constant 0 : i32
      %dma_wait3A_56 = tpu.memref_slice %arg2[%dma_wait3A, %dma_wait3A_55] : memref<10000x128xf32, #tpu.memory_space<hbm>> -> memref<10000x128xf32, #tpu.memory_space<hbm>>
      tpu.wait_indirect_dma semaphore(%arg11 : memref<!tpu.dma_semaphore, #tpu.memory_space<semaphore_mem>>) src(%dma_wait3A_56 : memref<10000x128xf32, #tpu.memory_space<hbm>>) dst(%arg10 : memref<128x128xf32, #tpu.memory_space<vmem>>)
      "tpu.region"() ({
        %run_scoped3A = tpu.sem_alloc : memref<!tpu.dma_semaphore, #tpu.memory_space<semaphore_mem>>
        %dma_start3A_57 = arith.constant 0 : i32
        %dma_start3A_58 = arith.constant 0 : i32
        %dma_start3A_59 = tpu.memref_slice %arg7[%dma_start3A_57, %dma_start3A_58] : memref<10240x128xf32, #tpu.memory_space<vmem_shared>> -> memref<10240x128xf32, #tpu.memory_space<vmem_shared>>
        tpu.enqueue_indirect_dma source(%arg10 : memref<128x128xf32, #tpu.memory_space<vmem>>) target(%dma_start3A_59 : memref<10240x128xf32, #tpu.memory_space<vmem_shared>>) offsets(%arg9 : memref<128xi32, #tpu.memory_space<vmem>>) semaphore(%run_scoped3A : memref<!tpu.dma_semaphore, #tpu.memory_space<semaphore_mem>>) {add = true}
        %dma_wait3A_60 = arith.constant 0 : i32
        %dma_wait3A_61 = arith.constant 0 : i32
        %dma_wait3A_62 = tpu.memref_slice %arg7[%dma_wait3A_60, %dma_wait3A_61] : memref<10240x128xf32, #tpu.memory_space<vmem_shared>> -> memref<10240x128xf32, #tpu.memory_space<vmem_shared>>
        tpu.wait_indirect_dma semaphore(%run_scoped3A : memref<!tpu.dma_semaphore, #tpu.memory_space<semaphore_mem>>) src(%arg10 : memref<128x128xf32, #tpu.memory_space<vmem>>) dst(%dma_wait3A_62 : memref<10240x128xf32, #tpu.memory_space<vmem_shared>>)
        tpu.yield
      }) : () -> ()
    }
    %scan3A_27 = arith.constant 80 : i32
    %barrier3A_28 = arith.constant 0 : index
    tpu.barrier barrier_id(%barrier3A_28)
    %mul3A_29 = arith.constant 640 : i32
    %mul3A_30 = arith.muli %arg1, %mul3A_29 : i32
    %add3A_31 = arith.constant 0 : i32
    %add3A_32 = arith.addi %mul3A_30, %add3A_31 : i32
    "tpu.region"() ({
      %run_scoped3A = tpu.sem_alloc : memref<!tpu.dma_semaphore, #tpu.memory_space<semaphore_mem>>
      %dma_start3A = arith.constant 0 : i32
      %dma_start3A_49 = tpu.memref_slice %arg6[%arg0, %add3A_32, %dma_start3A] : memref<2x10240x128xf32, #tpu.memory_space<hbm>> -> memref<1x128x128xf32, #tpu.memory_space<hbm>>
      %dma_start3A_50 = tpu.memref_squeeze %dma_start3A_49 : memref<1x128x128xf32, #tpu.memory_space<hbm>> -> memref<128x128xf32, #tpu.memory_space<hbm>>
      %dma_start3A_51 = arith.constant 0 : i32
      %dma_start3A_52 = tpu.memref_slice %arg7[%add3A_32, %dma_start3A_51] : memref<10240x128xf32, #tpu.memory_space<vmem_shared>> -> memref<128x128xf32, #tpu.memory_space<vmem_shared>>
      tpu.enqueue_dma source(%dma_start3A_52 : memref<128x128xf32, #tpu.memory_space<vmem_shared>>) target(%dma_start3A_50 : memref<128x128xf32, #tpu.memory_space<hbm>>) target_semaphore(%run_scoped3A : memref<!tpu.dma_semaphore, #tpu.memory_space<semaphore_mem>>)
      %dma_wait3A = arith.constant 0 : i32
      %dma_wait3A_53 = tpu.memref_slice %arg6[%arg0, %add3A_32, %dma_wait3A] : memref<2x10240x128xf32, #tpu.memory_space<hbm>> -> memref<1x128x128xf32, #tpu.memory_space<hbm>>
      %dma_wait3A_54 = tpu.memref_squeeze %dma_wait3A_53 : memref<1x128x128xf32, #tpu.memory_space<hbm>> -> memref<128x128xf32, #tpu.memory_space<hbm>>
      %dma_wait3A_55 = arith.constant 0 : i32
      %dma_wait3A_56 = tpu.memref_slice %arg7[%add3A_32, %dma_wait3A_55] : memref<10240x128xf32, #tpu.memory_space<vmem_shared>> -> memref<128x128xf32, #tpu.memory_space<vmem_shared>>
      tpu.wait_dma2 semaphore(%run_scoped3A : memref<!tpu.dma_semaphore, #tpu.memory_space<semaphore_mem>>) src(%dma_wait3A_56 : memref<128x128xf32, #tpu.memory_space<vmem_shared>>) dst(%dma_wait3A_54 : memref<128x128xf32, #tpu.memory_space<hbm>>)
      tpu.yield
    }) : () -> ()
    %mul3A_33 = arith.constant 640 : i32
    %mul3A_34 = arith.muli %arg1, %mul3A_33 : i32
    %add3A_35 = arith.constant 128 : i32
    %add3A_36 = arith.addi %mul3A_34, %add3A_35 : i32
    "tpu.region"() ({
      %run_scoped3A = tpu.sem_alloc : memref<!tpu.dma_semaphore, #tpu.memory_space<semaphore_mem>>
      %dma_start3A = arith.constant 0 : i32
      %dma_start3A_49 = tpu.memref_slice %arg6[%arg0, %add3A_36, %dma_start3A] : memref<2x10240x128xf32, #tpu.memory_space<hbm>> -> memref<1x128x128xf32, #tpu.memory_space<hbm>>
      %dma_start3A_50 = tpu.memref_squeeze %dma_start3A_49 : memref<1x128x128xf32, #tpu.memory_space<hbm>> -> memref<128x128xf32, #tpu.memory_space<hbm>>
      %dma_start3A_51 = arith.constant 0 : i32
      %dma_start3A_52 = tpu.memref_slice %arg7[%add3A_36, %dma_start3A_51] : memref<10240x128xf32, #tpu.memory_space<vmem_shared>> -> memref<128x128xf32, #tpu.memory_space<vmem_shared>>
      tpu.enqueue_dma source(%dma_start3A_52 : memref<128x128xf32, #tpu.memory_space<vmem_shared>>) target(%dma_start3A_50 : memref<128x128xf32, #tpu.memory_space<hbm>>) target_semaphore(%run_scoped3A : memref<!tpu.dma_semaphore, #tpu.memory_space<semaphore_mem>>)
      %dma_wait3A = arith.constant 0 : i32
      %dma_wait3A_53 = tpu.memref_slice %arg6[%arg0, %add3A_36, %dma_wait3A] : memref<2x10240x128xf32, #tpu.memory_space<hbm>> -> memref<1x128x128xf32, #tpu.memory_space<hbm>>
      %dma_wait3A_54 = tpu.memref_squeeze %dma_wait3A_53 : memref<1x128x128xf32, #tpu.memory_space<hbm>> -> memref<128x128xf32, #tpu.memory_space<hbm>>
      %dma_wait3A_55 = arith.constant 0 : i32
      %dma_wait3A_56 = tpu.memref_slice %arg7[%add3A_36, %dma_wait3A_55] : memref<10240x128xf32, #tpu.memory_space<vmem_shared>> -> memref<128x128xf32, #tpu.memory_space<vmem_shared>>
      tpu.wait_dma2 semaphore(%run_scoped3A : memref<!tpu.dma_semaphore, #tpu.memory_space<semaphore_mem>>) src(%dma_wait3A_56 : memref<128x128xf32, #tpu.memory_space<vmem_shared>>) dst(%dma_wait3A_54 : memref<128x128xf32, #tpu.memory_space<hbm>>)
      tpu.yield
    }) : () -> ()
    %mul3A_37 = arith.constant 640 : i32
    %mul3A_38 = arith.muli %arg1, %mul3A_37 : i32
    %add3A_39 = arith.constant 256 : i32
    %add3A_40 = arith.addi %mul3A_38, %add3A_39 : i32
    "tpu.region"() ({
      %run_scoped3A = tpu.sem_alloc : memref<!tpu.dma_semaphore, #tpu.memory_space<semaphore_mem>>
      %dma_start3A = arith.constant 0 : i32
      %dma_start3A_49 = tpu.memref_slice %arg6[%arg0, %add3A_40, %dma_start3A] : memref<2x10240x128xf32, #tpu.memory_space<hbm>> -> memref<1x128x128xf32, #tpu.memory_space<hbm>>
      %dma_start3A_50 = tpu.memref_squeeze %dma_start3A_49 : memref<1x128x128xf32, #tpu.memory_space<hbm>> -> memref<128x128xf32, #tpu.memory_space<hbm>>
      %dma_start3A_51 = arith.constant 0 : i32
      %dma_start3A_52 = tpu.memref_slice %arg7[%add3A_40, %dma_start3A_51] : memref<10240x128xf32, #tpu.memory_space<vmem_shared>> -> memref<128x128xf32, #tpu.memory_space<vmem_shared>>
      tpu.enqueue_dma source(%dma_start3A_52 : memref<128x128xf32, #tpu.memory_space<vmem_shared>>) target(%dma_start3A_50 : memref<128x128xf32, #tpu.memory_space<hbm>>) target_semaphore(%run_scoped3A : memref<!tpu.dma_semaphore, #tpu.memory_space<semaphore_mem>>)
      %dma_wait3A = arith.constant 0 : i32
      %dma_wait3A_53 = tpu.memref_slice %arg6[%arg0, %add3A_40, %dma_wait3A] : memref<2x10240x128xf32, #tpu.memory_space<hbm>> -> memref<1x128x128xf32, #tpu.memory_space<hbm>>
      %dma_wait3A_54 = tpu.memref_squeeze %dma_wait3A_53 : memref<1x128x128xf32, #tpu.memory_space<hbm>> -> memref<128x128xf32, #tpu.memory_space<hbm>>
      %dma_wait3A_55 = arith.constant 0 : i32
      %dma_wait3A_56 = tpu.memref_slice %arg7[%add3A_40, %dma_wait3A_55] : memref<10240x128xf32, #tpu.memory_space<vmem_shared>> -> memref<128x128xf32, #tpu.memory_space<vmem_shared>>
      tpu.wait_dma2 semaphore(%run_scoped3A : memref<!tpu.dma_semaphore, #tpu.memory_space<semaphore_mem>>) src(%dma_wait3A_56 : memref<128x128xf32, #tpu.memory_space<vmem_shared>>) dst(%dma_wait3A_54 : memref<128x128xf32, #tpu.memory_space<hbm>>)
      tpu.yield
    }) : () -> ()
    %mul3A_41 = arith.constant 640 : i32
    %mul3A_42 = arith.muli %arg1, %mul3A_41 : i32
    %add3A_43 = arith.constant 384 : i32
    %add3A_44 = arith.addi %mul3A_42, %add3A_43 : i32
    "tpu.region"() ({
      %run_scoped3A = tpu.sem_alloc : memref<!tpu.dma_semaphore, #tpu.memory_space<semaphore_mem>>
      %dma_start3A = arith.constant 0 : i32
      %dma_start3A_49 = tpu.memref_slice %arg6[%arg0, %add3A_44, %dma_start3A] : memref<2x10240x128xf32, #tpu.memory_space<hbm>> -> memref<1x128x128xf32, #tpu.memory_space<hbm>>
      %dma_start3A_50 = tpu.memref_squeeze %dma_start3A_49 : memref<1x128x128xf32, #tpu.memory_space<hbm>> -> memref<128x128xf32, #tpu.memory_space<hbm>>
      %dma_start3A_51 = arith.constant 0 : i32
      %dma_start3A_52 = tpu.memref_slice %arg7[%add3A_44, %dma_start3A_51] : memref<10240x128xf32, #tpu.memory_space<vmem_shared>> -> memref<128x128xf32, #tpu.memory_space<vmem_shared>>
      tpu.enqueue_dma source(%dma_start3A_52 : memref<128x128xf32, #tpu.memory_space<vmem_shared>>) target(%dma_start3A_50 : memref<128x128xf32, #tpu.memory_space<hbm>>) target_semaphore(%run_scoped3A : memref<!tpu.dma_semaphore, #tpu.memory_space<semaphore_mem>>)
      %dma_wait3A = arith.constant 0 : i32
      %dma_wait3A_53 = tpu.memref_slice %arg6[%arg0, %add3A_44, %dma_wait3A] : memref<2x10240x128xf32, #tpu.memory_space<hbm>> -> memref<1x128x128xf32, #tpu.memory_space<hbm>>
      %dma_wait3A_54 = tpu.memref_squeeze %dma_wait3A_53 : memref<1x128x128xf32, #tpu.memory_space<hbm>> -> memref<128x128xf32, #tpu.memory_space<hbm>>
      %dma_wait3A_55 = arith.constant 0 : i32
      %dma_wait3A_56 = tpu.memref_slice %arg7[%add3A_44, %dma_wait3A_55] : memref<10240x128xf32, #tpu.memory_space<vmem_shared>> -> memref<128x128xf32, #tpu.memory_space<vmem_shared>>
      tpu.wait_dma2 semaphore(%run_scoped3A : memref<!tpu.dma_semaphore, #tpu.memory_space<semaphore_mem>>) src(%dma_wait3A_56 : memref<128x128xf32, #tpu.memory_space<vmem_shared>>) dst(%dma_wait3A_54 : memref<128x128xf32, #tpu.memory_space<hbm>>)
      tpu.yield
    }) : () -> ()
    %mul3A_45 = arith.constant 640 : i32
    %mul3A_46 = arith.muli %arg1, %mul3A_45 : i32
    %add3A_47 = arith.constant 512 : i32
    %add3A_48 = arith.addi %mul3A_46, %add3A_47 : i32
    "tpu.region"() ({
      %run_scoped3A = tpu.sem_alloc : memref<!tpu.dma_semaphore, #tpu.memory_space<semaphore_mem>>
      %dma_start3A = arith.constant 0 : i32
      %dma_start3A_49 = tpu.memref_slice %arg6[%arg0, %add3A_48, %dma_start3A] : memref<2x10240x128xf32, #tpu.memory_space<hbm>> -> memref<1x128x128xf32, #tpu.memory_space<hbm>>
      %dma_start3A_50 = tpu.memref_squeeze %dma_start3A_49 : memref<1x128x128xf32, #tpu.memory_space<hbm>> -> memref<128x128xf32, #tpu.memory_space<hbm>>
      %dma_start3A_51 = arith.constant 0 : i32
      %dma_start3A_52 = tpu.memref_slice %arg7[%add3A_48, %dma_start3A_51] : memref<10240x128xf32, #tpu.memory_space<vmem_shared>> -> memref<128x128xf32, #tpu.memory_space<vmem_shared>>
      tpu.enqueue_dma source(%dma_start3A_52 : memref<128x128xf32, #tpu.memory_space<vmem_shared>>) target(%dma_start3A_50 : memref<128x128xf32, #tpu.memory_space<hbm>>) target_semaphore(%run_scoped3A : memref<!tpu.dma_semaphore, #tpu.memory_space<semaphore_mem>>)
      %dma_wait3A = arith.constant 0 : i32
      %dma_wait3A_53 = tpu.memref_slice %arg6[%arg0, %add3A_48, %dma_wait3A] : memref<2x10240x128xf32, #tpu.memory_space<hbm>> -> memref<1x128x128xf32, #tpu.memory_space<hbm>>
      %dma_wait3A_54 = tpu.memref_squeeze %dma_wait3A_53 : memref<1x128x128xf32, #tpu.memory_space<hbm>> -> memref<128x128xf32, #tpu.memory_space<hbm>>
      %dma_wait3A_55 = arith.constant 0 : i32
      %dma_wait3A_56 = tpu.memref_slice %arg7[%add3A_48, %dma_wait3A_55] : memref<10240x128xf32, #tpu.memory_space<vmem_shared>> -> memref<128x128xf32, #tpu.memory_space<vmem_shared>>
      tpu.wait_dma2 semaphore(%run_scoped3A : memref<!tpu.dma_semaphore, #tpu.memory_space<semaphore_mem>>) src(%dma_wait3A_56 : memref<128x128xf32, #tpu.memory_space<vmem_shared>>) dst(%dma_wait3A_54 : memref<128x128xf32, #tpu.memory_space<hbm>>)
      tpu.yield
    }) : () -> ()
    return
  }
}

#map = affine_map<(d0, d1) -> (0, 0)>
#map1 = affine_map<(d0, d1) -> (0)>
#map2 = affine_map<(d0, d1) -> (0, 0, 0)>
module attributes {stable_mosaic.version = 14 : i64} {
  func.func @kern(%arg0: i32, %arg1: i32, %arg2: memref<10000x128xf32, #tpu.memory_space<hbm>>, %arg3: memref<327680xi32, #tpu.memory_space<hbm>>, %arg4: memref<327680xi32, #tpu.memory_space<hbm>>, %arg5: memref<128x128xf32, #tpu.memory_space<hbm>>, %arg6: memref<2x10240x128xf32, #tpu.memory_space<hbm>>, %arg7: memref<10240x128xf32, #tpu.memory_space<vmem_shared>>, %arg8: memref<128xi32, #tpu.memory_space<vmem>>, %arg9: memref<128xi32, #tpu.memory_space<vmem>>, %arg10: memref<128x128xf32, #tpu.memory_space<vmem>>, %arg11: memref<!tpu.dma_semaphore, #tpu.memory_space<semaphore_mem>>) attributes {dimension_semantics = [#tpu.dimension_semantics<core_parallel>, #tpu.dimension_semantics<subcore_parallel>], iteration_bounds = array<i64: 2, 16>, scalar_prefetch = 0 : i64, scratch_operands = 5 : i64, tpu.core_type = #tpu.core_type<sc_vector_subcore>, window_params = [{transform_indices = #map}, {transform_indices = #map1}, {transform_indices = #map1}, {transform_indices = #map}, {transform_indices = #map2}]} {
    %mul3A = arith.constant 16 : i32
    %mul3A_0 = arith.muli %arg0, %mul3A : i32
    %add3A = arith.addi %mul3A_0, %arg1 : i32
    %mul3A_1 = arith.constant 640 : i32
    %mul3A_2 = arith.muli %arg1, %mul3A_1 : i32
    %add3A_3 = arith.constant 0 : i32
    %add3A_4 = arith.addi %mul3A_2, %add3A_3 : i32
    "tpu.region"() ({
      %run_scoped3A = tpu.sem_alloc : memref<!tpu.dma_semaphore, #tpu.memory_space<semaphore_mem>>
      %dma_start3A = arith.constant 0 : i32
      %dma_start3A_49 = tpu.memref_slice %arg7[%add3A_4, %dma_start3A] : memref<10240x128xf32, #tpu.memory_space<vmem_shared>> -> memref<128x128xf32, #tpu.memory_space<vmem_shared>>
      tpu.enqueue_dma source(%arg5 : memref<128x128xf32, #tpu.memory_space<hbm>>) target(%dma_start3A_49 : memref<128x128xf32, #tpu.memory_space<vmem_shared>>) target_semaphore(%run_scoped3A : memref<!tpu.dma_semaphore, #tpu.memory_space<semaphore_mem>>)
      %dma_wait3A = arith.constant 0 : i32
      %dma_wait3A_50 = tpu.memref_slice %arg7[%add3A_4, %dma_wait3A] : memref<10240x128xf32, #tpu.memory_space<vmem_shared>> -> memref<128x128xf32, #tpu.memory_space<vmem_shared>>
      tpu.wait_dma2 semaphore(%run_scoped3A : memref<!tpu.dma_semaphore, #tpu.memory_space<semaphore_mem>>) src(%arg5 : memref<128x128xf32, #tpu.memory_space<hbm>>) dst(%dma_wait3A_50 : memref<128x128xf32, #tpu.memory_space<vmem_shared>>)
      tpu.yield
    }) : () -> ()
    %mul3A_5 = arith.constant 640 : i32
    %mul3A_6 = arith.muli %arg1, %mul3A_5 : i32
    %add3A_7 = arith.constant 128 : i32
    %add3A_8 = arith.addi %mul3A_6, %add3A_7 : i32
    "tpu.region"() ({
      %run_scoped3A = tpu.sem_alloc : memref<!tpu.dma_semaphore, #tpu.memory_space<semaphore_mem>>
      %dma_start3A = arith.constant 0 : i32
      %dma_start3A_49 = tpu.memref_slice %arg7[%add3A_8, %dma_start3A] : memref<10240x128xf32, #tpu.memory_space<vmem_shared>> -> memref<128x128xf32, #tpu.memory_space<vmem_shared>>
      tpu.enqueue_dma source(%arg5 : memref<128x128xf32, #tpu.memory_space<hbm>>) target(%dma_start3A_49 : memref<128x128xf32, #tpu.memory_space<vmem_shared>>) target_semaphore(%run_scoped3A : memref<!tpu.dma_semaphore, #tpu.memory_space<semaphore_mem>>)
      %dma_wait3A = arith.constant 0 : i32
      %dma_wait3A_50 = tpu.memref_slice %arg7[%add3A_8, %dma_wait3A] : memref<10240x128xf32, #tpu.memory_space<vmem_shared>> -> memref<128x128xf32, #tpu.memory_space<vmem_shared>>
      tpu.wait_dma2 semaphore(%run_scoped3A : memref<!tpu.dma_semaphore, #tpu.memory_space<semaphore_mem>>) src(%arg5 : memref<128x128xf32, #tpu.memory_space<hbm>>) dst(%dma_wait3A_50 : memref<128x128xf32, #tpu.memory_space<vmem_shared>>)
      tpu.yield
    }) : () -> ()
    %mul3A_9 = arith.constant 640 : i32
    %mul3A_10 = arith.muli %arg1, %mul3A_9 : i32
    %add3A_11 = arith.constant 256 : i32
    %add3A_12 = arith.addi %mul3A_10, %add3A_11 : i32
    "tpu.region"() ({
      %run_scoped3A = tpu.sem_alloc : memref<!tpu.dma_semaphore, #tpu.memory_space<semaphore_mem>>
      %dma_start3A = arith.constant 0 : i32
      %dma_start3A_49 = tpu.memref_slice %arg7[%add3A_12, %dma_start3A] : memref<10240x128xf32, #tpu.memory_space<vmem_shared>> -> memref<128x128xf32, #tpu.memory_space<vmem_shared>>
      tpu.enqueue_dma source(%arg5 : memref<128x128xf32, #tpu.memory_space<hbm>>) target(%dma_start3A_49 : memref<128x128xf32, #tpu.memory_space<vmem_shared>>) target_semaphore(%run_scoped3A : memref<!tpu.dma_semaphore, #tpu.memory_space<semaphore_mem>>)
      %dma_wait3A = arith.constant 0 : i32
      %dma_wait3A_50 = tpu.memref_slice %arg7[%add3A_12, %dma_wait3A] : memref<10240x128xf32, #tpu.memory_space<vmem_shared>> -> memref<128x128xf32, #tpu.memory_space<vmem_shared>>
      tpu.wait_dma2 semaphore(%run_scoped3A : memref<!tpu.dma_semaphore, #tpu.memory_space<semaphore_mem>>) src(%arg5 : memref<128x128xf32, #tpu.memory_space<hbm>>) dst(%dma_wait3A_50 : memref<128x128xf32, #tpu.memory_space<vmem_shared>>)
      tpu.yield
    }) : () -> ()
    %mul3A_13 = arith.constant 640 : i32
    %mul3A_14 = arith.muli %arg1, %mul3A_13 : i32
    %add3A_15 = arith.constant 384 : i32
    %add3A_16 = arith.addi %mul3A_14, %add3A_15 : i32
    "tpu.region"() ({
      %run_scoped3A = tpu.sem_alloc : memref<!tpu.dma_semaphore, #tpu.memory_space<semaphore_mem>>
      %dma_start3A = arith.constant 0 : i32
      %dma_start3A_49 = tpu.memref_slice %arg7[%add3A_16, %dma_start3A] : memref<10240x128xf32, #tpu.memory_space<vmem_shared>> -> memref<128x128xf32, #tpu.memory_space<vmem_shared>>
      tpu.enqueue_dma source(%arg5 : memref<128x128xf32, #tpu.memory_space<hbm>>) target(%dma_start3A_49 : memref<128x128xf32, #tpu.memory_space<vmem_shared>>) target_semaphore(%run_scoped3A : memref<!tpu.dma_semaphore, #tpu.memory_space<semaphore_mem>>)
      %dma_wait3A = arith.constant 0 : i32
      %dma_wait3A_50 = tpu.memref_slice %arg7[%add3A_16, %dma_wait3A] : memref<10240x128xf32, #tpu.memory_space<vmem_shared>> -> memref<128x128xf32, #tpu.memory_space<vmem_shared>>
      tpu.wait_dma2 semaphore(%run_scoped3A : memref<!tpu.dma_semaphore, #tpu.memory_space<semaphore_mem>>) src(%arg5 : memref<128x128xf32, #tpu.memory_space<hbm>>) dst(%dma_wait3A_50 : memref<128x128xf32, #tpu.memory_space<vmem_shared>>)
      tpu.yield
    }) : () -> ()
    %mul3A_17 = arith.constant 640 : i32
    %mul3A_18 = arith.muli %arg1, %mul3A_17 : i32
    %add3A_19 = arith.constant 512 : i32
    %add3A_20 = arith.addi %mul3A_18, %add3A_19 : i32
    "tpu.region"() ({
      %run_scoped3A = tpu.sem_alloc : memref<!tpu.dma_semaphore, #tpu.memory_space<semaphore_mem>>
      %dma_start3A = arith.constant 0 : i32
      %dma_start3A_49 = tpu.memref_slice %arg7[%add3A_20, %dma_start3A] : memref<10240x128xf32, #tpu.memory_space<vmem_shared>> -> memref<128x128xf32, #tpu.memory_space<vmem_shared>>
      tpu.enqueue_dma source(%arg5 : memref<128x128xf32, #tpu.memory_space<hbm>>) target(%dma_start3A_49 : memref<128x128xf32, #tpu.memory_space<vmem_shared>>) target_semaphore(%run_scoped3A : memref<!tpu.dma_semaphore, #tpu.memory_space<semaphore_mem>>)
      %dma_wait3A = arith.constant 0 : i32
      %dma_wait3A_50 = tpu.memref_slice %arg7[%add3A_20, %dma_wait3A] : memref<10240x128xf32, #tpu.memory_space<vmem_shared>> -> memref<128x128xf32, #tpu.memory_space<vmem_shared>>
      tpu.wait_dma2 semaphore(%run_scoped3A : memref<!tpu.dma_semaphore, #tpu.memory_space<semaphore_mem>>) src(%arg5 : memref<128x128xf32, #tpu.memory_space<hbm>>) dst(%dma_wait3A_50 : memref<128x128xf32, #tpu.memory_space<vmem_shared>>)
      tpu.yield
    }) : () -> ()
    %barrier3A = arith.constant 0 : index
    tpu.barrier barrier_id(%barrier3A)
    %mul3A_21 = arith.constant 10240 : i32
    %mul3A_22 = arith.muli %add3A, %mul3A_21 : i32
    %scan3A = arith.constant 0 : i32
    %scan3A_23 = arith.constant 0 : i32
    %scan3A_24 = arith.constant 80 : i32
    %scan3A_25 = arith.addi %scan3A_23, %scan3A_24 : i32
    %scan3A_26 = arith.constant 1 : i32
    scf.for %scan3A_49 = %scan3A_23 to %scan3A_25 step %scan3A_26  : i32 {
      %mul3A_50 = arith.constant 128 : i32
      %mul3A_51 = arith.muli %scan3A_49, %mul3A_50 : i32
      %add3A_52 = arith.addi %mul3A_22, %mul3A_51 : i32
      "tpu.region"() ({
        %run_scoped3A = tpu.sem_alloc : memref<!tpu.dma_semaphore, #tpu.memory_space<semaphore_mem>>
        %dma_start3A_57 = tpu.memref_slice %arg3[%add3A_52] : memref<327680xi32, #tpu.memory_space<hbm>> -> memref<128xi32, #tpu.memory_space<hbm>>
        %dma_start3A_58 = tpu.memref_slice %arg3[%add3A_52] : memref<327680xi32, #tpu.memory_space<hbm>> -> memref<128xi32, #tpu.memory_space<hbm>>
        tpu.enqueue_dma source(%dma_start3A_58 : memref<128xi32, #tpu.memory_space<hbm>>) target(%arg8 : memref<128xi32, #tpu.memory_space<vmem>>) target_semaphore(%run_scoped3A : memref<!tpu.dma_semaphore, #tpu.memory_space<semaphore_mem>>)
        %dma_wait3A_59 = tpu.memref_slice %arg3[%add3A_52] : memref<327680xi32, #tpu.memory_space<hbm>> -> memref<128xi32, #tpu.memory_space<hbm>>
        %dma_wait3A_60 = tpu.memref_slice %arg3[%add3A_52] : memref<327680xi32, #tpu.memory_space<hbm>> -> memref<128xi32, #tpu.memory_space<hbm>>
        tpu.wait_dma2 semaphore(%run_scoped3A : memref<!tpu.dma_semaphore, #tpu.memory_space<semaphore_mem>>) src(%dma_wait3A_60 : memref<128xi32, #tpu.memory_space<hbm>>) dst(%arg8 : memref<128xi32, #tpu.memory_space<vmem>>)
        tpu.yield
      }) : () -> ()
      "tpu.region"() ({
        %run_scoped3A = tpu.sem_alloc : memref<!tpu.dma_semaphore, #tpu.memory_space<semaphore_mem>>
        %dma_start3A_57 = tpu.memref_slice %arg4[%add3A_52] : memref<327680xi32, #tpu.memory_space<hbm>> -> memref<128xi32, #tpu.memory_space<hbm>>
        %dma_start3A_58 = tpu.memref_slice %arg4[%add3A_52] : memref<327680xi32, #tpu.memory_space<hbm>> -> memref<128xi32, #tpu.memory_space<hbm>>
        tpu.enqueue_dma source(%dma_start3A_58 : memref<128xi32, #tpu.memory_space<hbm>>) target(%arg9 : memref<128xi32, #tpu.memory_space<vmem>>) target_semaphore(%run_scoped3A : memref<!tpu.dma_semaphore, #tpu.memory_space<semaphore_mem>>)
        %dma_wait3A_59 = tpu.memref_slice %arg4[%add3A_52] : memref<327680xi32, #tpu.memory_space<hbm>> -> memref<128xi32, #tpu.memory_space<hbm>>
        %dma_wait3A_60 = tpu.memref_slice %arg4[%add3A_52] : memref<327680xi32, #tpu.memory_space<hbm>> -> memref<128xi32, #tpu.memory_space<hbm>>
        tpu.wait_dma2 semaphore(%run_scoped3A : memref<!tpu.dma_semaphore, #tpu.memory_space<semaphore_mem>>) src(%dma_wait3A_60 : memref<128xi32, #tpu.memory_space<hbm>>) dst(%arg9 : memref<128xi32, #tpu.memory_space<vmem>>)
        tpu.yield
      }) : () -> ()
      %dma_start3A = arith.constant 0 : i32
      %dma_start3A_53 = arith.constant 0 : i32
      %dma_start3A_54 = tpu.memref_slice %arg2[%dma_start3A, %dma_start3A_53] : memref<10000x128xf32, #tpu.memory_space<hbm>> -> memref<10000x128xf32, #tpu.memory_space<hbm>>
      tpu.enqueue_indirect_dma source(%dma_start3A_54 : memref<10000x128xf32, #tpu.memory_space<hbm>>) target(%arg10 : memref<128x128xf32, #tpu.memory_space<vmem>>) offsets(%arg8 : memref<128xi32, #tpu.memory_space<vmem>>) semaphore(%arg11 : memref<!tpu.dma_semaphore, #tpu.memory_space<semaphore_mem>>)
      %dma_wait3A = arith.constant 0 : i32
      %dma_wait3A_55 = arith.constant 0 : i32
      %dma_wait3A_56 = tpu.memref_slice %arg2[%dma_wait3A, %dma_wait3A_55] : memref<10000x128xf32, #tpu.memory_space<hbm>> -> memref<10000x128xf32, #tpu.memory_space<hbm>>
      tpu.wait_indirect_dma semaphore(%arg11 : memref<!tpu.dma_semaphore, #tpu.memory_space<semaphore_mem>>) src(%dma_wait3A_56 : memref<10000x128xf32, #tpu.memory_space<hbm>>) dst(%arg10 : memref<128x128xf32, #tpu.memory_space<vmem>>)
      "tpu.region"() ({
        %run_scoped3A = tpu.sem_alloc : memref<!tpu.dma_semaphore, #tpu.memory_space<semaphore_mem>>
        %dma_start3A_57 = arith.constant 0 : i32
        %dma_start3A_58 = arith.constant 0 : i32
        %dma_start3A_59 = tpu.memref_slice %arg7[%dma_start3A_57, %dma_start3A_58] : memref<10240x128xf32, #tpu.memory_space<vmem_shared>> -> memref<10240x128xf32, #tpu.memory_space<vmem_shared>>
        tpu.enqueue_indirect_dma source(%arg10 : memref<128x128xf32, #tpu.memory_space<vmem>>) target(%dma_start3A_59 : memref<10240x128xf32, #tpu.memory_space<vmem_shared>>) offsets(%arg9 : memref<128xi32, #tpu.memory_space<vmem>>) semaphore(%run_scoped3A : memref<!tpu.dma_semaphore, #tpu.memory_space<semaphore_mem>>) {add = true}
        %dma_wait3A_60 = arith.constant 0 : i32
        %dma_wait3A_61 = arith.constant 0 : i32
        %dma_wait3A_62 = tpu.memref_slice %arg7[%dma_wait3A_60, %dma_wait3A_61] : memref<10240x128xf32, #tpu.memory_space<vmem_shared>> -> memref<10240x128xf32, #tpu.memory_space<vmem_shared>>
        tpu.wait_indirect_dma semaphore(%run_scoped3A : memref<!tpu.dma_semaphore, #tpu.memory_space<semaphore_mem>>) src(%arg10 : memref<128x128xf32, #tpu.memory_space<vmem>>) dst(%dma_wait3A_62 : memref<10240x128xf32, #tpu.memory_space<vmem_shared>>)
        tpu.yield
      }) : () -> ()
    }
    %scan3A_27 = arith.constant 80 : i32
    %barrier3A_28 = arith.constant 0 : index
    tpu.barrier barrier_id(%barrier3A_28)
    %mul3A_29 = arith.constant 640 : i32
    %mul3A_30 = arith.muli %arg1, %mul3A_29 : i32
    %add3A_31 = arith.constant 0 : i32
    %add3A_32 = arith.addi %mul3A_30, %add3A_31 : i32
    "tpu.region"() ({
      %run_scoped3A = tpu.sem_alloc : memref<!tpu.dma_semaphore, #tpu.memory_space<semaphore_mem>>
      %dma_start3A = arith.constant 0 : i32
      %dma_start3A_49 = tpu.memref_slice %arg6[%arg0, %add3A_32, %dma_start3A] : memref<2x10240x128xf32, #tpu.memory_space<hbm>> -> memref<1x128x128xf32, #tpu.memory_space<hbm>>
      %dma_start3A_50 = tpu.memref_squeeze %dma_start3A_49 : memref<1x128x128xf32, #tpu.memory_space<hbm>> -> memref<128x128xf32, #tpu.memory_space<hbm>>
      %dma_start3A_51 = arith.constant 0 : i32
      %dma_start3A_52 = tpu.memref_slice %arg7[%add3A_32, %dma_start3A_51] : memref<10240x128xf32, #tpu.memory_space<vmem_shared>> -> memref<128x128xf32, #tpu.memory_space<vmem_shared>>
      tpu.enqueue_dma source(%dma_start3A_52 : memref<128x128xf32, #tpu.memory_space<vmem_shared>>) target(%dma_start3A_50 : memref<128x128xf32, #tpu.memory_space<hbm>>) target_semaphore(%run_scoped3A : memref<!tpu.dma_semaphore, #tpu.memory_space<semaphore_mem>>)
      %dma_wait3A = arith.constant 0 : i32
      %dma_wait3A_53 = tpu.memref_slice %arg6[%arg0, %add3A_32, %dma_wait3A] : memref<2x10240x128xf32, #tpu.memory_space<hbm>> -> memref<1x128x128xf32, #tpu.memory_space<hbm>>
      %dma_wait3A_54 = tpu.memref_squeeze %dma_wait3A_53 : memref<1x128x128xf32, #tpu.memory_space<hbm>> -> memref<128x128xf32, #tpu.memory_space<hbm>>
      %dma_wait3A_55 = arith.constant 0 : i32
      %dma_wait3A_56 = tpu.memref_slice %arg7[%add3A_32, %dma_wait3A_55] : memref<10240x128xf32, #tpu.memory_space<vmem_shared>> -> memref<128x128xf32, #tpu.memory_space<vmem_shared>>
      tpu.wait_dma2 semaphore(%run_scoped3A : memref<!tpu.dma_semaphore, #tpu.memory_space<semaphore_mem>>) src(%dma_wait3A_56 : memref<128x128xf32, #tpu.memory_space<vmem_shared>>) dst(%dma_wait3A_54 : memref<128x128xf32, #tpu.memory_space<hbm>>)
      tpu.yield
    }) : () -> ()
    %mul3A_33 = arith.constant 640 : i32
    %mul3A_34 = arith.muli %arg1, %mul3A_33 : i32
    %add3A_35 = arith.constant 128 : i32
    %add3A_36 = arith.addi %mul3A_34, %add3A_35 : i32
    "tpu.region"() ({
      %run_scoped3A = tpu.sem_alloc : memref<!tpu.dma_semaphore, #tpu.memory_space<semaphore_mem>>
      %dma_start3A = arith.constant 0 : i32
      %dma_start3A_49 = tpu.memref_slice %arg6[%arg0, %add3A_36, %dma_start3A] : memref<2x10240x128xf32, #tpu.memory_space<hbm>> -> memref<1x128x128xf32, #tpu.memory_space<hbm>>
      %dma_start3A_50 = tpu.memref_squeeze %dma_start3A_49 : memref<1x128x128xf32, #tpu.memory_space<hbm>> -> memref<128x128xf32, #tpu.memory_space<hbm>>
      %dma_start3A_51 = arith.constant 0 : i32
      %dma_start3A_52 = tpu.memref_slice %arg7[%add3A_36, %dma_start3A_51] : memref<10240x128xf32, #tpu.memory_space<vmem_shared>> -> memref<128x128xf32, #tpu.memory_space<vmem_shared>>
      tpu.enqueue_dma source(%dma_start3A_52 : memref<128x128xf32, #tpu.memory_space<vmem_shared>>) target(%dma_start3A_50 : memref<128x128xf32, #tpu.memory_space<hbm>>) target_semaphore(%run_scoped3A : memref<!tpu.dma_semaphore, #tpu.memory_space<semaphore_mem>>)
      %dma_wait3A = arith.constant 0 : i32
      %dma_wait3A_53 = tpu.memref_slice %arg6[%arg0, %add3A_36, %dma_wait3A] : memref<2x10240x128xf32, #tpu.memory_space<hbm>> -> memref<1x128x128xf32, #tpu.memory_space<hbm>>
      %dma_wait3A_54 = tpu.memref_squeeze %dma_wait3A_53 : memref<1x128x128xf32, #tpu.memory_space<hbm>> -> memref<128x128xf32, #tpu.memory_space<hbm>>
      %dma_wait3A_55 = arith.constant 0 : i32
      %dma_wait3A_56 = tpu.memref_slice %arg7[%add3A_36, %dma_wait3A_55] : memref<10240x128xf32, #tpu.memory_space<vmem_shared>> -> memref<128x128xf32, #tpu.memory_space<vmem_shared>>
      tpu.wait_dma2 semaphore(%run_scoped3A : memref<!tpu.dma_semaphore, #tpu.memory_space<semaphore_mem>>) src(%dma_wait3A_56 : memref<128x128xf32, #tpu.memory_space<vmem_shared>>) dst(%dma_wait3A_54 : memref<128x128xf32, #tpu.memory_space<hbm>>)
      tpu.yield
    }) : () -> ()
    %mul3A_37 = arith.constant 640 : i32
    %mul3A_38 = arith.muli %arg1, %mul3A_37 : i32
    %add3A_39 = arith.constant 256 : i32
    %add3A_40 = arith.addi %mul3A_38, %add3A_39 : i32
    "tpu.region"() ({
      %run_scoped3A = tpu.sem_alloc : memref<!tpu.dma_semaphore, #tpu.memory_space<semaphore_mem>>
      %dma_start3A = arith.constant 0 : i32
      %dma_start3A_49 = tpu.memref_slice %arg6[%arg0, %add3A_40, %dma_start3A] : memref<2x10240x128xf32, #tpu.memory_space<hbm>> -> memref<1x128x128xf32, #tpu.memory_space<hbm>>
      %dma_start3A_50 = tpu.memref_squeeze %dma_start3A_49 : memref<1x128x128xf32, #tpu.memory_space<hbm>> -> memref<128x128xf32, #tpu.memory_space<hbm>>
      %dma_start3A_51 = arith.constant 0 : i32
      %dma_start3A_52 = tpu.memref_slice %arg7[%add3A_40, %dma_start3A_51] : memref<10240x128xf32, #tpu.memory_space<vmem_shared>> -> memref<128x128xf32, #tpu.memory_space<vmem_shared>>
      tpu.enqueue_dma source(%dma_start3A_52 : memref<128x128xf32, #tpu.memory_space<vmem_shared>>) target(%dma_start3A_50 : memref<128x128xf32, #tpu.memory_space<hbm>>) target_semaphore(%run_scoped3A : memref<!tpu.dma_semaphore, #tpu.memory_space<semaphore_mem>>)
      %dma_wait3A = arith.constant 0 : i32
      %dma_wait3A_53 = tpu.memref_slice %arg6[%arg0, %add3A_40, %dma_wait3A] : memref<2x10240x128xf32, #tpu.memory_space<hbm>> -> memref<1x128x128xf32, #tpu.memory_space<hbm>>
      %dma_wait3A_54 = tpu.memref_squeeze %dma_wait3A_53 : memref<1x128x128xf32, #tpu.memory_space<hbm>> -> memref<128x128xf32, #tpu.memory_space<hbm>>
      %dma_wait3A_55 = arith.constant 0 : i32
      %dma_wait3A_56 = tpu.memref_slice %arg7[%add3A_40, %dma_wait3A_55] : memref<10240x128xf32, #tpu.memory_space<vmem_shared>> -> memref<128x128xf32, #tpu.memory_space<vmem_shared>>
      tpu.wait_dma2 semaphore(%run_scoped3A : memref<!tpu.dma_semaphore, #tpu.memory_space<semaphore_mem>>) src(%dma_wait3A_56 : memref<128x128xf32, #tpu.memory_space<vmem_shared>>) dst(%dma_wait3A_54 : memref<128x128xf32, #tpu.memory_space<hbm>>)
      tpu.yield
    }) : () -> ()
    %mul3A_41 = arith.constant 640 : i32
    %mul3A_42 = arith.muli %arg1, %mul3A_41 : i32
    %add3A_43 = arith.constant 384 : i32
    %add3A_44 = arith.addi %mul3A_42, %add3A_43 : i32
    "tpu.region"() ({
      %run_scoped3A = tpu.sem_alloc : memref<!tpu.dma_semaphore, #tpu.memory_space<semaphore_mem>>
      %dma_start3A = arith.constant 0 : i32
      %dma_start3A_49 = tpu.memref_slice %arg6[%arg0, %add3A_44, %dma_start3A] : memref<2x10240x128xf32, #tpu.memory_space<hbm>> -> memref<1x128x128xf32, #tpu.memory_space<hbm>>
      %dma_start3A_50 = tpu.memref_squeeze %dma_start3A_49 : memref<1x128x128xf32, #tpu.memory_space<hbm>> -> memref<128x128xf32, #tpu.memory_space<hbm>>
      %dma_start3A_51 = arith.constant 0 : i32
      %dma_start3A_52 = tpu.memref_slice %arg7[%add3A_44, %dma_start3A_51] : memref<10240x128xf32, #tpu.memory_space<vmem_shared>> -> memref<128x128xf32, #tpu.memory_space<vmem_shared>>
      tpu.enqueue_dma source(%dma_start3A_52 : memref<128x128xf32, #tpu.memory_space<vmem_shared>>) target(%dma_start3A_50 : memref<128x128xf32, #tpu.memory_space<hbm>>) target_semaphore(%run_scoped3A : memref<!tpu.dma_semaphore, #tpu.memory_space<semaphore_mem>>)
      %dma_wait3A = arith.constant 0 : i32
      %dma_wait3A_53 = tpu.memref_slice %arg6[%arg0, %add3A_44, %dma_wait3A] : memref<2x10240x128xf32, #tpu.memory_space<hbm>> -> memref<1x128x128xf32, #tpu.memory_space<hbm>>
      %dma_wait3A_54 = tpu.memref_squeeze %dma_wait3A_53 : memref<1x128x128xf32, #tpu.memory_space<hbm>> -> memref<128x128xf32, #tpu.memory_space<hbm>>
      %dma_wait3A_55 = arith.constant 0 : i32
      %dma_wait3A_56 = tpu.memref_slice %arg7[%add3A_44, %dma_wait3A_55] : memref<10240x128xf32, #tpu.memory_space<vmem_shared>> -> memref<128x128xf32, #tpu.memory_space<vmem_shared>>
      tpu.wait_dma2 semaphore(%run_scoped3A : memref<!tpu.dma_semaphore, #tpu.memory_space<semaphore_mem>>) src(%dma_wait3A_56 : memref<128x128xf32, #tpu.memory_space<vmem_shared>>) dst(%dma_wait3A_54 : memref<128x128xf32, #tpu.memory_space<hbm>>)
      tpu.yield
    }) : () -> ()
    %mul3A_45 = arith.constant 640 : i32
    %mul3A_46 = arith.muli %arg1, %mul3A_45 : i32
    %add3A_47 = arith.constant 512 : i32
    %add3A_48 = arith.addi %mul3A_46, %add3A_47 : i32
    "tpu.region"() ({
      %run_scoped3A = tpu.sem_alloc : memref<!tpu.dma_semaphore, #tpu.memory_space<semaphore_mem>>
      %dma_start3A = arith.constant 0 : i32
      %dma_start3A_49 = tpu.memref_slice %arg6[%arg0, %add3A_48, %dma_start3A] : memref<2x10240x128xf32, #tpu.memory_space<hbm>> -> memref<1x128x128xf32, #tpu.memory_space<hbm>>
      %dma_start3A_50 = tpu.memref_squeeze %dma_start3A_49 : memref<1x128x128xf32, #tpu.memory_space<hbm>> -> memref<128x128xf32, #tpu.memory_space<hbm>>
      %dma_start3A_51 = arith.constant 0 : i32
      %dma_start3A_52 = tpu.memref_slice %arg7[%add3A_48, %dma_start3A_51] : memref<10240x128xf32, #tpu.memory_space<vmem_shared>> -> memref<128x128xf32, #tpu.memory_space<vmem_shared>>
      tpu.enqueue_dma source(%dma_start3A_52 : memref<128x128xf32, #tpu.memory_space<vmem_shared>>) target(%dma_start3A_50 : memref<128x128xf32, #tpu.memory_space<hbm>>) target_semaphore(%run_scoped3A : memref<!tpu.dma_semaphore, #tpu.memory_space<semaphore_mem>>)
      %dma_wait3A = arith.constant 0 : i32
      %dma_wait3A_53 = tpu.memref_slice %arg6[%arg0, %add3A_48, %dma_wait3A] : memref<2x10240x128xf32, #tpu.memory_space<hbm>> -> memref<1x128x128xf32, #tpu.memory_space<hbm>>
      %dma_wait3A_54 = tpu.memref_squeeze %dma_wait3A_53 : memref<1x128x128xf32, #tpu.memory_space<hbm>> -> memref<128x128xf32, #tpu.memory_space<hbm>>
      %dma_wait3A_55 = arith.constant 0 : i32
      %dma_wait3A_56 = tpu.memref_slice %arg7[%add3A_48, %dma_wait3A_55] : memref<10240x128xf32, #tpu.memory_space<vmem_shared>> -> memref<128x128xf32, #tpu.memory_space<vmem_shared>>
      tpu.wait_dma2 semaphore(%run_scoped3A : memref<!tpu.dma_semaphore, #tpu.memory_space<semaphore_mem>>) src(%dma_wait3A_56 : memref<128x128xf32, #tpu.memory_space<vmem_shared>>) dst(%dma_wait3A_54 : memref<128x128xf32, #tpu.memory_space<hbm>>)
      tpu.yield
    }) : () -> ()
    return
  }
}

#map = affine_map<(d0, d1) -> (0, 0)>
#map1 = affine_map<(d0, d1) -> (0)>
#map2 = affine_map<(d0, d1) -> (0, 0, 0)>
module attributes {stable_mosaic.version = 14 : i64} {
  func.func @kern(%arg0: i32, %arg1: i32, %arg2: memref<10000x128xf32, #tpu.memory_space<hbm>>, %arg3: memref<327680xi32, #tpu.memory_space<hbm>>, %arg4: memref<327680xi32, #tpu.memory_space<hbm>>, %arg5: memref<128x128xf32, #tpu.memory_space<hbm>>, %arg6: memref<2x10240x128xf32, #tpu.memory_space<hbm>>, %arg7: memref<10240x128xf32, #tpu.memory_space<vmem_shared>>, %arg8: memref<128xi32, #tpu.memory_space<vmem>>, %arg9: memref<128xi32, #tpu.memory_space<vmem>>, %arg10: memref<128x128xf32, #tpu.memory_space<vmem>>, %arg11: memref<!tpu.dma_semaphore, #tpu.memory_space<semaphore_mem>>) attributes {dimension_semantics = [#tpu.dimension_semantics<core_parallel>, #tpu.dimension_semantics<subcore_parallel>], iteration_bounds = array<i64: 2, 16>, scalar_prefetch = 0 : i64, scratch_operands = 5 : i64, tpu.core_type = #tpu.core_type<sc_vector_subcore>, window_params = [{transform_indices = #map}, {transform_indices = #map1}, {transform_indices = #map1}, {transform_indices = #map}, {transform_indices = #map2}]} {
    %mul3A = arith.constant 16 : i32
    %mul3A_0 = arith.muli %arg0, %mul3A : i32
    %add3A = arith.addi %mul3A_0, %arg1 : i32
    %mul3A_1 = arith.constant 640 : i32
    %mul3A_2 = arith.muli %arg1, %mul3A_1 : i32
    %add3A_3 = arith.constant 0 : i32
    %add3A_4 = arith.addi %mul3A_2, %add3A_3 : i32
    "tpu.region"() ({
      %run_scoped3A = tpu.sem_alloc : memref<!tpu.dma_semaphore, #tpu.memory_space<semaphore_mem>>
      %dma_start3A = arith.constant 0 : i32
      %dma_start3A_49 = tpu.memref_slice %arg7[%add3A_4, %dma_start3A] : memref<10240x128xf32, #tpu.memory_space<vmem_shared>> -> memref<128x128xf32, #tpu.memory_space<vmem_shared>>
      tpu.enqueue_dma source(%arg5 : memref<128x128xf32, #tpu.memory_space<hbm>>) target(%dma_start3A_49 : memref<128x128xf32, #tpu.memory_space<vmem_shared>>) target_semaphore(%run_scoped3A : memref<!tpu.dma_semaphore, #tpu.memory_space<semaphore_mem>>)
      %dma_wait3A = arith.constant 0 : i32
      %dma_wait3A_50 = tpu.memref_slice %arg7[%add3A_4, %dma_wait3A] : memref<10240x128xf32, #tpu.memory_space<vmem_shared>> -> memref<128x128xf32, #tpu.memory_space<vmem_shared>>
      tpu.wait_dma2 semaphore(%run_scoped3A : memref<!tpu.dma_semaphore, #tpu.memory_space<semaphore_mem>>) src(%arg5 : memref<128x128xf32, #tpu.memory_space<hbm>>) dst(%dma_wait3A_50 : memref<128x128xf32, #tpu.memory_space<vmem_shared>>)
      tpu.yield
    }) : () -> ()
    %mul3A_5 = arith.constant 640 : i32
    %mul3A_6 = arith.muli %arg1, %mul3A_5 : i32
    %add3A_7 = arith.constant 128 : i32
    %add3A_8 = arith.addi %mul3A_6, %add3A_7 : i32
    "tpu.region"() ({
      %run_scoped3A = tpu.sem_alloc : memref<!tpu.dma_semaphore, #tpu.memory_space<semaphore_mem>>
      %dma_start3A = arith.constant 0 : i32
      %dma_start3A_49 = tpu.memref_slice %arg7[%add3A_8, %dma_start3A] : memref<10240x128xf32, #tpu.memory_space<vmem_shared>> -> memref<128x128xf32, #tpu.memory_space<vmem_shared>>
      tpu.enqueue_dma source(%arg5 : memref<128x128xf32, #tpu.memory_space<hbm>>) target(%dma_start3A_49 : memref<128x128xf32, #tpu.memory_space<vmem_shared>>) target_semaphore(%run_scoped3A : memref<!tpu.dma_semaphore, #tpu.memory_space<semaphore_mem>>)
      %dma_wait3A = arith.constant 0 : i32
      %dma_wait3A_50 = tpu.memref_slice %arg7[%add3A_8, %dma_wait3A] : memref<10240x128xf32, #tpu.memory_space<vmem_shared>> -> memref<128x128xf32, #tpu.memory_space<vmem_shared>>
      tpu.wait_dma2 semaphore(%run_scoped3A : memref<!tpu.dma_semaphore, #tpu.memory_space<semaphore_mem>>) src(%arg5 : memref<128x128xf32, #tpu.memory_space<hbm>>) dst(%dma_wait3A_50 : memref<128x128xf32, #tpu.memory_space<vmem_shared>>)
      tpu.yield
    }) : () -> ()
    %mul3A_9 = arith.constant 640 : i32
    %mul3A_10 = arith.muli %arg1, %mul3A_9 : i32
    %add3A_11 = arith.constant 256 : i32
    %add3A_12 = arith.addi %mul3A_10, %add3A_11 : i32
    "tpu.region"() ({
      %run_scoped3A = tpu.sem_alloc : memref<!tpu.dma_semaphore, #tpu.memory_space<semaphore_mem>>
      %dma_start3A = arith.constant 0 : i32
      %dma_start3A_49 = tpu.memref_slice %arg7[%add3A_12, %dma_start3A] : memref<10240x128xf32, #tpu.memory_space<vmem_shared>> -> memref<128x128xf32, #tpu.memory_space<vmem_shared>>
      tpu.enqueue_dma source(%arg5 : memref<128x128xf32, #tpu.memory_space<hbm>>) target(%dma_start3A_49 : memref<128x128xf32, #tpu.memory_space<vmem_shared>>) target_semaphore(%run_scoped3A : memref<!tpu.dma_semaphore, #tpu.memory_space<semaphore_mem>>)
      %dma_wait3A = arith.constant 0 : i32
      %dma_wait3A_50 = tpu.memref_slice %arg7[%add3A_12, %dma_wait3A] : memref<10240x128xf32, #tpu.memory_space<vmem_shared>> -> memref<128x128xf32, #tpu.memory_space<vmem_shared>>
      tpu.wait_dma2 semaphore(%run_scoped3A : memref<!tpu.dma_semaphore, #tpu.memory_space<semaphore_mem>>) src(%arg5 : memref<128x128xf32, #tpu.memory_space<hbm>>) dst(%dma_wait3A_50 : memref<128x128xf32, #tpu.memory_space<vmem_shared>>)
      tpu.yield
    }) : () -> ()
    %mul3A_13 = arith.constant 640 : i32
    %mul3A_14 = arith.muli %arg1, %mul3A_13 : i32
    %add3A_15 = arith.constant 384 : i32
    %add3A_16 = arith.addi %mul3A_14, %add3A_15 : i32
    "tpu.region"() ({
      %run_scoped3A = tpu.sem_alloc : memref<!tpu.dma_semaphore, #tpu.memory_space<semaphore_mem>>
      %dma_start3A = arith.constant 0 : i32
      %dma_start3A_49 = tpu.memref_slice %arg7[%add3A_16, %dma_start3A] : memref<10240x128xf32, #tpu.memory_space<vmem_shared>> -> memref<128x128xf32, #tpu.memory_space<vmem_shared>>
      tpu.enqueue_dma source(%arg5 : memref<128x128xf32, #tpu.memory_space<hbm>>) target(%dma_start3A_49 : memref<128x128xf32, #tpu.memory_space<vmem_shared>>) target_semaphore(%run_scoped3A : memref<!tpu.dma_semaphore, #tpu.memory_space<semaphore_mem>>)
      %dma_wait3A = arith.constant 0 : i32
      %dma_wait3A_50 = tpu.memref_slice %arg7[%add3A_16, %dma_wait3A] : memref<10240x128xf32, #tpu.memory_space<vmem_shared>> -> memref<128x128xf32, #tpu.memory_space<vmem_shared>>
      tpu.wait_dma2 semaphore(%run_scoped3A : memref<!tpu.dma_semaphore, #tpu.memory_space<semaphore_mem>>) src(%arg5 : memref<128x128xf32, #tpu.memory_space<hbm>>) dst(%dma_wait3A_50 : memref<128x128xf32, #tpu.memory_space<vmem_shared>>)
      tpu.yield
    }) : () -> ()
    %mul3A_17 = arith.constant 640 : i32
    %mul3A_18 = arith.muli %arg1, %mul3A_17 : i32
    %add3A_19 = arith.constant 512 : i32
    %add3A_20 = arith.addi %mul3A_18, %add3A_19 : i32
    "tpu.region"() ({
      %run_scoped3A = tpu.sem_alloc : memref<!tpu.dma_semaphore, #tpu.memory_space<semaphore_mem>>
      %dma_start3A = arith.constant 0 : i32
      %dma_start3A_49 = tpu.memref_slice %arg7[%add3A_20, %dma_start3A] : memref<10240x128xf32, #tpu.memory_space<vmem_shared>> -> memref<128x128xf32, #tpu.memory_space<vmem_shared>>
      tpu.enqueue_dma source(%arg5 : memref<128x128xf32, #tpu.memory_space<hbm>>) target(%dma_start3A_49 : memref<128x128xf32, #tpu.memory_space<vmem_shared>>) target_semaphore(%run_scoped3A : memref<!tpu.dma_semaphore, #tpu.memory_space<semaphore_mem>>)
      %dma_wait3A = arith.constant 0 : i32
      %dma_wait3A_50 = tpu.memref_slice %arg7[%add3A_20, %dma_wait3A] : memref<10240x128xf32, #tpu.memory_space<vmem_shared>> -> memref<128x128xf32, #tpu.memory_space<vmem_shared>>
      tpu.wait_dma2 semaphore(%run_scoped3A : memref<!tpu.dma_semaphore, #tpu.memory_space<semaphore_mem>>) src(%arg5 : memref<128x128xf32, #tpu.memory_space<hbm>>) dst(%dma_wait3A_50 : memref<128x128xf32, #tpu.memory_space<vmem_shared>>)
      tpu.yield
    }) : () -> ()
    %barrier3A = arith.constant 0 : index
    tpu.barrier barrier_id(%barrier3A)
    %mul3A_21 = arith.constant 10240 : i32
    %mul3A_22 = arith.muli %add3A, %mul3A_21 : i32
    %scan3A = arith.constant 0 : i32
    %scan3A_23 = arith.constant 0 : i32
    %scan3A_24 = arith.constant 80 : i32
    %scan3A_25 = arith.addi %scan3A_23, %scan3A_24 : i32
    %scan3A_26 = arith.constant 1 : i32
    scf.for %scan3A_49 = %scan3A_23 to %scan3A_25 step %scan3A_26  : i32 {
      %mul3A_50 = arith.constant 128 : i32
      %mul3A_51 = arith.muli %scan3A_49, %mul3A_50 : i32
      %add3A_52 = arith.addi %mul3A_22, %mul3A_51 : i32
      "tpu.region"() ({
        %run_scoped3A = tpu.sem_alloc : memref<!tpu.dma_semaphore, #tpu.memory_space<semaphore_mem>>
        %dma_start3A_57 = tpu.memref_slice %arg3[%add3A_52] : memref<327680xi32, #tpu.memory_space<hbm>> -> memref<128xi32, #tpu.memory_space<hbm>>
        %dma_start3A_58 = tpu.memref_slice %arg3[%add3A_52] : memref<327680xi32, #tpu.memory_space<hbm>> -> memref<128xi32, #tpu.memory_space<hbm>>
        tpu.enqueue_dma source(%dma_start3A_58 : memref<128xi32, #tpu.memory_space<hbm>>) target(%arg8 : memref<128xi32, #tpu.memory_space<vmem>>) target_semaphore(%run_scoped3A : memref<!tpu.dma_semaphore, #tpu.memory_space<semaphore_mem>>)
        %dma_wait3A_59 = tpu.memref_slice %arg3[%add3A_52] : memref<327680xi32, #tpu.memory_space<hbm>> -> memref<128xi32, #tpu.memory_space<hbm>>
        %dma_wait3A_60 = tpu.memref_slice %arg3[%add3A_52] : memref<327680xi32, #tpu.memory_space<hbm>> -> memref<128xi32, #tpu.memory_space<hbm>>
        tpu.wait_dma2 semaphore(%run_scoped3A : memref<!tpu.dma_semaphore, #tpu.memory_space<semaphore_mem>>) src(%dma_wait3A_60 : memref<128xi32, #tpu.memory_space<hbm>>) dst(%arg8 : memref<128xi32, #tpu.memory_space<vmem>>)
        tpu.yield
      }) : () -> ()
      "tpu.region"() ({
        %run_scoped3A = tpu.sem_alloc : memref<!tpu.dma_semaphore, #tpu.memory_space<semaphore_mem>>
        %dma_start3A_57 = tpu.memref_slice %arg4[%add3A_52] : memref<327680xi32, #tpu.memory_space<hbm>> -> memref<128xi32, #tpu.memory_space<hbm>>
        %dma_start3A_58 = tpu.memref_slice %arg4[%add3A_52] : memref<327680xi32, #tpu.memory_space<hbm>> -> memref<128xi32, #tpu.memory_space<hbm>>
        tpu.enqueue_dma source(%dma_start3A_58 : memref<128xi32, #tpu.memory_space<hbm>>) target(%arg9 : memref<128xi32, #tpu.memory_space<vmem>>) target_semaphore(%run_scoped3A : memref<!tpu.dma_semaphore, #tpu.memory_space<semaphore_mem>>)
        %dma_wait3A_59 = tpu.memref_slice %arg4[%add3A_52] : memref<327680xi32, #tpu.memory_space<hbm>> -> memref<128xi32, #tpu.memory_space<hbm>>
        %dma_wait3A_60 = tpu.memref_slice %arg4[%add3A_52] : memref<327680xi32, #tpu.memory_space<hbm>> -> memref<128xi32, #tpu.memory_space<hbm>>
        tpu.wait_dma2 semaphore(%run_scoped3A : memref<!tpu.dma_semaphore, #tpu.memory_space<semaphore_mem>>) src(%dma_wait3A_60 : memref<128xi32, #tpu.memory_space<hbm>>) dst(%arg9 : memref<128xi32, #tpu.memory_space<vmem>>)
        tpu.yield
      }) : () -> ()
      %dma_start3A = arith.constant 0 : i32
      %dma_start3A_53 = arith.constant 0 : i32
      %dma_start3A_54 = tpu.memref_slice %arg2[%dma_start3A, %dma_start3A_53] : memref<10000x128xf32, #tpu.memory_space<hbm>> -> memref<10000x128xf32, #tpu.memory_space<hbm>>
      tpu.enqueue_indirect_dma source(%dma_start3A_54 : memref<10000x128xf32, #tpu.memory_space<hbm>>) target(%arg10 : memref<128x128xf32, #tpu.memory_space<vmem>>) offsets(%arg8 : memref<128xi32, #tpu.memory_space<vmem>>) semaphore(%arg11 : memref<!tpu.dma_semaphore, #tpu.memory_space<semaphore_mem>>)
      %dma_wait3A = arith.constant 0 : i32
      %dma_wait3A_55 = arith.constant 0 : i32
      %dma_wait3A_56 = tpu.memref_slice %arg2[%dma_wait3A, %dma_wait3A_55] : memref<10000x128xf32, #tpu.memory_space<hbm>> -> memref<10000x128xf32, #tpu.memory_space<hbm>>
      tpu.wait_indirect_dma semaphore(%arg11 : memref<!tpu.dma_semaphore, #tpu.memory_space<semaphore_mem>>) src(%dma_wait3A_56 : memref<10000x128xf32, #tpu.memory_space<hbm>>) dst(%arg10 : memref<128x128xf32, #tpu.memory_space<vmem>>)
      "tpu.region"() ({
        %run_scoped3A = tpu.sem_alloc : memref<!tpu.dma_semaphore, #tpu.memory_space<semaphore_mem>>
        %dma_start3A_57 = arith.constant 0 : i32
        %dma_start3A_58 = arith.constant 0 : i32
        %dma_start3A_59 = tpu.memref_slice %arg7[%dma_start3A_57, %dma_start3A_58] : memref<10240x128xf32, #tpu.memory_space<vmem_shared>> -> memref<10240x128xf32, #tpu.memory_space<vmem_shared>>
        tpu.enqueue_indirect_dma source(%arg10 : memref<128x128xf32, #tpu.memory_space<vmem>>) target(%dma_start3A_59 : memref<10240x128xf32, #tpu.memory_space<vmem_shared>>) offsets(%arg9 : memref<128xi32, #tpu.memory_space<vmem>>) semaphore(%run_scoped3A : memref<!tpu.dma_semaphore, #tpu.memory_space<semaphore_mem>>) {add = true}
        %dma_wait3A_60 = arith.constant 0 : i32
        %dma_wait3A_61 = arith.constant 0 : i32
        %dma_wait3A_62 = tpu.memref_slice %arg7[%dma_wait3A_60, %dma_wait3A_61] : memref<10240x128xf32, #tpu.memory_space<vmem_shared>> -> memref<10240x128xf32, #tpu.memory_space<vmem_shared>>
        tpu.wait_indirect_dma semaphore(%run_scoped3A : memref<!tpu.dma_semaphore, #tpu.memory_space<semaphore_mem>>) src(%arg10 : memref<128x128xf32, #tpu.memory_space<vmem>>) dst(%dma_wait3A_62 : memref<10240x128xf32, #tpu.memory_space<vmem_shared>>)
        tpu.yield
      }) : () -> ()
    }
    %scan3A_27 = arith.constant 80 : i32
    %barrier3A_28 = arith.constant 0 : index
    tpu.barrier barrier_id(%barrier3A_28)
    %mul3A_29 = arith.constant 640 : i32
    %mul3A_30 = arith.muli %arg1, %mul3A_29 : i32
    %add3A_31 = arith.constant 0 : i32
    %add3A_32 = arith.addi %mul3A_30, %add3A_31 : i32
    "tpu.region"() ({
      %run_scoped3A = tpu.sem_alloc : memref<!tpu.dma_semaphore, #tpu.memory_space<semaphore_mem>>
      %dma_start3A = arith.constant 0 : i32
      %dma_start3A_49 = tpu.memref_slice %arg6[%arg0, %add3A_32, %dma_start3A] : memref<2x10240x128xf32, #tpu.memory_space<hbm>> -> memref<1x128x128xf32, #tpu.memory_space<hbm>>
      %dma_start3A_50 = tpu.memref_squeeze %dma_start3A_49 : memref<1x128x128xf32, #tpu.memory_space<hbm>> -> memref<128x128xf32, #tpu.memory_space<hbm>>
      %dma_start3A_51 = arith.constant 0 : i32
      %dma_start3A_52 = tpu.memref_slice %arg7[%add3A_32, %dma_start3A_51] : memref<10240x128xf32, #tpu.memory_space<vmem_shared>> -> memref<128x128xf32, #tpu.memory_space<vmem_shared>>
      tpu.enqueue_dma source(%dma_start3A_52 : memref<128x128xf32, #tpu.memory_space<vmem_shared>>) target(%dma_start3A_50 : memref<128x128xf32, #tpu.memory_space<hbm>>) target_semaphore(%run_scoped3A : memref<!tpu.dma_semaphore, #tpu.memory_space<semaphore_mem>>)
      %dma_wait3A = arith.constant 0 : i32
      %dma_wait3A_53 = tpu.memref_slice %arg6[%arg0, %add3A_32, %dma_wait3A] : memref<2x10240x128xf32, #tpu.memory_space<hbm>> -> memref<1x128x128xf32, #tpu.memory_space<hbm>>
      %dma_wait3A_54 = tpu.memref_squeeze %dma_wait3A_53 : memref<1x128x128xf32, #tpu.memory_space<hbm>> -> memref<128x128xf32, #tpu.memory_space<hbm>>
      %dma_wait3A_55 = arith.constant 0 : i32
      %dma_wait3A_56 = tpu.memref_slice %arg7[%add3A_32, %dma_wait3A_55] : memref<10240x128xf32, #tpu.memory_space<vmem_shared>> -> memref<128x128xf32, #tpu.memory_space<vmem_shared>>
      tpu.wait_dma2 semaphore(%run_scoped3A : memref<!tpu.dma_semaphore, #tpu.memory_space<semaphore_mem>>) src(%dma_wait3A_56 : memref<128x128xf32, #tpu.memory_space<vmem_shared>>) dst(%dma_wait3A_54 : memref<128x128xf32, #tpu.memory_space<hbm>>)
      tpu.yield
    }) : () -> ()
    %mul3A_33 = arith.constant 640 : i32
    %mul3A_34 = arith.muli %arg1, %mul3A_33 : i32
    %add3A_35 = arith.constant 128 : i32
    %add3A_36 = arith.addi %mul3A_34, %add3A_35 : i32
    "tpu.region"() ({
      %run_scoped3A = tpu.sem_alloc : memref<!tpu.dma_semaphore, #tpu.memory_space<semaphore_mem>>
      %dma_start3A = arith.constant 0 : i32
      %dma_start3A_49 = tpu.memref_slice %arg6[%arg0, %add3A_36, %dma_start3A] : memref<2x10240x128xf32, #tpu.memory_space<hbm>> -> memref<1x128x128xf32, #tpu.memory_space<hbm>>
      %dma_start3A_50 = tpu.memref_squeeze %dma_start3A_49 : memref<1x128x128xf32, #tpu.memory_space<hbm>> -> memref<128x128xf32, #tpu.memory_space<hbm>>
      %dma_start3A_51 = arith.constant 0 : i32
      %dma_start3A_52 = tpu.memref_slice %arg7[%add3A_36, %dma_start3A_51] : memref<10240x128xf32, #tpu.memory_space<vmem_shared>> -> memref<128x128xf32, #tpu.memory_space<vmem_shared>>
      tpu.enqueue_dma source(%dma_start3A_52 : memref<128x128xf32, #tpu.memory_space<vmem_shared>>) target(%dma_start3A_50 : memref<128x128xf32, #tpu.memory_space<hbm>>) target_semaphore(%run_scoped3A : memref<!tpu.dma_semaphore, #tpu.memory_space<semaphore_mem>>)
      %dma_wait3A = arith.constant 0 : i32
      %dma_wait3A_53 = tpu.memref_slice %arg6[%arg0, %add3A_36, %dma_wait3A] : memref<2x10240x128xf32, #tpu.memory_space<hbm>> -> memref<1x128x128xf32, #tpu.memory_space<hbm>>
      %dma_wait3A_54 = tpu.memref_squeeze %dma_wait3A_53 : memref<1x128x128xf32, #tpu.memory_space<hbm>> -> memref<128x128xf32, #tpu.memory_space<hbm>>
      %dma_wait3A_55 = arith.constant 0 : i32
      %dma_wait3A_56 = tpu.memref_slice %arg7[%add3A_36, %dma_wait3A_55] : memref<10240x128xf32, #tpu.memory_space<vmem_shared>> -> memref<128x128xf32, #tpu.memory_space<vmem_shared>>
      tpu.wait_dma2 semaphore(%run_scoped3A : memref<!tpu.dma_semaphore, #tpu.memory_space<semaphore_mem>>) src(%dma_wait3A_56 : memref<128x128xf32, #tpu.memory_space<vmem_shared>>) dst(%dma_wait3A_54 : memref<128x128xf32, #tpu.memory_space<hbm>>)
      tpu.yield
    }) : () -> ()
    %mul3A_37 = arith.constant 640 : i32
    %mul3A_38 = arith.muli %arg1, %mul3A_37 : i32
    %add3A_39 = arith.constant 256 : i32
    %add3A_40 = arith.addi %mul3A_38, %add3A_39 : i32
    "tpu.region"() ({
      %run_scoped3A = tpu.sem_alloc : memref<!tpu.dma_semaphore, #tpu.memory_space<semaphore_mem>>
      %dma_start3A = arith.constant 0 : i32
      %dma_start3A_49 = tpu.memref_slice %arg6[%arg0, %add3A_40, %dma_start3A] : memref<2x10240x128xf32, #tpu.memory_space<hbm>> -> memref<1x128x128xf32, #tpu.memory_space<hbm>>
      %dma_start3A_50 = tpu.memref_squeeze %dma_start3A_49 : memref<1x128x128xf32, #tpu.memory_space<hbm>> -> memref<128x128xf32, #tpu.memory_space<hbm>>
      %dma_start3A_51 = arith.constant 0 : i32
      %dma_start3A_52 = tpu.memref_slice %arg7[%add3A_40, %dma_start3A_51] : memref<10240x128xf32, #tpu.memory_space<vmem_shared>> -> memref<128x128xf32, #tpu.memory_space<vmem_shared>>
      tpu.enqueue_dma source(%dma_start3A_52 : memref<128x128xf32, #tpu.memory_space<vmem_shared>>) target(%dma_start3A_50 : memref<128x128xf32, #tpu.memory_space<hbm>>) target_semaphore(%run_scoped3A : memref<!tpu.dma_semaphore, #tpu.memory_space<semaphore_mem>>)
      %dma_wait3A = arith.constant 0 : i32
      %dma_wait3A_53 = tpu.memref_slice %arg6[%arg0, %add3A_40, %dma_wait3A] : memref<2x10240x128xf32, #tpu.memory_space<hbm>> -> memref<1x128x128xf32, #tpu.memory_space<hbm>>
      %dma_wait3A_54 = tpu.memref_squeeze %dma_wait3A_53 : memref<1x128x128xf32, #tpu.memory_space<hbm>> -> memref<128x128xf32, #tpu.memory_space<hbm>>
      %dma_wait3A_55 = arith.constant 0 : i32
      %dma_wait3A_56 = tpu.memref_slice %arg7[%add3A_40, %dma_wait3A_55] : memref<10240x128xf32, #tpu.memory_space<vmem_shared>> -> memref<128x128xf32, #tpu.memory_space<vmem_shared>>
      tpu.wait_dma2 semaphore(%run_scoped3A : memref<!tpu.dma_semaphore, #tpu.memory_space<semaphore_mem>>) src(%dma_wait3A_56 : memref<128x128xf32, #tpu.memory_space<vmem_shared>>) dst(%dma_wait3A_54 : memref<128x128xf32, #tpu.memory_space<hbm>>)
      tpu.yield
    }) : () -> ()
    %mul3A_41 = arith.constant 640 : i32
    %mul3A_42 = arith.muli %arg1, %mul3A_41 : i32
    %add3A_43 = arith.constant 384 : i32
    %add3A_44 = arith.addi %mul3A_42, %add3A_43 : i32
    "tpu.region"() ({
      %run_scoped3A = tpu.sem_alloc : memref<!tpu.dma_semaphore, #tpu.memory_space<semaphore_mem>>
      %dma_start3A = arith.constant 0 : i32
      %dma_start3A_49 = tpu.memref_slice %arg6[%arg0, %add3A_44, %dma_start3A] : memref<2x10240x128xf32, #tpu.memory_space<hbm>> -> memref<1x128x128xf32, #tpu.memory_space<hbm>>
      %dma_start3A_50 = tpu.memref_squeeze %dma_start3A_49 : memref<1x128x128xf32, #tpu.memory_space<hbm>> -> memref<128x128xf32, #tpu.memory_space<hbm>>
      %dma_start3A_51 = arith.constant 0 : i32
      %dma_start3A_52 = tpu.memref_slice %arg7[%add3A_44, %dma_start3A_51] : memref<10240x128xf32, #tpu.memory_space<vmem_shared>> -> memref<128x128xf32, #tpu.memory_space<vmem_shared>>
      tpu.enqueue_dma source(%dma_start3A_52 : memref<128x128xf32, #tpu.memory_space<vmem_shared>>) target(%dma_start3A_50 : memref<128x128xf32, #tpu.memory_space<hbm>>) target_semaphore(%run_scoped3A : memref<!tpu.dma_semaphore, #tpu.memory_space<semaphore_mem>>)
      %dma_wait3A = arith.constant 0 : i32
      %dma_wait3A_53 = tpu.memref_slice %arg6[%arg0, %add3A_44, %dma_wait3A] : memref<2x10240x128xf32, #tpu.memory_space<hbm>> -> memref<1x128x128xf32, #tpu.memory_space<hbm>>
      %dma_wait3A_54 = tpu.memref_squeeze %dma_wait3A_53 : memref<1x128x128xf32, #tpu.memory_space<hbm>> -> memref<128x128xf32, #tpu.memory_space<hbm>>
      %dma_wait3A_55 = arith.constant 0 : i32
      %dma_wait3A_56 = tpu.memref_slice %arg7[%add3A_44, %dma_wait3A_55] : memref<10240x128xf32, #tpu.memory_space<vmem_shared>> -> memref<128x128xf32, #tpu.memory_space<vmem_shared>>
      tpu.wait_dma2 semaphore(%run_scoped3A : memref<!tpu.dma_semaphore, #tpu.memory_space<semaphore_mem>>) src(%dma_wait3A_56 : memref<128x128xf32, #tpu.memory_space<vmem_shared>>) dst(%dma_wait3A_54 : memref<128x128xf32, #tpu.memory_space<hbm>>)
      tpu.yield
    }) : () -> ()
    %mul3A_45 = arith.constant 640 : i32
    %mul3A_46 = arith.muli %arg1, %mul3A_45 : i32
    %add3A_47 = arith.constant 512 : i32
    %add3A_48 = arith.addi %mul3A_46, %add3A_47 : i32
    "tpu.region"() ({
      %run_scoped3A = tpu.sem_alloc : memref<!tpu.dma_semaphore, #tpu.memory_space<semaphore_mem>>
      %dma_start3A = arith.constant 0 : i32
      %dma_start3A_49 = tpu.memref_slice %arg6[%arg0, %add3A_48, %dma_start3A] : memref<2x10240x128xf32, #tpu.memory_space<hbm>> -> memref<1x128x128xf32, #tpu.memory_space<hbm>>
      %dma_start3A_50 = tpu.memref_squeeze %dma_start3A_49 : memref<1x128x128xf32, #tpu.memory_space<hbm>> -> memref<128x128xf32, #tpu.memory_space<hbm>>
      %dma_start3A_51 = arith.constant 0 : i32
      %dma_start3A_52 = tpu.memref_slice %arg7[%add3A_48, %dma_start3A_51] : memref<10240x128xf32, #tpu.memory_space<vmem_shared>> -> memref<128x128xf32, #tpu.memory_space<vmem_shared>>
      tpu.enqueue_dma source(%dma_start3A_52 : memref<128x128xf32, #tpu.memory_space<vmem_shared>>) target(%dma_start3A_50 : memref<128x128xf32, #tpu.memory_space<hbm>>) target_semaphore(%run_scoped3A : memref<!tpu.dma_semaphore, #tpu.memory_space<semaphore_mem>>)
      %dma_wait3A = arith.constant 0 : i32
      %dma_wait3A_53 = tpu.memref_slice %arg6[%arg0, %add3A_48, %dma_wait3A] : memref<2x10240x128xf32, #tpu.memory_space<hbm>> -> memref<1x128x128xf32, #tpu.memory_space<hbm>>
      %dma_wait3A_54 = tpu.memref_squeeze %dma_wait3A_53 : memref<1x128x128xf32, #tpu.memory_space<hbm>> -> memref<128x128xf32, #tpu.memory_space<hbm>>
      %dma_wait3A_55 = arith.constant 0 : i32
      %dma_wait3A_56 = tpu.memref_slice %arg7[%add3A_48, %dma_wait3A_55] : memref<10240x128xf32, #tpu.memory_space<vmem_shared>> -> memref<128x128xf32, #tpu.memory_space<vmem_shared>>
      tpu.wait_dma2 semaphore(%run_scoped3A : memref<!tpu.dma_semaphore, #tpu.memory_space<semaphore_mem>>) src(%dma_wait3A_56 : memref<128x128xf32, #tpu.memory_space<vmem_shared>>) dst(%dma_wait3A_54 : memref<128x128xf32, #tpu.memory_space<hbm>>)
      tpu.yield
    }) : () -> ()
    return
  }
}

module attributes {stable_mosaic.version = 14 : i64} {
  func.func @body(%arg0: memref<10000x128xf32, #tpu.memory_space<vmem>>, %arg1: memref<10000x1xf32, #tpu.memory_space<vmem>>, %arg2: memref<10000x128xf32, #tpu.memory_space<vmem>>) attributes {dimension_semantics = [], scalar_prefetch = 0 : i64, scratch_operands = 0 : i64, tpu.core_type = #tpu.core_type<tc>} {
    %get3A = arith.constant 0 : index
    %get3A_0 = arith.constant 0 : index
    %get3A_1 = vector.load %arg0[%get3A, %get3A_0] : memref<10000x128xf32, #tpu.memory_space<vmem>>, vector<10000x128xf32>
    %get3A_2 = arith.constant 0 : index
    %get3A_3 = arith.constant 0 : index
    %get3A_4 = vector.load %arg1[%get3A_2, %get3A_3] : memref<10000x1xf32, #tpu.memory_space<vmem>>, vector<10000x1xf32>
    %mul3A = vector.broadcast %get3A_4 : vector<10000x1xf32> to vector<10000x128xf32>
    %mul3A_5 = arith.mulf %get3A_1, %mul3A : vector<10000x128xf32>
    %swap3A = arith.constant 0 : index
    %swap3A_6 = arith.constant 0 : index
    %swap3A_7 = vector.load %arg2[%swap3A, %swap3A_6] : memref<10000x128xf32, #tpu.memory_space<vmem>>, vector<10000x128xf32>
    tpu.vector_store %arg2[%swap3A, %swap3A_6], %mul3A_5 {strides = array<i32>} : memref<10000x128xf32, #tpu.memory_space<vmem>>, vector<10000x128xf32>,
    return
  }
}

module attributes {stable_mosaic.version = 14 : i64} {
  func.func @body(%arg0: memref<2x10240x128xf32, #tpu.memory_space<vmem>>, %arg1: memref<10000x1xf32, #tpu.memory_space<vmem>>, %arg2: memref<10000x1xf32, #tpu.memory_space<vmem>>, %arg3: memref<128x128xf32, #tpu.memory_space<vmem>>, %arg4: memref<1x128xf32, #tpu.memory_space<vmem>>, %arg5: memref<1x128xf32, #tpu.memory_space<vmem>>, %arg6: memref<1x128xf32, #tpu.memory_space<vmem>>, %arg7: memref<10000x128xf32, #tpu.memory_space<vmem>>) attributes {dimension_semantics = [], scalar_prefetch = 0 : i64, scratch_operands = 0 : i64, tpu.core_type = #tpu.core_type<tc>} {
    %get3A = arith.constant 0 : index
    %get3A_0 = arith.constant 0 : index
    %get3A_1 = arith.constant 0 : index
    %get3A_2 = vector.load %arg0[%get3A, %get3A_0, %get3A_1] : memref<2x10240x128xf32, #tpu.memory_space<vmem>>, vector<1x10000x128xf32>
    %get3A_3 = vector.shape_cast %get3A_2 : vector<1x10000x128xf32> to vector<10000x128xf32>
    %get3A_4 = arith.constant 1 : index
    %get3A_5 = arith.constant 0 : index
    %get3A_6 = arith.constant 0 : index
    %get3A_7 = vector.load %arg0[%get3A_4, %get3A_5, %get3A_6] : memref<2x10240x128xf32, #tpu.memory_space<vmem>>, vector<1x10000x128xf32>
    %get3A_8 = vector.shape_cast %get3A_7 : vector<1x10000x128xf32> to vector<10000x128xf32>
    %add3A = arith.addf %get3A_3, %get3A_8 : vector<10000x128xf32>
    %get3A_9 = arith.constant 0 : index
    %get3A_10 = arith.constant 0 : index
    %get3A_11 = vector.load %arg1[%get3A_9, %get3A_10] : memref<10000x1xf32, #tpu.memory_space<vmem>>, vector<10000x1xf32>
    %mul3A = vector.broadcast %get3A_11 : vector<10000x1xf32> to vector<10000x128xf32>
    %mul3A_12 = arith.mulf %add3A, %mul3A : vector<10000x128xf32>
    %get3A_13 = arith.constant 0 : index
    %get3A_14 = arith.constant 0 : index
    %get3A_15 = vector.load %arg3[%get3A_13, %get3A_14] : memref<128x128xf32, #tpu.memory_space<vmem>>, vector<128x128xf32>
    %dot_general3A = arith.constant dense<0.000000e+00> : vector<10000x128xf32>
    %dot_general3A_16 = tpu.matmul %mul3A_12, %get3A_15, %dot_general3A {dimension_numbers = #tpu.dot_dimension_numbers<[1], [0], [0], [1], [0, 0, 1, 1], [], []>, transpose_lhs_hint = false} : vector<10000x128xf32>, vector<128x128xf32>, vector<10000x128xf32> -> vector<10000x128xf32>
    %get3A_17 = arith.constant 0 : index
    %get3A_18 = arith.constant 0 : index
    %get3A_19 = vector.load %arg4[%get3A_17, %get3A_18] : memref<1x128xf32, #tpu.memory_space<vmem>>, vector<1x128xf32>
    %add3A_20 = vector.broadcast %get3A_19 : vector<1x128xf32> to vector<10000x128xf32>
    %add3A_21 = arith.addf %dot_general3A_16, %add3A_20 : vector<10000x128xf32>
    %get3A_22 = arith.constant 0 : index
    %get3A_23 = arith.constant 0 : index
    %get3A_24 = vector.load %arg5[%get3A_22, %get3A_23] : memref<1x128xf32, #tpu.memory_space<vmem>>, vector<1x128xf32>
    %get3A_25 = arith.constant 0 : index
    %get3A_26 = arith.constant 0 : index
    %get3A_27 = vector.load %arg6[%get3A_25, %get3A_26] : memref<1x128xf32, #tpu.memory_space<vmem>>, vector<1x128xf32>
    %reduce_sum3A = arith.constant dense<0.000000e+00> : vector<128xf32>
    %reduce_sum3A_28 = vector.multi_reduction <add>, %add3A_21, %reduce_sum3A [0] : vector<10000x128xf32> to vector<128xf32>
    %broadcast_in_dim3A = vector.shape_cast %reduce_sum3A_28 : vector<128xf32> to vector<1x128xf32>
    %div3A = arith.constant 1.000000e+04 : f32
    %div3A_29 = vector.broadcast %div3A : f32 to vector<1x128xf32>
    %div3A_30 = arith.divf %broadcast_in_dim3A, %div3A_29 : vector<1x128xf32>
    %sub3A = vector.broadcast %div3A_30 : vector<1x128xf32> to vector<10000x128xf32>
    %sub3A_31 = arith.subf %add3A_21, %sub3A : vector<10000x128xf32>
    %mul3A_32 = arith.mulf %sub3A_31, %sub3A_31 : vector<10000x128xf32>
    %reduce_sum3A_33 = arith.constant dense<0.000000e+00> : vector<128xf32>
    %reduce_sum3A_34 = vector.multi_reduction <add>, %mul3A_32, %reduce_sum3A_33 [0] : vector<10000x128xf32> to vector<128xf32>
    %broadcast_in_dim3A_35 = vector.shape_cast %reduce_sum3A_34 : vector<128xf32> to vector<1x128xf32>
    %div3A_36 = arith.constant 1.000000e+04 : f32
    %div3A_37 = vector.broadcast %div3A_36 : f32 to vector<1x128xf32>
    %div3A_38 = arith.divf %broadcast_in_dim3A_35, %div3A_37 : vector<1x128xf32>
    %add3A_39 = arith.constant 9.99999974E-6 : f32
    %add3A_40 = vector.broadcast %add3A_39 : f32 to vector<1x128xf32>
    %add3A_41 = arith.addf %div3A_38, %add3A_40 : vector<1x128xf32>
    %rsqrt3A = math.rsqrt %add3A_41 : vector<1x128xf32>
    %mul3A_42 = vector.broadcast %rsqrt3A : vector<1x128xf32> to vector<10000x128xf32>
    %mul3A_43 = arith.mulf %sub3A_31, %mul3A_42 : vector<10000x128xf32>
    %mul3A_44 = vector.broadcast %get3A_24 : vector<1x128xf32> to vector<10000x128xf32>
    %mul3A_45 = arith.mulf %mul3A_44, %mul3A_43 : vector<10000x128xf32>
    %add3A_46 = vector.broadcast %get3A_27 : vector<1x128xf32> to vector<10000x128xf32>
    %add3A_47 = arith.addf %mul3A_45, %add3A_46 : vector<10000x128xf32>
    %max3A = arith.constant 0.000000e+00 : f32
    %max3A_48 = vector.broadcast %max3A : f32 to vector<10000x128xf32>
    %max3A_49 = arith.maximumf %add3A_47, %max3A_48 : vector<10000x128xf32>
    %get3A_50 = arith.constant 0 : index
    %get3A_51 = arith.constant 0 : index
    %get3A_52 = vector.load %arg2[%get3A_50, %get3A_51] : memref<10000x1xf32, #tpu.memory_space<vmem>>, vector<10000x1xf32>
    %mul3A_53 = vector.broadcast %get3A_52 : vector<10000x1xf32> to vector<10000x128xf32>
    %mul3A_54 = arith.mulf %max3A_49, %mul3A_53 : vector<10000x128xf32>
    %swap3A = arith.constant 0 : index
    %swap3A_55 = arith.constant 0 : index
    %swap3A_56 = vector.load %arg7[%swap3A, %swap3A_55] : memref<10000x128xf32, #tpu.memory_space<vmem>>, vector<10000x128xf32>
    tpu.vector_store %arg7[%swap3A, %swap3A_55], %mul3A_54 {strides = array<i32>} : memref<10000x128xf32, #tpu.memory_space<vmem>>, vector<10000x128xf32>,
    return
  }
}

module attributes {stable_mosaic.version = 14 : i64} {
  func.func @body(%arg0: memref<2x10240x128xf32, #tpu.memory_space<vmem>>, %arg1: memref<10000x1xf32, #tpu.memory_space<vmem>>, %arg2: memref<128x128xf32, #tpu.memory_space<vmem>>, %arg3: memref<1x128xf32, #tpu.memory_space<vmem>>, %arg4: memref<1x128xf32, #tpu.memory_space<vmem>>, %arg5: memref<1x128xf32, #tpu.memory_space<vmem>>, %arg6: memref<128x128xf32, #tpu.memory_space<vmem>>, %arg7: memref<1x128xf32, #tpu.memory_space<vmem>>, %arg8: memref<10000x128xf32, #tpu.memory_space<vmem>>) attributes {dimension_semantics = [], scalar_prefetch = 0 : i64, scratch_operands = 0 : i64, tpu.core_type = #tpu.core_type<tc>} {
    %get3A = arith.constant 0 : index
    %get3A_0 = arith.constant 0 : index
    %get3A_1 = arith.constant 0 : index
    %get3A_2 = vector.load %arg0[%get3A, %get3A_0, %get3A_1] : memref<2x10240x128xf32, #tpu.memory_space<vmem>>, vector<1x10000x128xf32>
    %get3A_3 = vector.shape_cast %get3A_2 : vector<1x10000x128xf32> to vector<10000x128xf32>
    %get3A_4 = arith.constant 1 : index
    %get3A_5 = arith.constant 0 : index
    %get3A_6 = arith.constant 0 : index
    %get3A_7 = vector.load %arg0[%get3A_4, %get3A_5, %get3A_6] : memref<2x10240x128xf32, #tpu.memory_space<vmem>>, vector<1x10000x128xf32>
    %get3A_8 = vector.shape_cast %get3A_7 : vector<1x10000x128xf32> to vector<10000x128xf32>
    %add3A = arith.addf %get3A_3, %get3A_8 : vector<10000x128xf32>
    %get3A_9 = arith.constant 0 : index
    %get3A_10 = arith.constant 0 : index
    %get3A_11 = vector.load %arg1[%get3A_9, %get3A_10] : memref<10000x1xf32, #tpu.memory_space<vmem>>, vector<10000x1xf32>
    %mul3A = vector.broadcast %get3A_11 : vector<10000x1xf32> to vector<10000x128xf32>
    %mul3A_12 = arith.mulf %add3A, %mul3A : vector<10000x128xf32>
    %get3A_13 = arith.constant 0 : index
    %get3A_14 = arith.constant 0 : index
    %get3A_15 = vector.load %arg2[%get3A_13, %get3A_14] : memref<128x128xf32, #tpu.memory_space<vmem>>, vector<128x128xf32>
    %dot_general3A = arith.constant dense<0.000000e+00> : vector<10000x128xf32>
    %dot_general3A_16 = tpu.matmul %mul3A_12, %get3A_15, %dot_general3A {dimension_numbers = #tpu.dot_dimension_numbers<[1], [0], [0], [1], [0, 0, 1, 1], [], []>, transpose_lhs_hint = false} : vector<10000x128xf32>, vector<128x128xf32>, vector<10000x128xf32> -> vector<10000x128xf32>
    %get3A_17 = arith.constant 0 : index
    %get3A_18 = arith.constant 0 : index
    %get3A_19 = vector.load %arg3[%get3A_17, %get3A_18] : memref<1x128xf32, #tpu.memory_space<vmem>>, vector<1x128xf32>
    %add3A_20 = vector.broadcast %get3A_19 : vector<1x128xf32> to vector<10000x128xf32>
    %add3A_21 = arith.addf %dot_general3A_16, %add3A_20 : vector<10000x128xf32>
    %get3A_22 = arith.constant 0 : index
    %get3A_23 = arith.constant 0 : index
    %get3A_24 = vector.load %arg4[%get3A_22, %get3A_23] : memref<1x128xf32, #tpu.memory_space<vmem>>, vector<1x128xf32>
    %get3A_25 = arith.constant 0 : index
    %get3A_26 = arith.constant 0 : index
    %get3A_27 = vector.load %arg5[%get3A_25, %get3A_26] : memref<1x128xf32, #tpu.memory_space<vmem>>, vector<1x128xf32>
    %reduce_sum3A = arith.constant dense<0.000000e+00> : vector<128xf32>
    %reduce_sum3A_28 = vector.multi_reduction <add>, %add3A_21, %reduce_sum3A [0] : vector<10000x128xf32> to vector<128xf32>
    %broadcast_in_dim3A = vector.shape_cast %reduce_sum3A_28 : vector<128xf32> to vector<1x128xf32>
    %div3A = arith.constant 1.000000e+04 : f32
    %div3A_29 = vector.broadcast %div3A : f32 to vector<1x128xf32>
    %div3A_30 = arith.divf %broadcast_in_dim3A, %div3A_29 : vector<1x128xf32>
    %sub3A = vector.broadcast %div3A_30 : vector<1x128xf32> to vector<10000x128xf32>
    %sub3A_31 = arith.subf %add3A_21, %sub3A : vector<10000x128xf32>
    %mul3A_32 = arith.mulf %sub3A_31, %sub3A_31 : vector<10000x128xf32>
    %reduce_sum3A_33 = arith.constant dense<0.000000e+00> : vector<128xf32>
    %reduce_sum3A_34 = vector.multi_reduction <add>, %mul3A_32, %reduce_sum3A_33 [0] : vector<10000x128xf32> to vector<128xf32>
    %broadcast_in_dim3A_35 = vector.shape_cast %reduce_sum3A_34 : vector<128xf32> to vector<1x128xf32>
    %div3A_36 = arith.constant 1.000000e+04 : f32
    %div3A_37 = vector.broadcast %div3A_36 : f32 to vector<1x128xf32>
    %div3A_38 = arith.divf %broadcast_in_dim3A_35, %div3A_37 : vector<1x128xf32>
    %add3A_39 = arith.constant 9.99999974E-6 : f32
    %add3A_40 = vector.broadcast %add3A_39 : f32 to vector<1x128xf32>
    %add3A_41 = arith.addf %div3A_38, %add3A_40 : vector<1x128xf32>
    %rsqrt3A = math.rsqrt %add3A_41 : vector<1x128xf32>
    %mul3A_42 = vector.broadcast %rsqrt3A : vector<1x128xf32> to vector<10000x128xf32>
    %mul3A_43 = arith.mulf %sub3A_31, %mul3A_42 : vector<10000x128xf32>
    %mul3A_44 = vector.broadcast %get3A_24 : vector<1x128xf32> to vector<10000x128xf32>
    %mul3A_45 = arith.mulf %mul3A_44, %mul3A_43 : vector<10000x128xf32>
    %add3A_46 = vector.broadcast %get3A_27 : vector<1x128xf32> to vector<10000x128xf32>
    %add3A_47 = arith.addf %mul3A_45, %add3A_46 : vector<10000x128xf32>
    %max3A = arith.constant 0.000000e+00 : f32
    %max3A_48 = vector.broadcast %max3A : f32 to vector<10000x128xf32>
    %max3A_49 = arith.maximumf %add3A_47, %max3A_48 : vector<10000x128xf32>
    %get3A_50 = arith.constant 0 : index
    %get3A_51 = arith.constant 0 : index
    %get3A_52 = vector.load %arg6[%get3A_50, %get3A_51] : memref<128x128xf32, #tpu.memory_space<vmem>>, vector<128x128xf32>
    %dot_general3A_53 = arith.constant dense<0.000000e+00> : vector<10000x128xf32>
    %dot_general3A_54 = tpu.matmul %max3A_49, %get3A_52, %dot_general3A_53 {dimension_numbers = #tpu.dot_dimension_numbers<[1], [0], [0], [1], [0, 0, 1, 1], [], []>, transpose_lhs_hint = false} : vector<10000x128xf32>, vector<128x128xf32>, vector<10000x128xf32> -> vector<10000x128xf32>
    %get3A_55 = arith.constant 0 : index
    %get3A_56 = arith.constant 0 : index
    %get3A_57 = vector.load %arg7[%get3A_55, %get3A_56] : memref<1x128xf32, #tpu.memory_space<vmem>>, vector<1x128xf32>
    %add3A_58 = vector.broadcast %get3A_57 : vector<1x128xf32> to vector<10000x128xf32>
    %add3A_59 = arith.addf %dot_general3A_54, %add3A_58 : vector<10000x128xf32>
    %swap3A = arith.constant 0 : index
    %swap3A_60 = arith.constant 0 : index
    %swap3A_61 = vector.load %arg8[%swap3A, %swap3A_60] : memref<10000x128xf32, #tpu.memory_space<vmem>>, vector<10000x128xf32>
    tpu.vector_store %arg8[%swap3A, %swap3A_60], %add3A_59 {strides = array<i32>} : memref<10000x128xf32, #tpu.memory_space<vmem>>, vector<10000x128xf32>,
    return
  }
}

</mosaic_0001>

<sc_bundles>
// kernel: kernel.10.cloned.1.call-start
scs
__scs_entry_jumppad:
0x0: {  	(pc) =	sbr.rel $0x88, $3  }
0x1: {  	(tag) =	ssettag $0x0;
	lr =	simm.s32 $0x1  }
0x2: {  	[smem:$0x3F91] =	sst lr;
	_ =	strace $0xD0000000  }
0x3: {  	_ = 	snop  }
0x4: {  	_ = 	snop  }
0x5: {  	_ = 	snop  }
0x6: {  	_ = 	snop  }
0x7: {  	_ = 	snop  }
__scs_overlays_trampoline_lowered:
0x8: {  	[smem:$0x3FA0] =	sst s0  }
0x9: {  	[smem:$0x3FA1] =	sst s1  }
0xa: {  	[smem:$0x3FA2] =	sst s2  }
0xb: {  	[smem:$0x3FA3] =	sst s3  }
0xc: {  	[smem:$0x3FA4] =	sst s4  }
0xd: {  	[smem:$0x3FA5] =	sst s5  }
0xe: {  	[smem:$0x3FA6] =	sst s6  }
0xf: {  	[smem:$0x3FA7] =	sst s7  }
0x10: {  	[smem:$0x3FA8] =	sst s8  }
0x11: {  	[smem:$0x3FA9] =	sst s9;
	s0 =	simm.s32 @!p0 $0x0  }
0x12: {  	s1 =	sld [smem:$0x3F8F];
	s0 =	simm.s32 @p0 $0x1  }
0x13: {  	[smem:$0x3FAA] =	sst s0;
	s0 =	simm.s32 @!p1 $0x0  }
0x14: {  	s2 =	sld [smem:$0x3F8E];
	s0 =	simm.s32 @p1 $0x1  }
0x15: {  	[smem:$0x3FAB] =	sst s0;
	s0 =	simm.s32 @!p2 $0x0  }
0x16: {  	s3 =	sld [smem:$0x3FDB];
	s0 =	simm.s32 @p2 $0x1  }
0x17: {  	s4 =	simm.s32 $0x1BF5;
	[smem:$0x3FAD] =	sst s0  }
0x18: {  	s0 =	sld [smem:$0x3F90];
	_ =	swait.ge [sflag:s4], $0x0  }
0x19: {  	s7 =	sld [smem:$0x3F91]  }
0x1a: {  	s8 =	sadd.s32 $0xFFFFE003, lr  }
0x1b: {  	s9 =	sadd.s32 $0xFFFFFEF7, lr;
	s5 =	simm.s32 $0xFFFFFFFF;
	p2 =	slt.u32 s8, $0xFFFFF086  }
0x1c: {  	p1 =	slt.u32 s9, $0xF7A;
	s5 =	simm.s32 @!p2 $0x0  }
0x1d: {  	s5 =	simm.s32 @p1 $0x1;
	p0 =	seq.s32 s7, s2  }
0x1e: {  	s7 =	smul.u32 @!p0 $0xF7A, s2;
	p2 =	seq.s32 @!p0 s5, $0x0  }
0x1f: {  	s9 =	smul.u32 $0xF7A, s1;
	s8 =	simm.s32 @!p0 $0x1BF5;
	p2 =	por !p2, p0  }
0x20: {  	[sflag:s8] =	ssyncset.s32 @!p0 $0xFFFFF086;
	s6 =	sadd.s32 @!p0 s3, s7;
	s7 =	simm.s32 @!p0 $0x108  }
0x21: {  	s3 =	sadd.s32 s3, s9;
	s6 =	sadd.s32 @!p0 $0x88, s6;
	s7 =	simm.s32 @p2 $0x1082  }
0x22: {  	[simem:s7], [sflag:s8] =	dma.local @!p0 [hbm:s6], $0xF7A  }
0x23: {  	s9 =	sor.u32 $0xD0000000, s2;
	s6 =	simm.s32 $0x108;
	_ =	swait.ge @!p0 [sflag:s8], $0x0  }
0x24: {  	s3 =	sadd.s32 $0x88, s3;
	s6 =	simm.s32 @!p1 $0x1082;
	[sflag:s4] =	ssyncset.s32 $0xFFFFF086  }
0x25: {  	[simem:s6], [sflag:s4] =	dma.local [hbm:s3], $0xF7A  }
0x26: {  	[smem:$0x3F91] =	sst s1;
	(tag) =	ssettag s2;
	_ =	strace s9  }
0x27: {  	s1 =	sld [smem:$0x3FA1]  }
0x28: {  	s2 =	sld [smem:$0x3FA2]  }
0x29: {  	s4 =	sld [smem:$0x3FA4]  }
0x2a: {  	p0 =	seq.s32 s5, $0x0;
	s5 =	sld [smem:$0x3FA5]  }
0x2b: {  	s6 =	sld [smem:$0x3FA6]  }
0x2c: {  	s7 =	sld [smem:$0x3FA7]  }
0x2d: {  	s3 =	simm.s32 $0x108;
	s8 =	sld [smem:$0x3FA8]  }
0x2e: {  	s3 =	simm.s32 @!p0 $0x1082;
	s9 =	sld [smem:$0x3FA9]  }
0x2f: {  	lr =	sadd.s32 s0, s3;
	s0 =	sld [smem:$0x3FA0]  }
0x30: {  	s3 =	sld [smem:$0x3FA3]  }
0x31: {  	[smem:$0x3FAC] =	sst s10  }
0x32: {  	s10 =	sld [smem:$0x3FAA];
	_ =	sdelay $0x3  }
0x33: {  	p0 =	seq.s32 s10, $0x1;
	s10 =	sld [smem:$0x3FAC];
	_ =	sdelay $0x3  }
0x34: {  	[smem:$0x3FAC] =	sst s10  }
0x35: {  	s10 =	sld [smem:$0x3FAB];
	_ =	sdelay $0x3  }
0x36: {  	p1 =	seq.s32 s10, $0x1;
	s10 =	sld [smem:$0x3FAC];
	_ =	sdelay $0x3  }
0x37: {  	[smem:$0x3FAC] =	sst s10  }
0x38: {  	s10 =	sld [smem:$0x3FAD]  }
0x39: {  	_ = 	snop;
	(pc) =	sbr.ind lr, $3  }
0x3a: {  	_ = 	snop  }
0x3b: {  	_ = 	snop  }
0x3c: {  	p2 =	seq.s32 s10, $0x1;
	s10 =	sld [smem:$0x3FAC]  }
0x3d: {  	_ =	shalt  }
0x3e: {  	_ =	shalt  }
0x3f: {  	_ =	shalt  }
0x40: {  	_ =	shalt  }
0x41: {  	_ =	shalt  }
0x42: {  	_ =	shalt  }
0x43: {  	_ =	shalt  }
0x44: {  	_ =	shalt  }
0x45: {  	_ =	shalt  }
0x46: {  	_ =	shalt  }
0x47: {  	_ =	shalt  }
0x48: {  	_ =	shalt  }
0x49: {  	_ =	shalt  }
0x4a: {  	_ =	shalt  }
0x4b: {  	_ =	shalt  }
0x4c: {  	_ =	shalt  }
0x4d: {  	_ =	shalt  }
0x4e: {  	_ =	shalt  }
0x4f: {  	_ =	shalt  }
0x50: {  	_ =	shalt  }
0x51: {  	_ =	shalt  }
0x52: {  	_ =	shalt  }
0x53: {  	_ =	shalt  }
0x54: {  	_ =	shalt  }
0x55: {  	_ =	shalt  }
0x56: {  	_ =	shalt  }
0x57: {  	_ =	shalt  }
0x58: {  	_ =	shalt  }
0x59: {  	_ =	shalt  }
0x5a: {  	_ =	shalt  }
0x5b: {  	_ =	shalt  }
0x5c: {  	_ =	shalt  }
0x5d: {  	_ =	shalt  }
0x5e: {  	_ =	shalt  }
0x5f: {  	_ =	shalt  }
0x60: {  	_ =	shalt  }
0x61: {  	_ =	shalt  }
0x62: {  	_ =	shalt  }
0x63: {  	_ =	shalt  }
0x64: {  	_ =	shalt  }
0x65: {  	_ =	shalt  }
0x66: {  	_ =	shalt  }
0x67: {  	_ =	shalt  }
0x68: {  	_ =	shalt  }
0x69: {  	_ =	shalt  }
0x6a: {  	_ =	shalt  }
0x6b: {  	_ =	shalt  }
0x6c: {  	_ =	shalt  }
0x6d: {  	_ =	shalt  }
0x6e: {  	_ =	shalt  }
0x6f: {  	_ =	shalt  }
0x70: {  	_ =	shalt  }
0x71: {  	_ =	shalt  }
0x72: {  	_ =	shalt  }
0x73: {  	_ =	shalt  }
0x74: {  	_ =	shalt  }
0x75: {  	_ =	shalt  }
0x76: {  	_ =	shalt  }
0x77: {  	_ =	shalt  }
0x78: {  	_ =	shalt  }
0x79: {  	_ =	shalt  }
0x7a: {  	_ =	shalt  }
0x7b: {  	_ =	shalt  }
0x7c: {  	_ =	shalt  }
0x7d: {  	_ =	shalt  }
0x7e: {  	_ =	shalt  }
0x7f: {  	_ =	shalt  }
0x80: {  	_ =	shalt  }
0x81: {  	_ =	shalt  }
0x82: {  	_ =	shalt  }
0x83: {  	_ =	shalt  }
0x84: {  	_ =	shalt  }
0x85: {  	_ =	shalt  }
0x86: {  	_ =	shalt  }
0x87: {  	_ =	shalt  }
.Lfunc_end0:
.L_simem_size_0:
called_computation_lowered:
.L_overlay_start_0:
0x88: {  	s2 =	sld [smem:$0x3FD9]  }
0x89: {  	s3 =	sld [smem:$0x3FFE];
	_ =	sdelay $0x1  }
0x8a: {  	s1 =	srdreg.scid  }
0x8b: {  	s0 =	sand.u32 $0x1, s1  }
0x8c: {  	s17 =	sshll.u32 s0, $0xA;
	s2 =	sadd.s32 s3, s2  }
0x8d: {  	s2 =	sadd.s32 s2, s17  }
0x8e: {  	[smem:$0x3FB8] =	sst s2  }
0x8f: {  	_ = 	snop  }
0x90: {  	s2 =	sld [smem:$0x3FD0];
	(tm) =	ssettm $0x1  }
0x91: {  	s18 =	sld [smem:$0x3FFB];
	_ =	sdelay $0x3  }
0x92: {  	_ =	strace s18  }
0x93: {  	s3 =	sld [smem:$0x3FFC];
	_ =	sdelay $0x3  }
0x94: {  	_ =	strace s3  }
0x95: {  	s3 =	sld [smem:$0x3FFD];
	_ =	sdelay $0x3  }
0x96: {  	_ =	strace s3  }
0x97: {  	_ =	strace $0x8FFFFFFF  }
0x98: {  	s19 =	sld [smem:$0x3FDB];
	_ =	sdelay $0x1  }
0x99: {  	s4 =	simm.s32 $_scs_section_size  }
0x9a: {  	s5 =	simm.s32 $_size__tile_overlayer_lowered;
	s6 =	simm.s32 $_tile_overlayer_lowered  }
0x9b: {  	s22 =	simm.s32 $0x1BFF;
	s21 =	sshll.u32 s6, $0x1;
	s3 =	sadd.s32 s4, s19  }
0x9c: {  	s7 =	simm.s32 $0x0;
	s20 =	sshll.u32 s5, $0x1;
	s5 =	sadd.s32 s21, s3  }
0x9d: {  	[timem:s7], [sflag:s22] =	dma.local [hbm:s5], s20  }
0x9e: {  	_ =	swait.ge [sflag:s22], s20  }
0x9f: {  	s4 =	ssub.s32 $0x0, s20;
	[sflag:s22] =	ssyncset.done $0x0  }
0xa0: {  	[sflag:s22] =	ssyncadd.s32 s4;
	_ =	sdelay $0x1  }
0xa1: {  	s23 =	simm.s32 $0x1B8B  }
0xa2: {  	_ =	swait.ge [sflag:s23], $0x1  }
0xa3: {  	[sflag:s23] =	ssyncset.done $0x0  }
0xa4: {  	s25 =	simm.s32 $0x1B8E;
	s24 =	sld [smem:$0x3FFE];
	[sflag:s23] =	ssyncadd.s32 $0xFFFFFFFF  }
0xa5: {  	s26 =	simm.s32 $execute0_lowered;
	[smem:$0x3FD2] =	sst s25  }
0xa6: {  	s5 =	sshll.u32 s26, $0x1;
	_ =	strace $0x80000046;
	[dreg:$0x1] =	wrdreg $0xFFFFFFFF  }
0xa7: {  	s28 =	simm.s32 $_size_execute0_lowered;
	s3 =	sadd.s32 s3, s5;
	[dreg:$0x0] =	wrdreg $0x0  }
0xa8: {  	s5 =	sshll.u32 s28, $0x1;
	[dreg:$0x2] =	wrdreg s3  }
0xa9: {  	[dreg:$0x3] =	wrdreg s5  }
0xaa: {  	[dreg:$0x4] =	wrdreg $0xC0  }
0xab: {  	_ =	task [dreg:s7], $0x5FFFF  }
0xac: {  	[dreg:$0x1] =	wrdreg $0xFFFFFFFF  }
0xad: {  	[dreg:$0x0] =	wrdreg $0x60  }
0xae: {  	[dreg:$0x2] =	wrdreg s2  }
0xaf: {  	[dreg:$0x3] =	wrdreg s24  }
0xb0: {  	[dreg:$0x4] =	wrdreg $0x0  }
0xb1: {  	[dreg:$0x5] =	wrdreg $0x9  }
0xb2: {  	_ =	task.clear_ibuf [dreg:s7], $0x6FFFF;
	_ =	strace $0x90000046  }
0xb3: {  	s29 =	simm.s32 $0x9;
	_ =	strace $0x80000048  }
0xb4: {  	_ =	swait.ge [sflag:s29], $0x1  }
0xb5: {  	[sflag:s29] =	ssyncadd.s32 $0xFFFFFFFF  }
0xb6: {  	_ =	strace $0x90000048  }
0xb7: {  	_ =	sfence  }
0xb8: {  	s30 =	sld [smem:$0x0];
	_ =	sdelay $0x2  }
0xb9: {  	s31 =	sshll.u32 s1, $0xD;
	s1 =	sshrl.u32 s1, $0x2  }
0xba: {  	s3 =	sand.u32 $0x4000, s31;
	s1 =	sadd.s32 s1, s30  }
0xbb: {  	s0 =	sor.u32 s3, s0;
	s1 =	sshll.u32 s1, $0x11  }
0xbc: {  	s0 =	sor.u32 s1, s0  }
0xbd: {  	s0 =	sadd.s32 $0x8F2B, s0  }
0xbe: {  	[sflag:s0] =	ssyncadd.remote.s32 $0x1  }
0xbf: {  	_ =	sfence.sel $0xFFFF  }
0xc0: {  	[dreg:$0x0] =	wrdreg $0xFFFFFFFF;
	(pc) =	sbr.abs _section_cstart, $3  }
0xc1: {  	[dreg:$0x1] =	wrdreg $0xFFFFFFFF  }
0xc2: {  	_ =	task.clear_ibuf [dreg:s7], $0x2FFFF;
	_ =	strace $0x9FFFFFFF  }
0xc3: {  	(tm) =	ssettm $0x7FFFFFFF  }
tec
execute0_lowered:
.L_overlay_start_1:
0x0: {  	(tag) =	ssettag $0x1  }
0x1: {  	s6 =	rddreg [dreg:$0x0]  }
0x2: {  	s7 =	rddreg [dreg:$0x1]  }
0x3: {  	s2 =	rddreg [dreg:$0x2]  }
0x4: {  	s0 =	rddreg [dreg:$0x3]  }
0x5: {  	s4 =	srdreg.scid;
	s1 =	stileid.u32  }
0x6: {  	s3 =	simm.s32 $0x0;
	s13 =	simm.s32 $0x280;
	s14 =	simm.s32 $0x80  }
0x7: {  	s15 =	simm.s32 $0x1;
	s16 =	simm.s32 $0x100;
	s28 =	smul.u32 $0x500, s1  }
0x8: {  	s17 =	simm.s32 $0x5580;
	s18 =	simm.s32 $0x0;
	s11 =	smul.u32 $0x5000, s1  }
0x9: {  	s8 =	sand.u32 $0x1, s4;
	[smem:$0x7FF] =	sst s3;
	s29 =	smul.u32 $0xA00, s1  }
0xa: {  	s4 =	sadd.s32 $0x3800, s7;
	s5 =	sshll.u32 s8, $0x7;
	s9 =	smul.u32 $0x50000, s8  }
0xb: {  	_ =	strace $0x80000047;
	s8 =	ssub.s32 $0x2, s8;
	s10 =	sor.u32 s5, s28  }
0xc: {  	s5 =	sadd.s32 $0x3600, s7;
	s30 =	sshrl.u32 s8, $0x1;
	s31 =	sshrl.u32 s29, $0x2  }
0xd: {  	s10 =	sshrl.u32 s10, $0x3;
	s9 =	sadd.s32 s11, s9;
	s12 =	ssub.s32 s8, s30  }
0xe: {  	s11 =	simm.s32 $0x2;
	s10 =	sadd.s32 s10, s7;
	s9 =	sshrl.u32 s9, $0x3  }
0xf: {  	s7 =	sadd.s32 s31, s2;
	s6 =	sadd.s32 s6, s9;
	s8 =	sadd.s32 $0x3A00, s10  }
0x10: {  	s9 =	smax.u32 s12, $0x1;
	s10 =	simm.s32 $0x300;
	s12 =	simm.s32 $0x5300  }
.LBB2_1:
0x11: {  	[tilespmem:s10], [sflag:$0x2] =	stream.linear.gather [hbm4b:s6+s3], $0x5000, $0x38;
	[tilespmem:$0x5800] =	vst v63  }
0x12: {  	_ =	swait.ge [sflag:s11], $0x5000  }
0x13: {  	[sflag:s11] =	ssyncset.done $0x0  }
0x14: {  	[sflag:s11] =	ssyncadd.s32 $0xFFFFB000  }
0x15: {  	[tilespmem:s12], [sflag:$0x2] =	stream.linear.gather [hbm4b:s4+s3], $0x280, $0x38;
	[tilespmem:$0x5800] =	vst v63  }
0x16: {  	_ =	swait.ge [sflag:s11], $0x280  }
0x17: {  	[sflag:s11] =	ssyncset.done $0x0  }
0x18: {  	[sflag:s11] =	ssyncadd.s32 $0xFFFFFD80  }
0x19: {  	[spmem:s7] =	stream.linear.scatter [tilespmem:s12], [sflag:$0x2], $0x280, $0x38;
	[tilespmem:$0x5800] =	vst v63  }
0x1a: {  	_ =	swait.ge [sflag:s11], $0x280  }
0x1b: {  	[sflag:s11] =	ssyncset.done $0x0  }
0x1c: {  	[sflag:s11] =	ssyncadd.s32 $0xFFFFFD80  }
0x1d: {  	[tilespmem:s13], [sflag:$0x2] =	stream.linear.gather [hbm4b:s5+s3], $0x80, $0x38;
	[tilespmem:$0x5800] =	vst v63  }
0x1e: {  	_ =	swait.ge [sflag:s11], $0x80  }
0x1f: {  	[sflag:s11] =	ssyncset.done $0x0  }
0x20: {  	[sflag:s11] =	ssyncadd.s32 $0xFFFFFF80  }
0x21: {  	s19 =	simm.s32 $0x300;
	[bflag:$0x0] =	sbarrier.arrive $0xFFFF  }
0x22: {  	[spmem:s2] =	stream.indirect.scatter.add.f32 [tilespmem:s13], [sflag:$0x1], $0x1, s19, s14, $0xb8;
	[tilespmem:$0x5800] =	vst v63  }
0x23: {  	s28 =	simm.s32 $0x380  }
0x24: {  	[spmem:s2] =	stream.indirect.scatter.add.f32 [tilespmem:s13], [sflag:$0x1], $0x1, s28, s14, $0xb8;
	[tilespmem:$0x5800] =	vst v63  }
0x25: {  	s29 =	simm.s32 $0x400  }
0x26: {  	[spmem:s2] =	stream.indirect.scatter.add.f32 [tilespmem:s13], [sflag:$0x1], $0x1, s29, s14, $0xb8;
	[tilespmem:$0x5800] =	vst v63  }
0x27: {  	s30 =	simm.s32 $0x480  }
0x28: {  	[spmem:s2] =	stream.indirect.scatter.add.f32 [tilespmem:s13], [sflag:$0x1], $0x1, s30, s14, $0xb8;
	[tilespmem:$0x5800] =	vst v63  }
0x29: {  	s31 =	simm.s32 $0x500  }
0x2a: {  	[spmem:s2] =	stream.indirect.scatter.add.f32 [tilespmem:s13], [sflag:$0x1], $0x1, s31, s14, $0xb8;
	[tilespmem:$0x5800] =	vst v63  }
0x2b: {  	s20 =	simm.s32 $0x580  }
0x2c: {  	[spmem:s2] =	stream.indirect.scatter.add.f32 [tilespmem:s13], [sflag:$0x1], $0x1, s20, s14, $0xb8;
	[tilespmem:$0x5800] =	vst v63  }
0x2d: {  	s21 =	simm.s32 $0x600  }
0x2e: {  	[spmem:s2] =	stream.indirect.scatter.add.f32 [tilespmem:s13], [sflag:$0x1], $0x1, s21, s14, $0xb8;
	[tilespmem:$0x5800] =	vst v63  }
0x2f: {  	s22 =	simm.s32 $0x680  }
0x30: {  	[spmem:s2] =	stream.indirect.scatter.add.f32 [tilespmem:s13], [sflag:$0x1], $0x1, s22, s14, $0xb8;
	[tilespmem:$0x5800] =	vst v63  }
0x31: {  	s23 =	simm.s32 $0x700  }
0x32: {  	[spmem:s2] =	stream.indirect.scatter.add.f32 [tilespmem:s13], [sflag:$0x1], $0x1, s23, s14, $0xb8;
	[tilespmem:$0x5800] =	vst v63  }
0x33: {  	s24 =	simm.s32 $0x780  }
0x34: {  	[spmem:s2] =	stream.indirect.scatter.add.f32 [tilespmem:s13], [sflag:$0x1], $0x1, s24, s14, $0xb8;
	[tilespmem:$0x5800] =	vst v63  }
0x35: {  	s25 =	simm.s32 $0x800  }
0x36: {  	[spmem:s2] =	stream.indirect.scatter.add.f32 [tilespmem:s13], [sflag:$0x1], $0x1, s25, s14, $0xb8;
	[tilespmem:$0x5800] =	vst v63  }
0x37: {  	s26 =	simm.s32 $0x880  }
0x38: {  	[spmem:s2] =	stream.indirect.scatter.add.f32 [tilespmem:s13], [sflag:$0x1], $0x1, s26, s14, $0xb8;
	[tilespmem:$0x5800] =	vst v63  }
0x39: {  	s28 =	simm.s32 $0x900  }
0x3a: {  	[spmem:s2] =	stream.indirect.scatter.add.f32 [tilespmem:s13], [sflag:$0x1], $0x1, s28, s14, $0xb8;
	[tilespmem:$0x5800] =	vst v63  }
0x3b: {  	s29 =	simm.s32 $0x980  }
0x3c: {  	[spmem:s2] =	stream.indirect.scatter.add.f32 [tilespmem:s13], [sflag:$0x1], $0x1, s29, s14, $0xb8;
	[tilespmem:$0x5800] =	vst v63  }
0x3d: {  	s30 =	simm.s32 $0xA00  }
0x3e: {  	[spmem:s2] =	stream.indirect.scatter.add.f32 [tilespmem:s13], [sflag:$0x1], $0x1, s30, s14, $0xb8;
	[tilespmem:$0x5800] =	vst v63  }
0x3f: {  	s31 =	simm.s32 $0xA80  }
0x40: {  	[spmem:s2] =	stream.indirect.scatter.add.f32 [tilespmem:s13], [sflag:$0x1], $0x1, s31, s14, $0xb8;
	[tilespmem:$0x5800] =	vst v63  }
0x41: {  	_ =	swait.ge [sflag:s15], $0x80  }
0x42: {  	[sflag:s15] =	ssyncset.done $0x0  }
0x43: {  	[sflag:s15] =	ssyncadd.s32 $0xFFFFFF80  }
0x44: {  	_ =	swait.ge [sflag:s15], $0x80  }
0x45: {  	[sflag:s15] =	ssyncset.done $0x0  }
0x46: {  	[sflag:s15] =	ssyncadd.s32 $0xFFFFFF80  }
0x47: {  	_ =	swait.ge [sflag:s15], $0x80  }
0x48: {  	[sflag:s15] =	ssyncset.done $0x0  }
0x49: {  	[sflag:s15] =	ssyncadd.s32 $0xFFFFFF80  }
0x4a: {  	_ =	swait.ge [sflag:s15], $0x80  }
0x4b: {  	[sflag:s15] =	ssyncset.done $0x0  }
0x4c: {  	[sflag:s15] =	ssyncadd.s32 $0xFFFFFF80  }
0x4d: {  	_ =	swait.ge [sflag:s15], $0x80  }
0x4e: {  	[sflag:s15] =	ssyncset.done $0x0  }
0x4f: {  	[sflag:s15] =	ssyncadd.s32 $0xFFFFFF80  }
0x50: {  	_ =	swait.ge [sflag:s15], $0x80  }
0x51: {  	[sflag:s15] =	ssyncset.done $0x0  }
0x52: {  	[sflag:s15] =	ssyncadd.s32 $0xFFFFFF80  }
0x53: {  	_ =	swait.ge [sflag:s15], $0x80  }
0x54: {  	[sflag:s15] =	ssyncset.done $0x0  }
0x55: {  	[sflag:s15] =	ssyncadd.s32 $0xFFFFFF80  }
0x56: {  	_ =	swait.ge [sflag:s15], $0x80  }
0x57: {  	[sflag:s15] =	ssyncset.done $0x0  }
0x58: {  	[sflag:s15] =	ssyncadd.s32 $0xFFFFFF80  }
0x59: {  	_ =	swait.ge [sflag:s15], $0x80  }
0x5a: {  	[sflag:s15] =	ssyncset.done $0x0  }
0x5b: {  	[sflag:s15] =	ssyncadd.s32 $0xFFFFFF80  }
0x5c: {  	_ =	swait.ge [sflag:s15], $0x80  }
0x5d: {  	[sflag:s15] =	ssyncset.done $0x0  }
0x5e: {  	[sflag:s15] =	ssyncadd.s32 $0xFFFFFF80  }
0x5f: {  	_ =	swait.ge [sflag:s15], $0x80  }
0x60: {  	[sflag:s15] =	ssyncset.done $0x0  }
0x61: {  	[sflag:s15] =	ssyncadd.s32 $0xFFFFFF80  }
0x62: {  	_ =	swait.ge [sflag:s15], $0x80  }
0x63: {  	[sflag:s15] =	ssyncset.done $0x0  }
0x64: {  	[sflag:s15] =	ssyncadd.s32 $0xFFFFFF80  }
0x65: {  	_ =	swait.ge [sflag:s15], $0x80  }
0x66: {  	[sflag:s15] =	ssyncset.done $0x0  }
0x67: {  	[sflag:s15] =	ssyncadd.s32 $0xFFFFFF80  }
0x68: {  	_ =	swait.ge [sflag:s15], $0x80  }
0x69: {  	[sflag:s15] =	ssyncset.done $0x0  }
0x6a: {  	[sflag:s15] =	ssyncadd.s32 $0xFFFFFF80  }
0x6b: {  	_ =	swait.ge [sflag:s15], $0x80  }
0x6c: {  	[sflag:s15] =	ssyncset.done $0x0  }
0x6d: {  	[sflag:s15] =	ssyncadd.s32 $0xFFFFFF80  }
0x6e: {  	_ =	swait.ge [sflag:s15], $0x80  }
0x6f: {  	s21 =	simm.s32 $0x800;
	s22 =	simm.s32 $0x4000;
	[sflag:s15] =	ssyncset.done $0x0  }
.LBB2_2:
0x70: {  	s23 =	sadd.s32 $0x300, s21  }
0x71: {  	[sflag:s15] =	ssyncadd.s32 $0xFFFFFF80;
	s20 =	smov.u32 s22;
	s19 =	sadd.s32 $0x2000, s22  }
0x72: {  	[spmem:s2] =	stream.indirect.scatter.add.f32 [tilespmem:s13], [sflag:$0x1], $0x1, s23, s14, $0xb8;
	[tilespmem:$0x5800] =	vst v63  }
0x73: {  	p0 =	sne.s32 s22, $0x12000;
	s22 =	sadd.s32 $0x380, s21  }
0x74: {  	[spmem:s2] =	stream.indirect.scatter.add.f32 [tilespmem:s13], [sflag:$0x1], $0x1, s22, s14, $0xb8;
	[tilespmem:$0x5800] =	vst v63  }
0x75: {  	s22 =	sadd.s32 $0x400, s21  }
0x76: {  	[spmem:s2] =	stream.indirect.scatter.add.f32 [tilespmem:s13], [sflag:$0x1], $0x1, s22, s14, $0xb8;
	[tilespmem:$0x5800] =	vst v63  }
0x77: {  	s22 =	sadd.s32 $0x480, s21  }
0x78: {  	[spmem:s2] =	stream.indirect.scatter.add.f32 [tilespmem:s13], [sflag:$0x1], $0x1, s22, s14, $0xb8;
	[tilespmem:$0x5800] =	vst v63  }
0x79: {  	s22 =	sadd.s32 $0x500, s21  }
0x7a: {  	[spmem:s2] =	stream.indirect.scatter.add.f32 [tilespmem:s13], [sflag:$0x1], $0x1, s22, s14, $0xb8;
	[tilespmem:$0x5800] =	vst v63  }
0x7b: {  	s22 =	sadd.s32 $0x580, s21  }
0x7c: {  	[spmem:s2] =	stream.indirect.scatter.add.f32 [tilespmem:s13], [sflag:$0x1], $0x1, s22, s14, $0xb8;
	[tilespmem:$0x5800] =	vst v63  }
0x7d: {  	s22 =	sadd.s32 $0x600, s21  }
0x7e: {  	[spmem:s2] =	stream.indirect.scatter.add.f32 [tilespmem:s13], [sflag:$0x1], $0x1, s22, s14, $0xb8;
	[tilespmem:$0x5800] =	vst v63  }
0x7f: {  	s22 =	sadd.s32 $0x680, s21  }
0x80: {  	[spmem:s2] =	stream.indirect.scatter.add.f32 [tilespmem:s13], [sflag:$0x1], $0x1, s22, s14, $0xb8;
	[tilespmem:$0x5800] =	vst v63  }
0x81: {  	s22 =	sadd.s32 $0x700, s21  }
0x82: {  	[spmem:s2] =	stream.indirect.scatter.add.f32 [tilespmem:s13], [sflag:$0x1], $0x1, s22, s14, $0xb8;
	[tilespmem:$0x5800] =	vst v63  }
0x83: {  	s22 =	sadd.s32 $0x780, s21  }
0x84: {  	[spmem:s2] =	stream.indirect.scatter.add.f32 [tilespmem:s13], [sflag:$0x1], $0x1, s22, s14, $0xb8;
	[tilespmem:$0x5800] =	vst v63  }
0x85: {  	s22 =	sadd.s32 $0x800, s21  }
0x86: {  	[spmem:s2] =	stream.indirect.scatter.add.f32 [tilespmem:s13], [sflag:$0x1], $0x1, s22, s14, $0xb8;
	[tilespmem:$0x5800] =	vst v63  }
0x87: {  	s22 =	sadd.s32 $0x880, s21  }
0x88: {  	[spmem:s2] =	stream.indirect.scatter.add.f32 [tilespmem:s13], [sflag:$0x1], $0x1, s22, s14, $0xb8;
	[tilespmem:$0x5800] =	vst v63  }
0x89: {  	s22 =	sadd.s32 $0x900, s21  }
0x8a: {  	[spmem:s2] =	stream.indirect.scatter.add.f32 [tilespmem:s13], [sflag:$0x1], $0x1, s22, s14, $0xb8;
	[tilespmem:$0x5800] =	vst v63  }
0x8b: {  	s22 =	sadd.s32 $0x980, s21  }
0x8c: {  	[spmem:s2] =	stream.indirect.scatter.add.f32 [tilespmem:s13], [sflag:$0x1], $0x1, s22, s14, $0xb8;
	[tilespmem:$0x5800] =	vst v63  }
0x8d: {  	s22 =	sadd.s32 $0xA00, s21  }
0x8e: {  	[spmem:s2] =	stream.indirect.scatter.add.f32 [tilespmem:s13], [sflag:$0x1], $0x1, s22, s14, $0xb8;
	[tilespmem:$0x5800] =	vst v63  }
0x8f: {  	s21 =	sadd.s32 $0xA80, s21  }
0x90: {  	[spmem:s2] =	stream.indirect.scatter.add.f32 [tilespmem:s13], [sflag:$0x1], $0x1, s21, s14, $0xb8;
	[tilespmem:$0x5800] =	vst v63  }
0x91: {  	_ =	swait.ge [sflag:s15], $0x80  }
0x92: {  	[sflag:s15] =	ssyncset.done $0x0  }
0x93: {  	[sflag:s15] =	ssyncadd.s32 $0xFFFFFF80  }
0x94: {  	_ =	swait.ge [sflag:s15], $0x80  }
0x95: {  	[sflag:s15] =	ssyncset.done $0x0  }
0x96: {  	[sflag:s15] =	ssyncadd.s32 $0xFFFFFF80  }
0x97: {  	_ =	swait.ge [sflag:s15], $0x80  }
0x98: {  	[sflag:s15] =	ssyncset.done $0x0  }
0x99: {  	[sflag:s15] =	ssyncadd.s32 $0xFFFFFF80  }
0x9a: {  	_ =	swait.ge [sflag:s15], $0x80  }
0x9b: {  	[sflag:s15] =	ssyncset.done $0x0  }
0x9c: {  	[sflag:s15] =	ssyncadd.s32 $0xFFFFFF80  }
0x9d: {  	_ =	swait.ge [sflag:s15], $0x80  }
0x9e: {  	[sflag:s15] =	ssyncset.done $0x0  }
0x9f: {  	[sflag:s15] =	ssyncadd.s32 $0xFFFFFF80  }
0xa0: {  	_ =	swait.ge [sflag:s15], $0x80  }
0xa1: {  	[sflag:s15] =	ssyncset.done $0x0  }
0xa2: {  	[sflag:s15] =	ssyncadd.s32 $0xFFFFFF80  }
0xa3: {  	_ =	swait.ge [sflag:s15], $0x80  }
0xa4: {  	[sflag:s15] =	ssyncset.done $0x0  }
0xa5: {  	[sflag:s15] =	ssyncadd.s32 $0xFFFFFF80  }
0xa6: {  	_ =	swait.ge [sflag:s15], $0x80  }
0xa7: {  	[sflag:s15] =	ssyncset.done $0x0  }
0xa8: {  	[sflag:s15] =	ssyncadd.s32 $0xFFFFFF80  }
0xa9: {  	_ =	swait.ge [sflag:s15], $0x80  }
0xaa: {  	[sflag:s15] =	ssyncset.done $0x0  }
0xab: {  	[sflag:s15] =	ssyncadd.s32 $0xFFFFFF80  }
0xac: {  	_ =	swait.ge [sflag:s15], $0x80  }
0xad: {  	[sflag:s15] =	ssyncset.done $0x0  }
0xae: {  	[sflag:s15] =	ssyncadd.s32 $0xFFFFFF80  }
0xaf: {  	_ =	swait.ge [sflag:s15], $0x80  }
0xb0: {  	[sflag:s15] =	ssyncset.done $0x0  }
0xb1: {  	[sflag:s15] =	ssyncadd.s32 $0xFFFFFF80  }
0xb2: {  	_ =	swait.ge [sflag:s15], $0x80  }
0xb3: {  	[sflag:s15] =	ssyncset.done $0x0  }
0xb4: {  	[sflag:s15] =	ssyncadd.s32 $0xFFFFFF80  }
0xb5: {  	_ =	swait.ge [sflag:s15], $0x80  }
0xb6: {  	[sflag:s15] =	ssyncset.done $0x0  }
0xb7: {  	[sflag:s15] =	ssyncadd.s32 $0xFFFFFF80  }
0xb8: {  	_ =	swait.ge [sflag:s15], $0x80  }
0xb9: {  	[sflag:s15] =	ssyncset.done $0x0  }
0xba: {  	[sflag:s15] =	ssyncadd.s32 $0xFFFFFF80  }
.Ltmp0:
0xbb: {  	_ =	swait.ge [sflag:s15], $0x80;
	(pc) =	sbr.rel @p0 .LBB2_2-.Ltmp0, $4  }
0xbc: {  	[sflag:s15] =	ssyncset.done $0x0  }
0xbd: {  	[sflag:s15] =	ssyncadd.s32 $0xFFFFFF80  }
0xbe: {  	_ =	swait.ge [sflag:s15], $0x80  }
0xbf: {  	s22 =	smov.u32 s19;
	s21 =	sshra.s32 s20, $0x2;
	[sflag:s15] =	ssyncset.done $0x0  }
0xc0: {  	s19 =	sadd.s32 $0x300, s21;
	[sflag:s15] =	ssyncadd.s32 $0xFFFFFF80  }
0xc1: {  	[spmem:s2] =	stream.indirect.scatter.add.f32 [tilespmem:s13], [sflag:$0x1], $0x1, s19, s14, $0xb8;
	[tilespmem:$0x5800] =	vst v63  }
0xc2: {  	s26 =	sadd.s32 $0x380, s21  }
0xc3: {  	[spmem:s2] =	stream.indirect.scatter.add.f32 [tilespmem:s13], [sflag:$0x1], $0x1, s26, s14, $0xb8;
	[tilespmem:$0x5800] =	vst v63  }
0xc4: {  	s28 =	sadd.s32 $0x400, s21  }
0xc5: {  	[spmem:s2] =	stream.indirect.scatter.add.f32 [tilespmem:s13], [sflag:$0x1], $0x1, s28, s14, $0xb8;
	[tilespmem:$0x5800] =	vst v63  }
0xc6: {  	s29 =	sadd.s32 $0x480, s21  }
0xc7: {  	[spmem:s2] =	stream.indirect.scatter.add.f32 [tilespmem:s13], [sflag:$0x1], $0x1, s29, s14, $0xb8;
	[tilespmem:$0x5800] =	vst v63  }
0xc8: {  	s30 =	sadd.s32 $0x500, s21  }
0xc9: {  	[spmem:s2] =	stream.indirect.scatter.add.f32 [tilespmem:s13], [sflag:$0x1], $0x1, s30, s14, $0xb8;
	[tilespmem:$0x5800] =	vst v63  }
0xca: {  	s31 =	sadd.s32 $0x580, s21  }
0xcb: {  	[spmem:s2] =	stream.indirect.scatter.add.f32 [tilespmem:s13], [sflag:$0x1], $0x1, s31, s14, $0xb8;
	[tilespmem:$0x5800] =	vst v63  }
0xcc: {  	s20 =	sadd.s32 $0x600, s21  }
0xcd: {  	[spmem:s2] =	stream.indirect.scatter.add.f32 [tilespmem:s13], [sflag:$0x1], $0x1, s20, s14, $0xb8;
	[tilespmem:$0x5800] =	vst v63  }
0xce: {  	s22 =	sadd.s32 $0x680, s21  }
0xcf: {  	[spmem:s2] =	stream.indirect.scatter.add.f32 [tilespmem:s13], [sflag:$0x1], $0x1, s22, s14, $0xb8;
	[tilespmem:$0x5800] =	vst v63  }
0xd0: {  	s23 =	sadd.s32 $0x700, s21  }
0xd1: {  	[spmem:s2] =	stream.indirect.scatter.add.f32 [tilespmem:s13], [sflag:$0x1], $0x1, s23, s14, $0xb8;
	[tilespmem:$0x5800] =	vst v63  }
0xd2: {  	s24 =	sadd.s32 $0x780, s21  }
0xd3: {  	[spmem:s2] =	stream.indirect.scatter.add.f32 [tilespmem:s13], [sflag:$0x1], $0x1, s24, s14, $0xb8;
	[tilespmem:$0x5800] =	vst v63  }
0xd4: {  	s25 =	sadd.s32 $0x800, s21  }
0xd5: {  	[spmem:s2] =	stream.indirect.scatter.add.f32 [tilespmem:s13], [sflag:$0x1], $0x1, s25, s14, $0xb8;
	[tilespmem:$0x5800] =	vst v63  }
0xd6: {  	s26 =	sadd.s32 $0x880, s21  }
0xd7: {  	[spmem:s2] =	stream.indirect.scatter.add.f32 [tilespmem:s13], [sflag:$0x1], $0x1, s26, s14, $0xb8;
	[tilespmem:$0x5800] =	vst v63  }
0xd8: {  	s28 =	sadd.s32 $0x900, s21  }
0xd9: {  	[spmem:s2] =	stream.indirect.scatter.add.f32 [tilespmem:s13], [sflag:$0x1], $0x1, s28, s14, $0xb8;
	[tilespmem:$0x5800] =	vst v63  }
0xda: {  	s29 =	sadd.s32 $0x980, s21  }
0xdb: {  	[spmem:s2] =	stream.indirect.scatter.add.f32 [tilespmem:s13], [sflag:$0x1], $0x1, s29, s14, $0xb8;
	[tilespmem:$0x5800] =	vst v63  }
0xdc: {  	s30 =	sadd.s32 $0xA00, s21  }
0xdd: {  	[spmem:s2] =	stream.indirect.scatter.add.f32 [tilespmem:s13], [sflag:$0x1], $0x1, s30, s14, $0xb8;
	[tilespmem:$0x5800] =	vst v63  }
0xde: {  	s31 =	sadd.s32 $0xA80, s21  }
0xdf: {  	[spmem:s2] =	stream.indirect.scatter.add.f32 [tilespmem:s13], [sflag:$0x1], $0x1, s31, s14, $0xb8;
	[tilespmem:$0x5800] =	vst v63  }
0xe0: {  	_ =	swait.ge [sflag:s15], $0x80  }
0xe1: {  	[sflag:s15] =	ssyncset.done $0x0  }
0xe2: {  	[sflag:s15] =	ssyncadd.s32 $0xFFFFFF80  }
0xe3: {  	_ =	swait.ge [sflag:s15], $0x80  }
0xe4: {  	[sflag:s15] =	ssyncset.done $0x0  }
0xe5: {  	[sflag:s15] =	ssyncadd.s32 $0xFFFFFF80  }
0xe6: {  	_ =	swait.ge [sflag:s15], $0x80  }
0xe7: {  	[sflag:s15] =	ssyncset.done $0x0  }
0xe8: {  	[sflag:s15] =	ssyncadd.s32 $0xFFFFFF80  }
0xe9: {  	_ =	swait.ge [sflag:s15], $0x80  }
0xea: {  	[sflag:s15] =	ssyncset.done $0x0  }
0xeb: {  	[sflag:s15] =	ssyncadd.s32 $0xFFFFFF80  }
0xec: {  	_ =	swait.ge [sflag:s15], $0x80  }
0xed: {  	[sflag:s15] =	ssyncset.done $0x0  }
0xee: {  	[sflag:s15] =	ssyncadd.s32 $0xFFFFFF80  }
0xef: {  	_ =	swait.ge [sflag:s15], $0x80  }
0xf0: {  	[sflag:s15] =	ssyncset.done $0x0  }
0xf1: {  	[sflag:s15] =	ssyncadd.s32 $0xFFFFFF80  }
0xf2: {  	_ =	swait.ge [sflag:s15], $0x80  }
0xf3: {  	[sflag:s15] =	ssyncset.done $0x0  }
0xf4: {  	[sflag:s15] =	ssyncadd.s32 $0xFFFFFF80  }
0xf5: {  	_ =	swait.ge [sflag:s15], $0x80  }
0xf6: {  	[sflag:s15] =	ssyncset.done $0x0  }
0xf7: {  	[sflag:s15] =	ssyncadd.s32 $0xFFFFFF80  }
0xf8: {  	_ =	swait.ge [sflag:s15], $0x80  }
0xf9: {  	[sflag:s15] =	ssyncset.done $0x0  }
0xfa: {  	[sflag:s15] =	ssyncadd.s32 $0xFFFFFF80  }
0xfb: {  	_ =	swait.ge [sflag:s15], $0x80  }
0xfc: {  	[sflag:s15] =	ssyncset.done $0x0  }
0xfd: {  	[sflag:s15] =	ssyncadd.s32 $0xFFFFFF80  }
0xfe: {  	_ =	swait.ge [sflag:s15], $0x80  }
0xff: {  	[sflag:s15] =	ssyncset.done $0x0  }
0x100: {  	[sflag:s15] =	ssyncadd.s32 $0xFFFFFF80  }
0x101: {  	_ =	swait.ge [sflag:s15], $0x80  }
0x102: {  	[sflag:s15] =	ssyncset.done $0x0  }
0x103: {  	[sflag:s15] =	ssyncadd.s32 $0xFFFFFF80  }
0x104: {  	_ =	swait.ge [sflag:s15], $0x80  }
0x105: {  	[sflag:s15] =	ssyncset.done $0x0  }
0x106: {  	[sflag:s15] =	ssyncadd.s32 $0xFFFFFF80  }
0x107: {  	_ =	swait.ge [sflag:s15], $0x80  }
0x108: {  	[sflag:s15] =	ssyncset.done $0x0  }
0x109: {  	[sflag:s15] =	ssyncadd.s32 $0xFFFFFF80  }
0x10a: {  	_ =	swait.ge [sflag:s15], $0x80  }
0x10b: {  	[sflag:s15] =	ssyncset.done $0x0  }
0x10c: {  	[sflag:s15] =	ssyncadd.s32 $0xFFFFFF80  }
0x10d: {  	_ =	swait.ge [sflag:s15], $0x80  }
0x10e: {  	[sflag:s15] =	ssyncset.done $0x0  }
0x10f: {  	[sflag:s15] =	ssyncadd.s32 $0xFFFFFF80  }
0x110: {  	[bflag:$0x0] =	sbarrier.arrive $0xFFFF  }
0x111: {  	[tilespmem:s12], [sflag:$0x2] =	stream.linear.gather [spmem:s7], $0x280, $0x38;
	[tilespmem:$0x5800] =	vst v63  }
0x112: {  	_ =	swait.ge [sflag:s11], $0x280  }
0x113: {  	[sflag:s11] =	ssyncset.done $0x0  }
0x114: {  	s20 =	simm.s32 $0x0;
	[sflag:s11] =	ssyncadd.s32 $0xFFFFFD80  }
0x115: {  	v0 =	vld [tilespmem:s20+$0x5300];
	_ =	sdelay $0x4  }
0x116: {  	s19 =	simm.s32 $0x10;
	v0 =	vmax.f32 v0, $1.000000000e+00  }
0x117: {  	v1 =	vld [tilespmem:s19+$0x5300];
	v2 =	vshrl.u32 v0, $0x1;
	v6 =	vmul.f32 $5.000000000e-01, v0  }
0x118: {  	v2 =	vsub.s32 $0x5F3759DF, v2  }
0x119: {  	v0 =	vmul.f32 v2, v6;
	_ =	sdelay $0x1  }
0x11a: {  	s21 =	simm.s32 $0x20;
	v3 =	vmul.f32 v2, v0  }
0x11b: {  	v0 =	vmax.f32 v1, $1.000000000e+00;
	v1 =	vld [tilespmem:s21+$0x5300]  }
0x11c: {  	v4 =	vshrl.u32 v0, $0x1;
	v0 =	vmul.f32 $5.000000000e-01, v0;
	v3 =	vsub.f32 $1.500000000e+00, v3  }
0x11d: {  	v4 =	vsub.s32 $0x5F3759DF, v4  }
0x11e: {  	v5 =	vmul.f32 v4, v0;
	v3 =	vmul.f32 v2, v3;
	_ =	sdelay $0x1  }
0x11f: {  	s22 =	simm.s32 $0x30;
	v1 =	vmax.f32 v1, $1.000000000e+00;
	v5 =	vmul.f32 v4, v5;
	v7 =	vmul.f32 v3, v6  }
0x120: {  	v8 =	vld [tilespmem:s22+$0x5300];
	v9 =	vshrl.u32 v1, $0x1;
	v2 =	vmul.f32 $5.000000000e-01, v1  }
0x121: {  	v1 =	vsub.f32 $1.500000000e+00, v5;
	v5 =	vmul.f32 v7, v3;
	v7 =	vsub.s32 $0x5F3759DF, v9  }
0x122: {  	v9 =	vmul.f32 v7, v2  }
0x123: {  	v4 =	vmul.f32 v4, v1;
	v1 =	vsub.f32 $1.500000000e+00, v5  }
0x124: {  	v5 =	vmul.f32 v7, v9  }
0x125: {  	s23 =	simm.s32 $0x40;
	v8 =	vmax.f32 v8, $1.000000000e+00;
	v9 =	vmul.f32 v4, v0;
	v1 =	vmul.f32 v1, v3  }
0x126: {  	v10 =	vshrl.u32 v8, $0x1;
	v3 =	vmul.f32 $5.000000000e-01, v8;
	v8 =	vld [tilespmem:s23+$0x5300];
	v11 =	vsub.f32 $1.500000000e+00, v5  }
0x127: {  	v9 =	vmul.f32 v9, v4;
	v5 =	vsub.s32 $0x5F3759DF, v10;
	v12 =	vmul.f32 v1, v6  }
0x128: {  	v10 =	vmul.f32 v5, v3  }
0x129: {  	s24 =	simm.s32 $0x140;
	v6 =	vmul.f32 v7, v11;
	v9 =	vsub.f32 $1.500000000e+00, v9;
	v7 =	vmul.f32 v12, v1  }
.LBB2_4:
0x12a: {  	s25 =	smov.u32 s22  }
0x12b: {  	v11 =	vmax.f32 v8, $1.000000000e+00;
	v10 =	vmul.f32 v5, v10;
	v12 =	vmul.f32 v6, v2;
	s22 =	smov.u32 s23;
	s23 =	sshra.s32 s24, $0x2;
	p0 =	sne.s32 s24, $0x9C0  }
.Ltmp1:
0x12c: {  	v8 =	vld [tilespmem:s23+$0x5300];
	v13 =	vshrl.u32 v11, $0x1;
	v9 =	vmul.f32 v9, v4;
	v7 =	vsub.f32 $1.500000000e+00, v7;
	v4 =	vmovc v6;
	(pc) =	sbr.rel @p0 .LBB2_4-.Ltmp1, $4  }
0x12d: {  	s24 =	sadd.s32 $0x40, s24;
	v11 =	vmul.f32 $5.000000000e-01, v11;
	v6 =	vsub.f32 $1.500000000e+00, v10;
	v12 =	vmul.f32 v12, v4  }
0x12e: {  	v13 =	vsub.s32 $0x5F3759DF, v13;
	v14 =	vmul.f32 v9, v0;
	v15 =	vmul.f32 v7, v1;
	v1 =	vmovc v9;
	v0 =	vmovc v2  }
0x12f: {  	v10 =	vmul.f32 v13, v11;
	v2 =	vmovc v3;
	v3 =	vmovc v11;
	v6 =	vmul.f32 v5, v6;
	v5 =	vmov v13  }
0x130: {  	v9 =	vsub.f32 $1.500000000e+00, v12;
	v7 =	vmul.f32 v14, v1;
	[tilespmem:s20+$0x5580] =	vst v15;
	s20 =	smov.u32 s19;
	s19 =	smov.u32 s21;
	s21 =	smov.u32 s25  }
0x131: {  	v8 =	vmax.f32 v8, $1.000000000e+00  }
0x132: {  	v11 =	vshrl.u32 v8, $0x1;
	v8 =	vmul.f32 $5.000000000e-01, v8  }
0x133: {  	v11 =	vsub.s32 $0x5F3759DF, v11  }
0x134: {  	v12 =	vmul.f32 v11, v8  }
0x135: {  	v10 =	vmul.f32 v5, v10  }
0x136: {  	v12 =	vmul.f32 v11, v12  }
0x137: {  	v10 =	vsub.f32 $1.500000000e+00, v10  }
0x138: {  	v12 =	vsub.f32 $1.500000000e+00, v12  }
0x139: {  	v50 =	vmul.f32 v5, v10  }
0x13a: {  	v51 =	vmul.f32 v6, v2;
	v11 =	vmul.f32 v11, v12  }
0x13b: {  	v52 =	vmul.f32 v50, v3  }
0x13c: {  	v10 =	vmul.f32 v51, v6;
	v13 =	vmul.f32 v11, v8  }
0x13d: {  	v12 =	vmul.f32 v52, v50  }
0x13e: {  	v10 =	vsub.f32 $1.500000000e+00, v10;
	v13 =	vmul.f32 v13, v11  }
0x13f: {  	v4 =	vmul.f32 v9, v4;
	v53 =	vsub.f32 $1.500000000e+00, v12  }
0x140: {  	v54 =	vmul.f32 v10, v6;
	v55 =	vsub.f32 $1.500000000e+00, v13  }
0x141: {  	v0 =	vmul.f32 v4, v0;
	v5 =	vmul.f32 v53, v50  }
0x142: {  	v56 =	vmul.f32 v54, v2;
	v57 =	vmul.f32 v55, v11  }
0x143: {  	v0 =	vmul.f32 v0, v4;
	v58 =	vmul.f32 v5, v3  }
0x144: {  	v7 =	vsub.f32 $1.500000000e+00, v7;
	v2 =	vmul.f32 v56, v54;
	v8 =	vmul.f32 v57, v8  }
0x145: {  	v0 =	vsub.f32 $1.500000000e+00, v0;
	v3 =	vmul.f32 v58, v5  }
0x146: {  	v1 =	vmul.f32 v7, v1;
	v2 =	vsub.f32 $1.500000000e+00, v2;
	v59 =	vmul.f32 v8, v57  }
0x147: {  	v0 =	vmul.f32 v0, v4;
	v3 =	vsub.f32 $1.500000000e+00, v3  }
0x148: {  	[tilespmem:s20+$0x5580] =	vst v1;
	v60 =	vmul.f32 v2, v54;
	v61 =	vsub.f32 $1.500000000e+00, v59  }
0x149: {  	[tilespmem:s19+$0x5580] =	vst v0;
	v62 =	vmul.f32 v3, v5  }
0x14a: {  	s18 =	sadd.s32 $0x1, s18;
	[tilespmem:s21+$0x5580] =	vst v60;
	v63 =	vmul.f32 v61, v57  }
0x14b: {  	p0 =	sne.s32 s18, s9;
	[tilespmem:s22+$0x5580] =	vst v62  }
.Ltmp2:
0x14c: {  	[tilespmem:s23+$0x5580] =	vst v63;
	(pc) =	sbr.rel @p0 .LBB2_1-.Ltmp2, $4  }
0x14d: {  	[hbm4b:s8+s14] =	stream.strided.scatter [tilespmem:s17], [sflag:$0x2], $0x280, s16, s14, $0x38;
	[tilespmem:$0x5800] =	vst v63  }
0x14e: {  	_ =	swait.ge [sflag:s11], $0x280  }
0x14f: {  	[sflag:s11] =	ssyncset.done $0x0  }
0x150: {  	[sflag:s11] =	ssyncadd.s32 $0xFFFFFD80  }
0x151: {  	_ =	sfence.sel $0x180000  }
0x152: {  	[bflag:$0x0] =	sbarrier.arrive $0xFFFF  }
0x153: {  	p0 =	sne.s32 s1, $0x0;
	_ =	strace $0x90000047  }
0x154: {  	s0 =	sadd.s32 @!p0 $0x100000, s0;
	[bflag:$0x2] =	sbarrier.arrive $0xFFFF  }
0x155: {  	[sflag:s0] =	ssyncadd.tile.s32 @!p0 $0x1;
	_ =	shalt  }
.Lfunc_end2:
_tile_overlayer_lowered:
.L_overlay_start_2:
0x156: {  	(tag) =	ssettag $0x2  }
0x157: {  	s0 =	rddreg [dreg:$0x0];
	s2 =	stileid.u32  }
0x158: {  	s1 =	rddreg [dreg:$0x1];
	p0 =	sne.s32 s2, $0x0  }
0x159: {  	s3 =	rddreg [dreg:$0x2];
	[bflag:$0x3] =	sbarrier.arrive $0xFFFF;
	s2 =	simm.s32 @!p0 $0x1C02  }
0x15a: {  	[timem:s3], [sflag:s2] =	dma.local @!p0 [hbm:s0], s1  }
0x15b: {  	s0 =	simm.s32 @!p0 $0x2  }
0x15c: {  	_ =	swait.ge @!p0 [sflag:s0], s1  }
0x15d: {  	s1 =	ssub.s32 @!p0 $0x0, s1;
	[sflag:s0] =	ssyncset.done @!p0 $0x0  }
0x15e: {  	[sflag:s0] =	ssyncadd.s32 @!p0 s1  }
0x15f: {  	[bflag:$0x3] =	sbarrier.arrive $0xFFFF  }
0x160: {  	_ =	shalt  }

// kernel: kernel.13.cloned.1.call-start
scs
__scs_entry_jumppad:
0x0: {  	(pc) =	sbr.rel $0x88, $3  }
0x1: {  	(tag) =	ssettag $0x0;
	lr =	simm.s32 $0x1  }
0x2: {  	[smem:$0x3F91] =	sst lr;
	_ =	strace $0xD0000000  }
0x3: {  	_ = 	snop  }
0x4: {  	_ = 	snop  }
0x5: {  	_ = 	snop  }
0x6: {  	_ = 	snop  }
0x7: {  	_ = 	snop  }
__scs_overlays_trampoline_lowered:
0x8: {  	[smem:$0x3FA0] =	sst s0  }
0x9: {  	[smem:$0x3FA1] =	sst s1  }
0xa: {  	[smem:$0x3FA2] =	sst s2  }
0xb: {  	[smem:$0x3FA3] =	sst s3  }
0xc: {  	[smem:$0x3FA4] =	sst s4  }
0xd: {  	[smem:$0x3FA5] =	sst s5  }
0xe: {  	[smem:$0x3FA6] =	sst s6  }
0xf: {  	[smem:$0x3FA7] =	sst s7  }
0x10: {  	[smem:$0x3FA8] =	sst s8  }
0x11: {  	[smem:$0x3FA9] =	sst s9;
	s0 =	simm.s32 @!p0 $0x0  }
0x12: {  	s1 =	sld [smem:$0x3F8F];
	s0 =	simm.s32 @p0 $0x1  }
0x13: {  	[smem:$0x3FAA] =	sst s0;
	s0 =	simm.s32 @!p1 $0x0  }
0x14: {  	s2 =	sld [smem:$0x3F8E];
	s0 =	simm.s32 @p1 $0x1  }
0x15: {  	[smem:$0x3FAB] =	sst s0;
	s0 =	simm.s32 @!p2 $0x0  }
0x16: {  	s3 =	sld [smem:$0x3FDB];
	s0 =	simm.s32 @p2 $0x1  }
0x17: {  	s4 =	simm.s32 $0x1BF5;
	[smem:$0x3FAD] =	sst s0  }
0x18: {  	s0 =	sld [smem:$0x3F90];
	_ =	swait.ge [sflag:s4], $0x0  }
0x19: {  	s7 =	sld [smem:$0x3F91]  }
0x1a: {  	s8 =	sadd.s32 $0xFFFFE003, lr  }
0x1b: {  	s9 =	sadd.s32 $0xFFFFFEF7, lr;
	s5 =	simm.s32 $0xFFFFFFFF;
	p2 =	slt.u32 s8, $0xFFFFF086  }
0x1c: {  	p1 =	slt.u32 s9, $0xF7A;
	s5 =	simm.s32 @!p2 $0x0  }
0x1d: {  	s5 =	simm.s32 @p1 $0x1;
	p0 =	seq.s32 s7, s2  }
0x1e: {  	s7 =	smul.u32 @!p0 $0xF7A, s2;
	p2 =	seq.s32 @!p0 s5, $0x0  }
0x1f: {  	s9 =	smul.u32 $0xF7A, s1;
	s8 =	simm.s32 @!p0 $0x1BF5;
	p2 =	por !p2, p0  }
0x20: {  	[sflag:s8] =	ssyncset.s32 @!p0 $0xFFFFF086;
	s6 =	sadd.s32 @!p0 s3, s7;
	s7 =	simm.s32 @!p0 $0x108  }
0x21: {  	s3 =	sadd.s32 s3, s9;
	s6 =	sadd.s32 @!p0 $0x88, s6;
	s7 =	simm.s32 @p2 $0x1082  }
0x22: {  	[simem:s7], [sflag:s8] =	dma.local @!p0 [hbm:s6], $0xF7A  }
0x23: {  	s9 =	sor.u32 $0xD0000000, s2;
	s6 =	simm.s32 $0x108;
	_ =	swait.ge @!p0 [sflag:s8], $0x0  }
0x24: {  	s3 =	sadd.s32 $0x88, s3;
	s6 =	simm.s32 @!p1 $0x1082;
	[sflag:s4] =	ssyncset.s32 $0xFFFFF086  }
0x25: {  	[simem:s6], [sflag:s4] =	dma.local [hbm:s3], $0xF7A  }
0x26: {  	[smem:$0x3F91] =	sst s1;
	(tag) =	ssettag s2;
	_ =	strace s9  }
0x27: {  	s1 =	sld [smem:$0x3FA1]  }
0x28: {  	s2 =	sld [smem:$0x3FA2]  }
0x29: {  	s4 =	sld [smem:$0x3FA4]  }
0x2a: {  	p0 =	seq.s32 s5, $0x0;
	s5 =	sld [smem:$0x3FA5]  }
0x2b: {  	s6 =	sld [smem:$0x3FA6]  }
0x2c: {  	s7 =	sld [smem:$0x3FA7]  }
0x2d: {  	s3 =	simm.s32 $0x108;
	s8 =	sld [smem:$0x3FA8]  }
0x2e: {  	s3 =	simm.s32 @!p0 $0x1082;
	s9 =	sld [smem:$0x3FA9]  }
0x2f: {  	lr =	sadd.s32 s0, s3;
	s0 =	sld [smem:$0x3FA0]  }
0x30: {  	s3 =	sld [smem:$0x3FA3]  }
0x31: {  	[smem:$0x3FAC] =	sst s10  }
0x32: {  	s10 =	sld [smem:$0x3FAA];
	_ =	sdelay $0x3  }
0x33: {  	p0 =	seq.s32 s10, $0x1;
	s10 =	sld [smem:$0x3FAC];
	_ =	sdelay $0x3  }
0x34: {  	[smem:$0x3FAC] =	sst s10  }
0x35: {  	s10 =	sld [smem:$0x3FAB];
	_ =	sdelay $0x3  }
0x36: {  	p1 =	seq.s32 s10, $0x1;
	s10 =	sld [smem:$0x3FAC];
	_ =	sdelay $0x3  }
0x37: {  	[smem:$0x3FAC] =	sst s10  }
0x38: {  	s10 =	sld [smem:$0x3FAD]  }
0x39: {  	_ = 	snop;
	(pc) =	sbr.ind lr, $3  }
0x3a: {  	_ = 	snop  }
0x3b: {  	_ = 	snop  }
0x3c: {  	p2 =	seq.s32 s10, $0x1;
	s10 =	sld [smem:$0x3FAC]  }
0x3d: {  	_ =	shalt  }
0x3e: {  	_ =	shalt  }
0x3f: {  	_ =	shalt  }
0x40: {  	_ =	shalt  }
0x41: {  	_ =	shalt  }
0x42: {  	_ =	shalt  }
0x43: {  	_ =	shalt  }
0x44: {  	_ =	shalt  }
0x45: {  	_ =	shalt  }
0x46: {  	_ =	shalt  }
0x47: {  	_ =	shalt  }
0x48: {  	_ =	shalt  }
0x49: {  	_ =	shalt  }
0x4a: {  	_ =	shalt  }
0x4b: {  	_ =	shalt  }
0x4c: {  	_ =	shalt  }
0x4d: {  	_ =	shalt  }
0x4e: {  	_ =	shalt  }
0x4f: {  	_ =	shalt  }
0x50: {  	_ =	shalt  }
0x51: {  	_ =	shalt  }
0x52: {  	_ =	shalt  }
0x53: {  	_ =	shalt  }
0x54: {  	_ =	shalt  }
0x55: {  	_ =	shalt  }
0x56: {  	_ =	shalt  }
0x57: {  	_ =	shalt  }
0x58: {  	_ =	shalt  }
0x59: {  	_ =	shalt  }
0x5a: {  	_ =	shalt  }
0x5b: {  	_ =	shalt  }
0x5c: {  	_ =	shalt  }
0x5d: {  	_ =	shalt  }
0x5e: {  	_ =	shalt  }
0x5f: {  	_ =	shalt  }
0x60: {  	_ =	shalt  }
0x61: {  	_ =	shalt  }
0x62: {  	_ =	shalt  }
0x63: {  	_ =	shalt  }
0x64: {  	_ =	shalt  }
0x65: {  	_ =	shalt  }
0x66: {  	_ =	shalt  }
0x67: {  	_ =	shalt  }
0x68: {  	_ =	shalt  }
0x69: {  	_ =	shalt  }
0x6a: {  	_ =	shalt  }
0x6b: {  	_ =	shalt  }
0x6c: {  	_ =	shalt  }
0x6d: {  	_ =	shalt  }
0x6e: {  	_ =	shalt  }
0x6f: {  	_ =	shalt  }
0x70: {  	_ =	shalt  }
0x71: {  	_ =	shalt  }
0x72: {  	_ =	shalt  }
0x73: {  	_ =	shalt  }
0x74: {  	_ =	shalt  }
0x75: {  	_ =	shalt  }
0x76: {  	_ =	shalt  }
0x77: {  	_ =	shalt  }
0x78: {  	_ =	shalt  }
0x79: {  	_ =	shalt  }
0x7a: {  	_ =	shalt  }
0x7b: {  	_ =	shalt  }
0x7c: {  	_ =	shalt  }
0x7d: {  	_ =	shalt  }
0x7e: {  	_ =	shalt  }
0x7f: {  	_ =	shalt  }
0x80: {  	_ =	shalt  }
0x81: {  	_ =	shalt  }
0x82: {  	_ =	shalt  }
0x83: {  	_ =	shalt  }
0x84: {  	_ =	shalt  }
0x85: {  	_ =	shalt  }
0x86: {  	_ =	shalt  }
0x87: {  	_ =	shalt  }
.Lfunc_end0:
.L_simem_size_0:
called_computation.1_lowered:
.L_overlay_start_0:
0x88: {  	s2 =	sld [smem:$0x3FD9]  }
0x89: {  	s3 =	sld [smem:$0x3FFE];
	_ =	sdelay $0x1  }
0x8a: {  	s1 =	srdreg.scid  }
0x8b: {  	s0 =	sand.u32 $0x1, s1  }
0x8c: {  	s17 =	sshll.u32 s0, $0xA;
	s2 =	sadd.s32 s3, s2  }
0x8d: {  	s2 =	sadd.s32 s2, s17  }
0x8e: {  	[smem:$0x3FB8] =	sst s2  }
0x8f: {  	_ = 	snop  }
0x90: {  	s2 =	sld [smem:$0x3FD0];
	(tm) =	ssettm $0x1  }
0x91: {  	s18 =	sld [smem:$0x3FFB];
	_ =	sdelay $0x3  }
0x92: {  	_ =	strace s18  }
0x93: {  	s3 =	sld [smem:$0x3FFC];
	_ =	sdelay $0x3  }
0x94: {  	_ =	strace s3  }
0x95: {  	s3 =	sld [smem:$0x3FFD];
	_ =	sdelay $0x3  }
0x96: {  	_ =	strace s3  }
0x97: {  	_ =	strace $0x8FFFFFFF  }
0x98: {  	s19 =	sld [smem:$0x3FDB];
	_ =	sdelay $0x1  }
0x99: {  	s4 =	simm.s32 $_scs_section_size  }
0x9a: {  	s5 =	simm.s32 $_size__tile_overlayer_lowered;
	s6 =	simm.s32 $_tile_overlayer_lowered  }
0x9b: {  	s22 =	simm.s32 $0x1BFF;
	s21 =	sshll.u32 s6, $0x1;
	s3 =	sadd.s32 s4, s19  }
0x9c: {  	s7 =	simm.s32 $0x0;
	s20 =	sshll.u32 s5, $0x1;
	s5 =	sadd.s32 s21, s3  }
0x9d: {  	[timem:s7], [sflag:s22] =	dma.local [hbm:s5], s20  }
0x9e: {  	_ =	swait.ge [sflag:s22], s20  }
0x9f: {  	s4 =	ssub.s32 $0x0, s20;
	[sflag:s22] =	ssyncset.done $0x0  }
0xa0: {  	[sflag:s22] =	ssyncadd.s32 s4;
	_ =	sdelay $0x1  }
0xa1: {  	s23 =	simm.s32 $0x1B8B  }
0xa2: {  	_ =	swait.ge [sflag:s23], $0x1  }
0xa3: {  	[sflag:s23] =	ssyncset.done $0x0  }
0xa4: {  	s25 =	simm.s32 $0x1B8E;
	s24 =	sld [smem:$0x3FFE];
	[sflag:s23] =	ssyncadd.s32 $0xFFFFFFFF  }
0xa5: {  	s26 =	simm.s32 $execute0_lowered;
	[smem:$0x3FD2] =	sst s25  }
0xa6: {  	s5 =	sshll.u32 s26, $0x1;
	_ =	strace $0x80000049;
	[dreg:$0x1] =	wrdreg $0xFFFFFFFF  }
0xa7: {  	s28 =	simm.s32 $_size_execute0_lowered;
	s3 =	sadd.s32 s3, s5;
	[dreg:$0x0] =	wrdreg $0x0  }
0xa8: {  	s5 =	sshll.u32 s28, $0x1;
	[dreg:$0x2] =	wrdreg s3  }
0xa9: {  	[dreg:$0x3] =	wrdreg s5  }
0xaa: {  	[dreg:$0x4] =	wrdreg $0xC0  }
0xab: {  	_ =	task [dreg:s7], $0x5FFFF  }
0xac: {  	[dreg:$0x1] =	wrdreg $0xFFFFFFFF  }
0xad: {  	[dreg:$0x0] =	wrdreg $0x60  }
0xae: {  	[dreg:$0x2] =	wrdreg s2  }
0xaf: {  	[dreg:$0x3] =	wrdreg s24  }
0xb0: {  	[dreg:$0x4] =	wrdreg $0x0  }
0xb1: {  	[dreg:$0x5] =	wrdreg $0x9  }
0xb2: {  	_ =	task.clear_ibuf [dreg:s7], $0x6FFFF;
	_ =	strace $0x90000049  }
0xb3: {  	s29 =	simm.s32 $0x9;
	_ =	strace $0x8000004B  }
0xb4: {  	_ =	swait.ge [sflag:s29], $0x1  }
0xb5: {  	[sflag:s29] =	ssyncadd.s32 $0xFFFFFFFF  }
0xb6: {  	_ =	strace $0x9000004B  }
0xb7: {  	_ =	sfence  }
0xb8: {  	s30 =	sld [smem:$0x0];
	_ =	sdelay $0x2  }
0xb9: {  	s31 =	sshll.u32 s1, $0xD;
	s1 =	sshrl.u32 s1, $0x2  }
0xba: {  	s3 =	sand.u32 $0x4000, s31;
	s1 =	sadd.s32 s1, s30  }
0xbb: {  	s0 =	sor.u32 s3, s0;
	s1 =	sshll.u32 s1, $0x11  }
0xbc: {  	s0 =	sor.u32 s1, s0  }
0xbd: {  	s0 =	sadd.s32 $0x8F2B, s0  }
0xbe: {  	[sflag:s0] =	ssyncadd.remote.s32 $0x1  }
0xbf: {  	_ =	sfence.sel $0xFFFF  }
0xc0: {  	[dreg:$0x0] =	wrdreg $0xFFFFFFFF;
	(pc) =	sbr.abs _section_cstart, $3  }
0xc1: {  	[dreg:$0x1] =	wrdreg $0xFFFFFFFF  }
0xc2: {  	_ =	task.clear_ibuf [dreg:s7], $0x2FFFF;
	_ =	strace $0x9FFFFFFF  }
0xc3: {  	(tm) =	ssettm $0x7FFFFFFF  }
tec
execute0_lowered:
.L_overlay_start_1:
0x0: {  	(tag) =	ssettag $0x1  }
0x1: {  	s1 =	rddreg [dreg:$0x0]  }
0x2: {  	s0 =	rddreg [dreg:$0x1]  }
0x3: {  	s2 =	rddreg [dreg:$0x2]  }
0x4: {  	s4 =	srdreg.scid;
	s19 =	stileid.u32  }
0x5: {  	s3 =	simm.s32 $0x0;
	s20 =	simm.s32 $0x2;
	s8 =	smul.u32 $0x50000, s19  }
0x6: {  	s21 =	simm.s32 $0x14000;
	s4 =	sand.u32 $0x1, s4;
	s11 =	smul.u32 $0x14000, s19  }
0x7: {  	[smem:$0x7FF] =	sst s3;
	s10 =	sshll.u32 s19, $0x6;
	s19 =	smul.u32 $0x500, s19  }
0x8: {  	s5 =	smul.u32 $0x5000, s4;
	_ =	strace $0x8000004A;
	s7 =	ssub.s32 $0x2, s4  }
0x9: {  	s4 =	smul.u32 $0x140000, s4;
	s9 =	sshrl.u32 s7, $0x1;
	s8 =	sshrl.u32 s8, $0x2  }
0xa: {  	s12 =	sadd.s32 $0x4000, s11;
	s13 =	sadd.s32 $0x8000, s11;
	s14 =	sadd.s32 $0xC000, s11  }
0xb: {  	s15 =	sadd.s32 $0x10000, s11;
	s6 =	sadd.s32 s5, s0;
	s5 =	sadd.s32 $0x3600, s0  }
0xc: {  	s0 =	sadd.s32 $0x18400, s0;
	s17 =	ssub.s32 s7, s9;
	s22 =	sadd.s32 s8, s2  }
0xd: {  	s7 =	sor.u32 $0x1C02, s10;
	s23 =	sadd.s32 s12, s2;
	s24 =	sadd.s32 s13, s2  }
0xe: {  	s25 =	sadd.s32 s14, s2;
	s16 =	sadd.s32 s11, s4;
	[dreg:$0x4] =	wrdreg s22  }
0xf: {  	s11 =	sadd.s32 s15, s2;
	s18 =	sadd.s32 s4, s12;
	[dreg:$0x5] =	wrdreg s23  }
0x10: {  	s28 =	sadd.s32 s4, s13;
	s14 =	sadd.s32 s4, s14;
	[dreg:$0x6] =	wrdreg s24  }
0x11: {  	s4 =	sadd.s32 s4, s15;
	[dreg:$0x7] =	wrdreg s25;
	s16 =	sshrl.u32 s16, $0x3  }
0x12: {  	s26 =	sshrl.u32 s18, $0x3;
	s29 =	sshrl.u32 s28, $0x3;
	s30 =	sshrl.u32 s14, $0x3  }
0x13: {  	s4 =	sshrl.u32 s4, $0x3;
	s17 =	smax.u32 s17, $0x1;
	s31 =	sadd.s32 s19, s6  }
0x14: {  	s22 =	simm.s32 $0x14080;
	s23 =	simm.s32 $0x80;
	s24 =	simm.s32 $0x14100  }
0x15: {  	s25 =	simm.s32 $0x1;
	s12 =	sadd.s32 s0, s16;
	s13 =	sadd.s32 s0, s26  }
0x16: {  	s14 =	sadd.s32 s0, s29;
	s15 =	sadd.s32 s0, s30;
	s16 =	sadd.s32 s0, s4  }
0x17: {  	s18 =	sadd.s32 $0xE400, s31;
	s19 =	sadd.s32 $0x4400, s31;
	s26 =	simm.s32 $0x0  }
.LBB2_1:
0x18: {  	s0 =	rddreg [dreg:$0x4]  }
0x19: {  	s28 =	sshrl.u32 s0, $0x3  }
0x1a: {  	[spmem:s28], [sflag:s7] =	dma.local [hbm:s5], $0x800  }
0x1b: {  	_ =	swait.ge [sflag:s20], $0x800  }
0x1c: {  	[sflag:s20] =	ssyncset.done $0x0;
	s6 =	rddreg [dreg:$0x5]  }
0x1d: {  	[sflag:s20] =	ssyncadd.s32 $0xFFFFF800;
	s29 =	sshrl.u32 s6, $0x3  }
0x1e: {  	[spmem:s29], [sflag:s7] =	dma.local [hbm:s5], $0x800  }
0x1f: {  	_ =	swait.ge [sflag:s20], $0x800  }
0x20: {  	[sflag:s20] =	ssyncset.done $0x0;
	s8 =	rddreg [dreg:$0x6]  }
0x21: {  	[sflag:s20] =	ssyncadd.s32 $0xFFFFF800;
	s30 =	sshrl.u32 s8, $0x3  }
0x22: {  	[spmem:s30], [sflag:s7] =	dma.local [hbm:s5], $0x800  }
0x23: {  	_ =	swait.ge [sflag:s20], $0x800  }
0x24: {  	[sflag:s20] =	ssyncset.done $0x0;
	s9 =	rddreg [dreg:$0x7]  }
0x25: {  	[sflag:s20] =	ssyncadd.s32 $0xFFFFF800;
	s31 =	sshrl.u32 s9, $0x3  }
0x26: {  	[spmem:s31], [sflag:s7] =	dma.local [hbm:s5], $0x800  }
0x27: {  	_ =	swait.ge [sflag:s20], $0x800  }
0x28: {  	[sflag:s20] =	ssyncset.done $0x0  }
0x29: {  	s0 =	sshrl.u32 s11, $0x3;
	[sflag:s20] =	ssyncadd.s32 $0xFFFFF800  }
0x2a: {  	[spmem:s0], [sflag:s7] =	dma.local [hbm:s5], $0x800  }
0x2b: {  	_ =	swait.ge [sflag:s20], $0x800  }
0x2c: {  	[sflag:s20] =	ssyncset.done $0x0  }
0x2d: {  	[sflag:s20] =	ssyncadd.s32 $0xFFFFF800  }
0x2e: {  	s4 =	sadd.s32 $0x0, s19;
	[bflag:$0x0] =	sbarrier.arrive $0xFFFF  }
0x2f: {  	[tilespmem:s21], [sflag:$0x2] =	stream.linear.gather [hbm4b:s4+s3], $0x80, $0x38;
	[tilespmem:$0x18100] =	vst v63  }
0x30: {  	_ =	swait.ge [sflag:s20], $0x80  }
0x31: {  	[sflag:s20] =	ssyncset.done $0x0  }
0x32: {  	s10 =	sadd.s32 $0x0, s18;
	[sflag:s20] =	ssyncadd.s32 $0xFFFFFF80  }
0x33: {  	[tilespmem:s22], [sflag:$0x2] =	stream.linear.gather [hbm4b:s10+s3], $0x80, $0x38;
	[tilespmem:$0x18100] =	vst v63  }
0x34: {  	_ =	swait.ge [sflag:s20], $0x80  }
0x35: {  	[sflag:s20] =	ssyncset.done $0x0  }
0x36: {  	[sflag:s20] =	ssyncadd.s32 $0xFFFFFF80  }
0x37: {  	[tilespmem:s24], [sflag:$0x1] =	stream.indirect.gather [hbm4b:s1+s23], $0x80, s21, s23, $0xb8;
	[tilespmem:$0x18100] =	vst v63  }
0x38: {  	_ =	swait.ge [sflag:s25], $0x4000  }
0x39: {  	[sflag:s25] =	ssyncset.done $0x0  }
0x3a: {  	[sflag:s25] =	ssyncadd.s32 $0xFFFFC000  }
0x3b: {  	[spmem:s2] =	stream.indirect.scatter.add.f32 [tilespmem:s24], [sflag:$0x2], $0x80, s22, s23, $0xb8;
	[tilespmem:$0x18100] =	vst v63  }
0x3c: {  	_ =	swait.ge [sflag:s20], $0x4000  }
0x3d: {  	s6 =	simm.s32 $0x20;
	s4 =	simm.s32 $0x10;
	[sflag:s20] =	ssyncset.done $0x0  }
.LBB2_2:
0x3e: {  	s8 =	sadd.s32 s4, s19  }
0x3f: {  	[sflag:s20] =	ssyncadd.s32 $0xFFFFC000;
	s9 =	smov.u32 s6;
	s10 =	sadd.s32 $0x10, s6  }
0x40: {  	[tilespmem:s21], [sflag:$0x2] =	stream.linear.gather [hbm4b:s8+s3], $0x80, $0x38;
	[tilespmem:$0x18100] =	vst v63  }
0x41: {  	p0 =	sne.s32 s6, $0x4F0;
	_ =	swait.ge [sflag:s20], $0x80  }
0x42: {  	[sflag:s20] =	ssyncset.done $0x0  }
0x43: {  	s6 =	sadd.s32 s4, s18;
	s4 =	smov.u32 s9;
	[sflag:s20] =	ssyncadd.s32 $0xFFFFFF80  }
0x44: {  	[tilespmem:s22], [sflag:$0x2] =	stream.linear.gather [hbm4b:s6+s3], $0x80, $0x38;
	[tilespmem:$0x18100] =	vst v63  }
0x45: {  	_ =	swait.ge [sflag:s20], $0x80  }
0x46: {  	[sflag:s20] =	ssyncset.done $0x0  }
0x47: {  	[sflag:s20] =	ssyncadd.s32 $0xFFFFFF80  }
0x48: {  	[tilespmem:s24], [sflag:$0x1] =	stream.indirect.gather [hbm4b:s1+s23], $0x80, s21, s23, $0xb8;
	[tilespmem:$0x18100] =	vst v63  }
0x49: {  	_ =	swait.ge [sflag:s25], $0x4000  }
.Ltmp0:
0x4a: {  	[sflag:s25] =	ssyncset.done $0x0;
	(pc) =	sbr.rel @p0 .LBB2_2-.Ltmp0, $4  }
0x4b: {  	[sflag:s25] =	ssyncadd.s32 $0xFFFFC000  }
0x4c: {  	[spmem:s2] =	stream.indirect.scatter.add.f32 [tilespmem:s24], [sflag:$0x2], $0x80, s22, s23, $0xb8;
	[tilespmem:$0x18100] =	vst v63  }
0x4d: {  	_ =	swait.ge [sflag:s20], $0x4000  }
0x4e: {  	s6 =	smov.u32 s10;
	[sflag:s20] =	ssyncset.done $0x0  }
0x4f: {  	s6 =	sadd.s32 s4, s19;
	[sflag:s20] =	ssyncadd.s32 $0xFFFFC000  }
0x50: {  	[tilespmem:s21], [sflag:$0x2] =	stream.linear.gather [hbm4b:s6+s3], $0x80, $0x38;
	[tilespmem:$0x18100] =	vst v63  }
0x51: {  	_ =	swait.ge [sflag:s20], $0x80  }
0x52: {  	[sflag:s20] =	ssyncset.done $0x0  }
0x53: {  	s10 =	sadd.s32 s4, s18;
	[sflag:s20] =	ssyncadd.s32 $0xFFFFFF80  }
0x54: {  	[tilespmem:s22], [sflag:$0x2] =	stream.linear.gather [hbm4b:s10+s3], $0x80, $0x38;
	[tilespmem:$0x18100] =	vst v63  }
0x55: {  	_ =	swait.ge [sflag:s20], $0x80  }
0x56: {  	[sflag:s20] =	ssyncset.done $0x0  }
0x57: {  	[sflag:s20] =	ssyncadd.s32 $0xFFFFFF80  }
0x58: {  	[tilespmem:s24], [sflag:$0x1] =	stream.indirect.gather [hbm4b:s1+s23], $0x80, s21, s23, $0xb8;
	[tilespmem:$0x18100] =	vst v63  }
0x59: {  	_ =	swait.ge [sflag:s25], $0x4000  }
0x5a: {  	[sflag:s25] =	ssyncset.done $0x0  }
0x5b: {  	[sflag:s25] =	ssyncadd.s32 $0xFFFFC000  }
0x5c: {  	[spmem:s2] =	stream.indirect.scatter.add.f32 [tilespmem:s24], [sflag:$0x2], $0x80, s22, s23, $0xb8;
	[tilespmem:$0x18100] =	vst v63  }
0x5d: {  	_ =	swait.ge [sflag:s20], $0x4000  }
0x5e: {  	[sflag:s20] =	ssyncset.done $0x0  }
0x5f: {  	[sflag:s20] =	ssyncadd.s32 $0xFFFFC000  }
0x60: {  	[bflag:$0x0] =	sbarrier.arrive $0xFFFF  }
0x61: {  	[hbm:s12], [sflag:s7] =	dma.local [spmem:s28], $0x800  }
0x62: {  	_ =	swait.ge [sflag:s20], $0x800  }
0x63: {  	[sflag:s20] =	ssyncset.done $0x0  }
0x64: {  	[sflag:s20] =	ssyncadd.s32 $0xFFFFF800  }
0x65: {  	[hbm:s13], [sflag:s7] =	dma.local [spmem:s29], $0x800  }
0x66: {  	_ =	swait.ge [sflag:s20], $0x800  }
0x67: {  	[sflag:s20] =	ssyncset.done $0x0  }
0x68: {  	[sflag:s20] =	ssyncadd.s32 $0xFFFFF800  }
0x69: {  	[hbm:s14], [sflag:s7] =	dma.local [spmem:s30], $0x800  }
0x6a: {  	_ =	swait.ge [sflag:s20], $0x800  }
0x6b: {  	[sflag:s20] =	ssyncset.done $0x0  }
0x6c: {  	[sflag:s20] =	ssyncadd.s32 $0xFFFFF800  }
0x6d: {  	[hbm:s15], [sflag:s7] =	dma.local [spmem:s31], $0x800  }
0x6e: {  	s26 =	sadd.s32 $0x1, s26;
	_ =	swait.ge [sflag:s20], $0x800  }
0x6f: {  	p0 =	sne.s32 s26, s17;
	[sflag:s20] =	ssyncset.done $0x0  }
.Ltmp1:
0x70: {  	[sflag:s20] =	ssyncadd.s32 $0xFFFFF800;
	(pc) =	sbr.rel @p0 .LBB2_1-.Ltmp1, $4  }
0x71: {  	[hbm:s16], [sflag:s7] =	dma.local [spmem:s0], $0x800  }
0x72: {  	_ =	swait.ge [sflag:s20], $0x800  }
0x73: {  	[sflag:s20] =	ssyncset.done $0x0  }
0x74: {  	[sflag:s20] =	ssyncadd.s32 $0xFFFFF800  }
0x75: {  	_ =	sfence.sel $0x180000  }
0x76: {  	[bflag:$0x0] =	sbarrier.arrive $0xFFFF  }
0x77: {  	_ =	strace $0x9000004A  }
0x78: {  	s0 =	stileid.u32;
	[bflag:$0x2] =	sbarrier.arrive $0xFFFF  }
0x79: {  	p0 =	sne.s32 s0, $0x0;
	s0 =	rddreg [dreg:$0x3]  }
0x7a: {  	s0 =	sadd.s32 @!p0 $0x100000, s0  }
0x7b: {  	[sflag:s0] =	ssyncadd.tile.s32 @!p0 $0x1;
	_ =	shalt  }
.Lfunc_end2:
_tile_overlayer_lowered:
.L_overlay_start_2:
0x7c: {  	(tag) =	ssettag $0x2  }
0x7d: {  	s0 =	rddreg [dreg:$0x0];
	s2 =	stileid.u32  }
0x7e: {  	s1 =	rddreg [dreg:$0x1];
	p0 =	sne.s32 s2, $0x0  }
0x7f: {  	s3 =	rddreg [dreg:$0x2];
	[bflag:$0x3] =	sbarrier.arrive $0xFFFF;
	s2 =	simm.s32 @!p0 $0x1C02  }
0x80: {  	[timem:s3], [sflag:s2] =	dma.local @!p0 [hbm:s0], s1  }
0x81: {  	s0 =	simm.s32 @!p0 $0x2  }
0x82: {  	_ =	swait.ge @!p0 [sflag:s0], s1  }
0x83: {  	s1 =	ssub.s32 @!p0 $0x0, s1;
	[sflag:s0] =	ssyncset.done @!p0 $0x0  }
0x84: {  	[sflag:s0] =	ssyncadd.s32 @!p0 s1  }
0x85: {  	[bflag:$0x3] =	sbarrier.arrive $0xFFFF  }
0x86: {  	_ =	shalt  }

// kernel: kernel.16.cloned.1.call-start
scs
__scs_entry_jumppad:
0x0: {  	(pc) =	sbr.rel $0x88, $3  }
0x1: {  	(tag) =	ssettag $0x0;
	lr =	simm.s32 $0x1  }
0x2: {  	[smem:$0x3F91] =	sst lr;
	_ =	strace $0xD0000000  }
0x3: {  	_ = 	snop  }
0x4: {  	_ = 	snop  }
0x5: {  	_ = 	snop  }
0x6: {  	_ = 	snop  }
0x7: {  	_ = 	snop  }
__scs_overlays_trampoline_lowered:
0x8: {  	[smem:$0x3FA0] =	sst s0  }
0x9: {  	[smem:$0x3FA1] =	sst s1  }
0xa: {  	[smem:$0x3FA2] =	sst s2  }
0xb: {  	[smem:$0x3FA3] =	sst s3  }
0xc: {  	[smem:$0x3FA4] =	sst s4  }
0xd: {  	[smem:$0x3FA5] =	sst s5  }
0xe: {  	[smem:$0x3FA6] =	sst s6  }
0xf: {  	[smem:$0x3FA7] =	sst s7  }
0x10: {  	[smem:$0x3FA8] =	sst s8  }
0x11: {  	[smem:$0x3FA9] =	sst s9;
	s0 =	simm.s32 @!p0 $0x0  }
0x12: {  	s1 =	sld [smem:$0x3F8F];
	s0 =	simm.s32 @p0 $0x1  }
0x13: {  	[smem:$0x3FAA] =	sst s0;
	s0 =	simm.s32 @!p1 $0x0  }
0x14: {  	s2 =	sld [smem:$0x3F8E];
	s0 =	simm.s32 @p1 $0x1  }
0x15: {  	[smem:$0x3FAB] =	sst s0;
	s0 =	simm.s32 @!p2 $0x0  }
0x16: {  	s3 =	sld [smem:$0x3FDB];
	s0 =	simm.s32 @p2 $0x1  }
0x17: {  	s4 =	simm.s32 $0x1BF5;
	[smem:$0x3FAD] =	sst s0  }
0x18: {  	s0 =	sld [smem:$0x3F90];
	_ =	swait.ge [sflag:s4], $0x0  }
0x19: {  	s7 =	sld [smem:$0x3F91]  }
0x1a: {  	s8 =	sadd.s32 $0xFFFFE003, lr  }
0x1b: {  	s9 =	sadd.s32 $0xFFFFFEF7, lr;
	s5 =	simm.s32 $0xFFFFFFFF;
	p2 =	slt.u32 s8, $0xFFFFF086  }
0x1c: {  	p1 =	slt.u32 s9, $0xF7A;
	s5 =	simm.s32 @!p2 $0x0  }
0x1d: {  	s5 =	simm.s32 @p1 $0x1;
	p0 =	seq.s32 s7, s2  }
0x1e: {  	s7 =	smul.u32 @!p0 $0xF7A, s2;
	p2 =	seq.s32 @!p0 s5, $0x0  }
0x1f: {  	s9 =	smul.u32 $0xF7A, s1;
	s8 =	simm.s32 @!p0 $0x1BF5;
	p2 =	por !p2, p0  }
0x20: {  	[sflag:s8] =	ssyncset.s32 @!p0 $0xFFFFF086;
	s6 =	sadd.s32 @!p0 s3, s7;
	s7 =	simm.s32 @!p0 $0x108  }
0x21: {  	s3 =	sadd.s32 s3, s9;
	s6 =	sadd.s32 @!p0 $0x88, s6;
	s7 =	simm.s32 @p2 $0x1082  }
0x22: {  	[simem:s7], [sflag:s8] =	dma.local @!p0 [hbm:s6], $0xF7A  }
0x23: {  	s9 =	sor.u32 $0xD0000000, s2;
	s6 =	simm.s32 $0x108;
	_ =	swait.ge @!p0 [sflag:s8], $0x0  }
0x24: {  	s3 =	sadd.s32 $0x88, s3;
	s6 =	simm.s32 @!p1 $0x1082;
	[sflag:s4] =	ssyncset.s32 $0xFFFFF086  }
0x25: {  	[simem:s6], [sflag:s4] =	dma.local [hbm:s3], $0xF7A  }
0x26: {  	[smem:$0x3F91] =	sst s1;
	(tag) =	ssettag s2;
	_ =	strace s9  }
0x27: {  	s1 =	sld [smem:$0x3FA1]  }
0x28: {  	s2 =	sld [smem:$0x3FA2]  }
0x29: {  	s4 =	sld [smem:$0x3FA4]  }
0x2a: {  	p0 =	seq.s32 s5, $0x0;
	s5 =	sld [smem:$0x3FA5]  }
0x2b: {  	s6 =	sld [smem:$0x3FA6]  }
0x2c: {  	s7 =	sld [smem:$0x3FA7]  }
0x2d: {  	s3 =	simm.s32 $0x108;
	s8 =	sld [smem:$0x3FA8]  }
0x2e: {  	s3 =	simm.s32 @!p0 $0x1082;
	s9 =	sld [smem:$0x3FA9]  }
0x2f: {  	lr =	sadd.s32 s0, s3;
	s0 =	sld [smem:$0x3FA0]  }
0x30: {  	s3 =	sld [smem:$0x3FA3]  }
0x31: {  	[smem:$0x3FAC] =	sst s10  }
0x32: {  	s10 =	sld [smem:$0x3FAA];
	_ =	sdelay $0x3  }
0x33: {  	p0 =	seq.s32 s10, $0x1;
	s10 =	sld [smem:$0x3FAC];
	_ =	sdelay $0x3  }
0x34: {  	[smem:$0x3FAC] =	sst s10  }
0x35: {  	s10 =	sld [smem:$0x3FAB];
	_ =	sdelay $0x3  }
0x36: {  	p1 =	seq.s32 s10, $0x1;
	s10 =	sld [smem:$0x3FAC];
	_ =	sdelay $0x3  }
0x37: {  	[smem:$0x3FAC] =	sst s10  }
0x38: {  	s10 =	sld [smem:$0x3FAD]  }
0x39: {  	_ = 	snop;
	(pc) =	sbr.ind lr, $3  }
0x3a: {  	_ = 	snop  }
0x3b: {  	_ = 	snop  }
0x3c: {  	p2 =	seq.s32 s10, $0x1;
	s10 =	sld [smem:$0x3FAC]  }
0x3d: {  	_ =	shalt  }
0x3e: {  	_ =	shalt  }
0x3f: {  	_ =	shalt  }
0x40: {  	_ =	shalt  }
0x41: {  	_ =	shalt  }
0x42: {  	_ =	shalt  }
0x43: {  	_ =	shalt  }
0x44: {  	_ =	shalt  }
0x45: {  	_ =	shalt  }
0x46: {  	_ =	shalt  }
0x47: {  	_ =	shalt  }
0x48: {  	_ =	shalt  }
0x49: {  	_ =	shalt  }
0x4a: {  	_ =	shalt  }
0x4b: {  	_ =	shalt  }
0x4c: {  	_ =	shalt  }
0x4d: {  	_ =	shalt  }
0x4e: {  	_ =	shalt  }
0x4f: {  	_ =	shalt  }
0x50: {  	_ =	shalt  }
0x51: {  	_ =	shalt  }
0x52: {  	_ =	shalt  }
0x53: {  	_ =	shalt  }
0x54: {  	_ =	shalt  }
0x55: {  	_ =	shalt  }
0x56: {  	_ =	shalt  }
0x57: {  	_ =	shalt  }
0x58: {  	_ =	shalt  }
0x59: {  	_ =	shalt  }
0x5a: {  	_ =	shalt  }
0x5b: {  	_ =	shalt  }
0x5c: {  	_ =	shalt  }
0x5d: {  	_ =	shalt  }
0x5e: {  	_ =	shalt  }
0x5f: {  	_ =	shalt  }
0x60: {  	_ =	shalt  }
0x61: {  	_ =	shalt  }
0x62: {  	_ =	shalt  }
0x63: {  	_ =	shalt  }
0x64: {  	_ =	shalt  }
0x65: {  	_ =	shalt  }
0x66: {  	_ =	shalt  }
0x67: {  	_ =	shalt  }
0x68: {  	_ =	shalt  }
0x69: {  	_ =	shalt  }
0x6a: {  	_ =	shalt  }
0x6b: {  	_ =	shalt  }
0x6c: {  	_ =	shalt  }
0x6d: {  	_ =	shalt  }
0x6e: {  	_ =	shalt  }
0x6f: {  	_ =	shalt  }
0x70: {  	_ =	shalt  }
0x71: {  	_ =	shalt  }
0x72: {  	_ =	shalt  }
0x73: {  	_ =	shalt  }
0x74: {  	_ =	shalt  }
0x75: {  	_ =	shalt  }
0x76: {  	_ =	shalt  }
0x77: {  	_ =	shalt  }
0x78: {  	_ =	shalt  }
0x79: {  	_ =	shalt  }
0x7a: {  	_ =	shalt  }
0x7b: {  	_ =	shalt  }
0x7c: {  	_ =	shalt  }
0x7d: {  	_ =	shalt  }
0x7e: {  	_ =	shalt  }
0x7f: {  	_ =	shalt  }
0x80: {  	_ =	shalt  }
0x81: {  	_ =	shalt  }
0x82: {  	_ =	shalt  }
0x83: {  	_ =	shalt  }
0x84: {  	_ =	shalt  }
0x85: {  	_ =	shalt  }
0x86: {  	_ =	shalt  }
0x87: {  	_ =	shalt  }
.Lfunc_end0:
.L_simem_size_0:
called_computation.2_lowered:
.L_overlay_start_0:
0x88: {  	s2 =	sld [smem:$0x3FD9]  }
0x89: {  	s3 =	sld [smem:$0x3FFE];
	_ =	sdelay $0x1  }
0x8a: {  	s1 =	srdreg.scid  }
0x8b: {  	s0 =	sand.u32 $0x1, s1  }
0x8c: {  	s17 =	sshll.u32 s0, $0xA;
	s2 =	sadd.s32 s3, s2  }
0x8d: {  	s2 =	sadd.s32 s2, s17  }
0x8e: {  	[smem:$0x3FB8] =	sst s2  }
0x8f: {  	_ = 	snop  }
0x90: {  	s2 =	sld [smem:$0x3FD0];
	(tm) =	ssettm $0x1  }
0x91: {  	s18 =	sld [smem:$0x3FFB];
	_ =	sdelay $0x3  }
0x92: {  	_ =	strace s18  }
0x93: {  	s3 =	sld [smem:$0x3FFC];
	_ =	sdelay $0x3  }
0x94: {  	_ =	strace s3  }
0x95: {  	s3 =	sld [smem:$0x3FFD];
	_ =	sdelay $0x3  }
0x96: {  	_ =	strace s3  }
0x97: {  	_ =	strace $0x8FFFFFFF  }
0x98: {  	s19 =	sld [smem:$0x3FDB];
	_ =	sdelay $0x1  }
0x99: {  	s4 =	simm.s32 $_scs_section_size  }
0x9a: {  	s5 =	simm.s32 $_size__tile_overlayer_lowered;
	s6 =	simm.s32 $_tile_overlayer_lowered  }
0x9b: {  	s22 =	simm.s32 $0x1BFF;
	s21 =	sshll.u32 s6, $0x1;
	s3 =	sadd.s32 s4, s19  }
0x9c: {  	s7 =	simm.s32 $0x0;
	s20 =	sshll.u32 s5, $0x1;
	s5 =	sadd.s32 s21, s3  }
0x9d: {  	[timem:s7], [sflag:s22] =	dma.local [hbm:s5], s20  }
0x9e: {  	_ =	swait.ge [sflag:s22], s20  }
0x9f: {  	s4 =	ssub.s32 $0x0, s20;
	[sflag:s22] =	ssyncset.done $0x0  }
0xa0: {  	[sflag:s22] =	ssyncadd.s32 s4;
	_ =	sdelay $0x1  }
0xa1: {  	s23 =	simm.s32 $0x1B8B  }
0xa2: {  	_ =	swait.ge [sflag:s23], $0x1  }
0xa3: {  	[sflag:s23] =	ssyncset.done $0x0  }
0xa4: {  	s25 =	simm.s32 $0x1B8E;
	s24 =	sld [smem:$0x3FFE];
	[sflag:s23] =	ssyncadd.s32 $0xFFFFFFFF  }
0xa5: {  	s26 =	simm.s32 $execute0_lowered;
	[smem:$0x3FD2] =	sst s25  }
0xa6: {  	s5 =	sshll.u32 s26, $0x1;
	_ =	strace $0x8000004C;
	[dreg:$0x1] =	wrdreg $0xFFFFFFFF  }
0xa7: {  	s28 =	simm.s32 $_size_execute0_lowered;
	s3 =	sadd.s32 s3, s5;
	[dreg:$0x0] =	wrdreg $0x0  }
0xa8: {  	s5 =	sshll.u32 s28, $0x1;
	[dreg:$0x2] =	wrdreg s3  }
0xa9: {  	[dreg:$0x3] =	wrdreg s5  }
0xaa: {  	[dreg:$0x4] =	wrdreg $0xC0  }
0xab: {  	_ =	task [dreg:s7], $0x5FFFF  }
0xac: {  	[dreg:$0x1] =	wrdreg $0xFFFFFFFF  }
0xad: {  	[dreg:$0x0] =	wrdreg $0x60  }
0xae: {  	[dreg:$0x2] =	wrdreg s2  }
0xaf: {  	[dreg:$0x3] =	wrdreg s24  }
0xb0: {  	[dreg:$0x4] =	wrdreg $0x0  }
0xb1: {  	[dreg:$0x5] =	wrdreg $0x9  }
0xb2: {  	_ =	task.clear_ibuf [dreg:s7], $0x6FFFF;
	_ =	strace $0x9000004C  }
0xb3: {  	s29 =	simm.s32 $0x9;
	_ =	strace $0x8000004E  }
0xb4: {  	_ =	swait.ge [sflag:s29], $0x1  }
0xb5: {  	[sflag:s29] =	ssyncadd.s32 $0xFFFFFFFF  }
0xb6: {  	_ =	strace $0x9000004E  }
0xb7: {  	_ =	sfence  }
0xb8: {  	s30 =	sld [smem:$0x0];
	_ =	sdelay $0x2  }
0xb9: {  	s31 =	sshll.u32 s1, $0xD;
	s1 =	sshrl.u32 s1, $0x2  }
0xba: {  	s3 =	sand.u32 $0x4000, s31;
	s1 =	sadd.s32 s1, s30  }
0xbb: {  	s0 =	sor.u32 s3, s0;
	s1 =	sshll.u32 s1, $0x11  }
0xbc: {  	s0 =	sor.u32 s1, s0  }
0xbd: {  	s0 =	sadd.s32 $0x8F2B, s0  }
0xbe: {  	[sflag:s0] =	ssyncadd.remote.s32 $0x1  }
0xbf: {  	_ =	sfence.sel $0xFFFF  }
0xc0: {  	[dreg:$0x0] =	wrdreg $0xFFFFFFFF;
	(pc) =	sbr.abs _section_cstart, $3  }
0xc1: {  	[dreg:$0x1] =	wrdreg $0xFFFFFFFF  }
0xc2: {  	_ =	task.clear_ibuf [dreg:s7], $0x2FFFF;
	_ =	strace $0x9FFFFFFF  }
0xc3: {  	(tm) =	ssettm $0x7FFFFFFF  }
tec
execute0_lowered:
.L_overlay_start_1:
0x0: {  	(tag) =	ssettag $0x1  }
0x1: {  	s1 =	rddreg [dreg:$0x0]  }
0x2: {  	s0 =	rddreg [dreg:$0x1]  }
0x3: {  	s2 =	rddreg [dreg:$0x2]  }
0x4: {  	s4 =	srdreg.scid;
	s19 =	stileid.u32  }
0x5: {  	s3 =	simm.s32 $0x0;
	s20 =	simm.s32 $0x2;
	s8 =	smul.u32 $0x50000, s19  }
0x6: {  	s21 =	simm.s32 $0x14000;
	s4 =	sand.u32 $0x1, s4;
	s11 =	smul.u32 $0x14000, s19  }
0x7: {  	[smem:$0x7FF] =	sst s3;
	s10 =	sshll.u32 s19, $0x6;
	s19 =	smul.u32 $0x500, s19  }
0x8: {  	s5 =	smul.u32 $0x5000, s4;
	_ =	strace $0x8000004D;
	s7 =	ssub.s32 $0x2, s4  }
0x9: {  	s4 =	smul.u32 $0x140000, s4;
	s9 =	sshrl.u32 s7, $0x1;
	s8 =	sshrl.u32 s8, $0x2  }
0xa: {  	s12 =	sadd.s32 $0x4000, s11;
	s13 =	sadd.s32 $0x8000, s11;
	s14 =	sadd.s32 $0xC000, s11  }
0xb: {  	s15 =	sadd.s32 $0x10000, s11;
	s6 =	sadd.s32 s5, s0;
	s5 =	sadd.s32 $0x3600, s0  }
0xc: {  	s0 =	sadd.s32 $0x18400, s0;
	s17 =	ssub.s32 s7, s9;
	s22 =	sadd.s32 s8, s2  }
0xd: {  	s7 =	sor.u32 $0x1C02, s10;
	s23 =	sadd.s32 s12, s2;
	s24 =	sadd.s32 s13, s2  }
0xe: {  	s25 =	sadd.s32 s14, s2;
	s16 =	sadd.s32 s11, s4;
	[dreg:$0x4] =	wrdreg s22  }
0xf: {  	s11 =	sadd.s32 s15, s2;
	s18 =	sadd.s32 s4, s12;
	[dreg:$0x5] =	wrdreg s23  }
0x10: {  	s28 =	sadd.s32 s4, s13;
	s14 =	sadd.s32 s4, s14;
	[dreg:$0x6] =	wrdreg s24  }
0x11: {  	s4 =	sadd.s32 s4, s15;
	[dreg:$0x7] =	wrdreg s25;
	s16 =	sshrl.u32 s16, $0x3  }
0x12: {  	s26 =	sshrl.u32 s18, $0x3;
	s29 =	sshrl.u32 s28, $0x3;
	s30 =	sshrl.u32 s14, $0x3  }
0x13: {  	s4 =	sshrl.u32 s4, $0x3;
	s17 =	smax.u32 s17, $0x1;
	s31 =	sadd.s32 s19, s6  }
0x14: {  	s22 =	simm.s32 $0x14080;
	s23 =	simm.s32 $0x80;
	s24 =	simm.s32 $0x14100  }
0x15: {  	s25 =	simm.s32 $0x1;
	s12 =	sadd.s32 s0, s16;
	s13 =	sadd.s32 s0, s26  }
0x16: {  	s14 =	sadd.s32 s0, s29;
	s15 =	sadd.s32 s0, s30;
	s16 =	sadd.s32 s0, s4  }
0x17: {  	s18 =	sadd.s32 $0xE400, s31;
	s19 =	sadd.s32 $0x4400, s31;
	s26 =	simm.s32 $0x0  }
.LBB2_1:
0x18: {  	s0 =	rddreg [dreg:$0x4]  }
0x19: {  	s28 =	sshrl.u32 s0, $0x3  }
0x1a: {  	[spmem:s28], [sflag:s7] =	dma.local [hbm:s5], $0x800  }
0x1b: {  	_ =	swait.ge [sflag:s20], $0x800  }
0x1c: {  	[sflag:s20] =	ssyncset.done $0x0;
	s6 =	rddreg [dreg:$0x5]  }
0x1d: {  	[sflag:s20] =	ssyncadd.s32 $0xFFFFF800;
	s29 =	sshrl.u32 s6, $0x3  }
0x1e: {  	[spmem:s29], [sflag:s7] =	dma.local [hbm:s5], $0x800  }
0x1f: {  	_ =	swait.ge [sflag:s20], $0x800  }
0x20: {  	[sflag:s20] =	ssyncset.done $0x0;
	s8 =	rddreg [dreg:$0x6]  }
0x21: {  	[sflag:s20] =	ssyncadd.s32 $0xFFFFF800;
	s30 =	sshrl.u32 s8, $0x3  }
0x22: {  	[spmem:s30], [sflag:s7] =	dma.local [hbm:s5], $0x800  }
0x23: {  	_ =	swait.ge [sflag:s20], $0x800  }
0x24: {  	[sflag:s20] =	ssyncset.done $0x0;
	s9 =	rddreg [dreg:$0x7]  }
0x25: {  	[sflag:s20] =	ssyncadd.s32 $0xFFFFF800;
	s31 =	sshrl.u32 s9, $0x3  }
0x26: {  	[spmem:s31], [sflag:s7] =	dma.local [hbm:s5], $0x800  }
0x27: {  	_ =	swait.ge [sflag:s20], $0x800  }
0x28: {  	[sflag:s20] =	ssyncset.done $0x0  }
0x29: {  	s0 =	sshrl.u32 s11, $0x3;
	[sflag:s20] =	ssyncadd.s32 $0xFFFFF800  }
0x2a: {  	[spmem:s0], [sflag:s7] =	dma.local [hbm:s5], $0x800  }
0x2b: {  	_ =	swait.ge [sflag:s20], $0x800  }
0x2c: {  	[sflag:s20] =	ssyncset.done $0x0  }
0x2d: {  	[sflag:s20] =	ssyncadd.s32 $0xFFFFF800  }
0x2e: {  	s4 =	sadd.s32 $0x0, s19;
	[bflag:$0x0] =	sbarrier.arrive $0xFFFF  }
0x2f: {  	[tilespmem:s21], [sflag:$0x2] =	stream.linear.gather [hbm4b:s4+s3], $0x80, $0x38;
	[tilespmem:$0x18100] =	vst v63  }
0x30: {  	_ =	swait.ge [sflag:s20], $0x80  }
0x31: {  	[sflag:s20] =	ssyncset.done $0x0  }
0x32: {  	s10 =	sadd.s32 $0x0, s18;
	[sflag:s20] =	ssyncadd.s32 $0xFFFFFF80  }
0x33: {  	[tilespmem:s22], [sflag:$0x2] =	stream.linear.gather [hbm4b:s10+s3], $0x80, $0x38;
	[tilespmem:$0x18100] =	vst v63  }
0x34: {  	_ =	swait.ge [sflag:s20], $0x80  }
0x35: {  	[sflag:s20] =	ssyncset.done $0x0  }
0x36: {  	[sflag:s20] =	ssyncadd.s32 $0xFFFFFF80  }
0x37: {  	[tilespmem:s24], [sflag:$0x1] =	stream.indirect.gather [hbm4b:s1+s23], $0x80, s21, s23, $0xb8;
	[tilespmem:$0x18100] =	vst v63  }
0x38: {  	_ =	swait.ge [sflag:s25], $0x4000  }
0x39: {  	[sflag:s25] =	ssyncset.done $0x0  }
0x3a: {  	[sflag:s25] =	ssyncadd.s32 $0xFFFFC000  }
0x3b: {  	[spmem:s2] =	stream.indirect.scatter.add.f32 [tilespmem:s24], [sflag:$0x2], $0x80, s22, s23, $0xb8;
	[tilespmem:$0x18100] =	vst v63  }
0x3c: {  	_ =	swait.ge [sflag:s20], $0x4000  }
0x3d: {  	s6 =	simm.s32 $0x20;
	s4 =	simm.s32 $0x10;
	[sflag:s20] =	ssyncset.done $0x0  }
.LBB2_2:
0x3e: {  	s8 =	sadd.s32 s4, s19  }
0x3f: {  	[sflag:s20] =	ssyncadd.s32 $0xFFFFC000;
	s9 =	smov.u32 s6;
	s10 =	sadd.s32 $0x10, s6  }
0x40: {  	[tilespmem:s21], [sflag:$0x2] =	stream.linear.gather [hbm4b:s8+s3], $0x80, $0x38;
	[tilespmem:$0x18100] =	vst v63  }
0x41: {  	p0 =	sne.s32 s6, $0x4F0;
	_ =	swait.ge [sflag:s20], $0x80  }
0x42: {  	[sflag:s20] =	ssyncset.done $0x0  }
0x43: {  	s6 =	sadd.s32 s4, s18;
	s4 =	smov.u32 s9;
	[sflag:s20] =	ssyncadd.s32 $0xFFFFFF80  }
0x44: {  	[tilespmem:s22], [sflag:$0x2] =	stream.linear.gather [hbm4b:s6+s3], $0x80, $0x38;
	[tilespmem:$0x18100] =	vst v63  }
0x45: {  	_ =	swait.ge [sflag:s20], $0x80  }
0x46: {  	[sflag:s20] =	ssyncset.done $0x0  }
0x47: {  	[sflag:s20] =	ssyncadd.s32 $0xFFFFFF80  }
0x48: {  	[tilespmem:s24], [sflag:$0x1] =	stream.indirect.gather [hbm4b:s1+s23], $0x80, s21, s23, $0xb8;
	[tilespmem:$0x18100] =	vst v63  }
0x49: {  	_ =	swait.ge [sflag:s25], $0x4000  }
.Ltmp0:
0x4a: {  	[sflag:s25] =	ssyncset.done $0x0;
	(pc) =	sbr.rel @p0 .LBB2_2-.Ltmp0, $4  }
0x4b: {  	[sflag:s25] =	ssyncadd.s32 $0xFFFFC000  }
0x4c: {  	[spmem:s2] =	stream.indirect.scatter.add.f32 [tilespmem:s24], [sflag:$0x2], $0x80, s22, s23, $0xb8;
	[tilespmem:$0x18100] =	vst v63  }
0x4d: {  	_ =	swait.ge [sflag:s20], $0x4000  }
0x4e: {  	s6 =	smov.u32 s10;
	[sflag:s20] =	ssyncset.done $0x0  }
0x4f: {  	s6 =	sadd.s32 s4, s19;
	[sflag:s20] =	ssyncadd.s32 $0xFFFFC000  }
0x50: {  	[tilespmem:s21], [sflag:$0x2] =	stream.linear.gather [hbm4b:s6+s3], $0x80, $0x38;
	[tilespmem:$0x18100] =	vst v63  }
0x51: {  	_ =	swait.ge [sflag:s20], $0x80  }
0x52: {  	[sflag:s20] =	ssyncset.done $0x0  }
0x53: {  	s10 =	sadd.s32 s4, s18;
	[sflag:s20] =	ssyncadd.s32 $0xFFFFFF80  }
0x54: {  	[tilespmem:s22], [sflag:$0x2] =	stream.linear.gather [hbm4b:s10+s3], $0x80, $0x38;
	[tilespmem:$0x18100] =	vst v63  }
0x55: {  	_ =	swait.ge [sflag:s20], $0x80  }
0x56: {  	[sflag:s20] =	ssyncset.done $0x0  }
0x57: {  	[sflag:s20] =	ssyncadd.s32 $0xFFFFFF80  }
0x58: {  	[tilespmem:s24], [sflag:$0x1] =	stream.indirect.gather [hbm4b:s1+s23], $0x80, s21, s23, $0xb8;
	[tilespmem:$0x18100] =	vst v63  }
0x59: {  	_ =	swait.ge [sflag:s25], $0x4000  }
0x5a: {  	[sflag:s25] =	ssyncset.done $0x0  }
0x5b: {  	[sflag:s25] =	ssyncadd.s32 $0xFFFFC000  }
0x5c: {  	[spmem:s2] =	stream.indirect.scatter.add.f32 [tilespmem:s24], [sflag:$0x2], $0x80, s22, s23, $0xb8;
	[tilespmem:$0x18100] =	vst v63  }
0x5d: {  	_ =	swait.ge [sflag:s20], $0x4000  }
0x5e: {  	[sflag:s20] =	ssyncset.done $0x0  }
0x5f: {  	[sflag:s20] =	ssyncadd.s32 $0xFFFFC000  }
0x60: {  	[bflag:$0x0] =	sbarrier.arrive $0xFFFF  }
0x61: {  	[hbm:s12], [sflag:s7] =	dma.local [spmem:s28], $0x800  }
0x62: {  	_ =	swait.ge [sflag:s20], $0x800  }
0x63: {  	[sflag:s20] =	ssyncset.done $0x0  }
0x64: {  	[sflag:s20] =	ssyncadd.s32 $0xFFFFF800  }
0x65: {  	[hbm:s13], [sflag:s7] =	dma.local [spmem:s29], $0x800  }
0x66: {  	_ =	swait.ge [sflag:s20], $0x800  }
0x67: {  	[sflag:s20] =	ssyncset.done $0x0  }
0x68: {  	[sflag:s20] =	ssyncadd.s32 $0xFFFFF800  }
0x69: {  	[hbm:s14], [sflag:s7] =	dma.local [spmem:s30], $0x800  }
0x6a: {  	_ =	swait.ge [sflag:s20], $0x800  }
0x6b: {  	[sflag:s20] =	ssyncset.done $0x0  }
0x6c: {  	[sflag:s20] =	ssyncadd.s32 $0xFFFFF800  }
0x6d: {  	[hbm:s15], [sflag:s7] =	dma.local [spmem:s31], $0x800  }
0x6e: {  	s26 =	sadd.s32 $0x1, s26;
	_ =	swait.ge [sflag:s20], $0x800  }
0x6f: {  	p0 =	sne.s32 s26, s17;
	[sflag:s20] =	ssyncset.done $0x0  }
.Ltmp1:
0x70: {  	[sflag:s20] =	ssyncadd.s32 $0xFFFFF800;
	(pc) =	sbr.rel @p0 .LBB2_1-.Ltmp1, $4  }
0x71: {  	[hbm:s16], [sflag:s7] =	dma.local [spmem:s0], $0x800  }
0x72: {  	_ =	swait.ge [sflag:s20], $0x800  }
0x73: {  	[sflag:s20] =	ssyncset.done $0x0  }
0x74: {  	[sflag:s20] =	ssyncadd.s32 $0xFFFFF800  }
0x75: {  	_ =	sfence.sel $0x180000  }
0x76: {  	[bflag:$0x0] =	sbarrier.arrive $0xFFFF  }
0x77: {  	_ =	strace $0x9000004D  }
0x78: {  	s0 =	stileid.u32;
	[bflag:$0x2] =	sbarrier.arrive $0xFFFF  }
0x79: {  	p0 =	sne.s32 s0, $0x0;
	s0 =	rddreg [dreg:$0x3]  }
0x7a: {  	s0 =	sadd.s32 @!p0 $0x100000, s0  }
0x7b: {  	[sflag:s0] =	ssyncadd.tile.s32 @!p0 $0x1;
	_ =	shalt  }
.Lfunc_end2:
_tile_overlayer_lowered:
.L_overlay_start_2:
0x7c: {  	(tag) =	ssettag $0x2  }
0x7d: {  	s0 =	rddreg [dreg:$0x0];
	s2 =	stileid.u32  }
0x7e: {  	s1 =	rddreg [dreg:$0x1];
	p0 =	sne.s32 s2, $0x0  }
0x7f: {  	s3 =	rddreg [dreg:$0x2];
	[bflag:$0x3] =	sbarrier.arrive $0xFFFF;
	s2 =	simm.s32 @!p0 $0x1C02  }
0x80: {  	[timem:s3], [sflag:s2] =	dma.local @!p0 [hbm:s0], s1  }
0x81: {  	s0 =	simm.s32 @!p0 $0x2  }
0x82: {  	_ =	swait.ge @!p0 [sflag:s0], s1  }
0x83: {  	s1 =	ssub.s32 @!p0 $0x0, s1;
	[sflag:s0] =	ssyncset.done @!p0 $0x0  }
0x84: {  	[sflag:s0] =	ssyncadd.s32 @!p0 s1  }
0x85: {  	[bflag:$0x3] =	sbarrier.arrive $0xFFFF  }
0x86: {  	_ =	shalt  }

// kernel: kernel.19.cloned.1.call-start
scs
__scs_entry_jumppad:
0x0: {  	(pc) =	sbr.rel $0x88, $3  }
0x1: {  	(tag) =	ssettag $0x0;
	lr =	simm.s32 $0x1  }
0x2: {  	[smem:$0x3F91] =	sst lr;
	_ =	strace $0xD0000000  }
0x3: {  	_ = 	snop  }
0x4: {  	_ = 	snop  }
0x5: {  	_ = 	snop  }
0x6: {  	_ = 	snop  }
0x7: {  	_ = 	snop  }
__scs_overlays_trampoline_lowered:
0x8: {  	[smem:$0x3FA0] =	sst s0  }
0x9: {  	[smem:$0x3FA1] =	sst s1  }
0xa: {  	[smem:$0x3FA2] =	sst s2  }
0xb: {  	[smem:$0x3FA3] =	sst s3  }
0xc: {  	[smem:$0x3FA4] =	sst s4  }
0xd: {  	[smem:$0x3FA5] =	sst s5  }
0xe: {  	[smem:$0x3FA6] =	sst s6  }
0xf: {  	[smem:$0x3FA7] =	sst s7  }
0x10: {  	[smem:$0x3FA8] =	sst s8  }
0x11: {  	[smem:$0x3FA9] =	sst s9;
	s0 =	simm.s32 @!p0 $0x0  }
0x12: {  	s1 =	sld [smem:$0x3F8F];
	s0 =	simm.s32 @p0 $0x1  }
0x13: {  	[smem:$0x3FAA] =	sst s0;
	s0 =	simm.s32 @!p1 $0x0  }
0x14: {  	s2 =	sld [smem:$0x3F8E];
	s0 =	simm.s32 @p1 $0x1  }
0x15: {  	[smem:$0x3FAB] =	sst s0;
	s0 =	simm.s32 @!p2 $0x0  }
0x16: {  	s3 =	sld [smem:$0x3FDB];
	s0 =	simm.s32 @p2 $0x1  }
0x17: {  	s4 =	simm.s32 $0x1BF5;
	[smem:$0x3FAD] =	sst s0  }
0x18: {  	s0 =	sld [smem:$0x3F90];
	_ =	swait.ge [sflag:s4], $0x0  }
0x19: {  	s7 =	sld [smem:$0x3F91]  }
0x1a: {  	s8 =	sadd.s32 $0xFFFFE003, lr  }
0x1b: {  	s9 =	sadd.s32 $0xFFFFFEF7, lr;
	s5 =	simm.s32 $0xFFFFFFFF;
	p2 =	slt.u32 s8, $0xFFFFF086  }
0x1c: {  	p1 =	slt.u32 s9, $0xF7A;
	s5 =	simm.s32 @!p2 $0x0  }
0x1d: {  	s5 =	simm.s32 @p1 $0x1;
	p0 =	seq.s32 s7, s2  }
0x1e: {  	s7 =	smul.u32 @!p0 $0xF7A, s2;
	p2 =	seq.s32 @!p0 s5, $0x0  }
0x1f: {  	s9 =	smul.u32 $0xF7A, s1;
	s8 =	simm.s32 @!p0 $0x1BF5;
	p2 =	por !p2, p0  }
0x20: {  	[sflag:s8] =	ssyncset.s32 @!p0 $0xFFFFF086;
	s6 =	sadd.s32 @!p0 s3, s7;
	s7 =	simm.s32 @!p0 $0x108  }
0x21: {  	s3 =	sadd.s32 s3, s9;
	s6 =	sadd.s32 @!p0 $0x88, s6;
	s7 =	simm.s32 @p2 $0x1082  }
0x22: {  	[simem:s7], [sflag:s8] =	dma.local @!p0 [hbm:s6], $0xF7A  }
0x23: {  	s9 =	sor.u32 $0xD0000000, s2;
	s6 =	simm.s32 $0x108;
	_ =	swait.ge @!p0 [sflag:s8], $0x0  }
0x24: {  	s3 =	sadd.s32 $0x88, s3;
	s6 =	simm.s32 @!p1 $0x1082;
	[sflag:s4] =	ssyncset.s32 $0xFFFFF086  }
0x25: {  	[simem:s6], [sflag:s4] =	dma.local [hbm:s3], $0xF7A  }
0x26: {  	[smem:$0x3F91] =	sst s1;
	(tag) =	ssettag s2;
	_ =	strace s9  }
0x27: {  	s1 =	sld [smem:$0x3FA1]  }
0x28: {  	s2 =	sld [smem:$0x3FA2]  }
0x29: {  	s4 =	sld [smem:$0x3FA4]  }
0x2a: {  	p0 =	seq.s32 s5, $0x0;
	s5 =	sld [smem:$0x3FA5]  }
0x2b: {  	s6 =	sld [smem:$0x3FA6]  }
0x2c: {  	s7 =	sld [smem:$0x3FA7]  }
0x2d: {  	s3 =	simm.s32 $0x108;
	s8 =	sld [smem:$0x3FA8]  }
0x2e: {  	s3 =	simm.s32 @!p0 $0x1082;
	s9 =	sld [smem:$0x3FA9]  }
0x2f: {  	lr =	sadd.s32 s0, s3;
	s0 =	sld [smem:$0x3FA0]  }
0x30: {  	s3 =	sld [smem:$0x3FA3]  }
0x31: {  	[smem:$0x3FAC] =	sst s10  }
0x32: {  	s10 =	sld [smem:$0x3FAA];
	_ =	sdelay $0x3  }
0x33: {  	p0 =	seq.s32 s10, $0x1;
	s10 =	sld [smem:$0x3FAC];
	_ =	sdelay $0x3  }
0x34: {  	[smem:$0x3FAC] =	sst s10  }
0x35: {  	s10 =	sld [smem:$0x3FAB];
	_ =	sdelay $0x3  }
0x36: {  	p1 =	seq.s32 s10, $0x1;
	s10 =	sld [smem:$0x3FAC];
	_ =	sdelay $0x3  }
0x37: {  	[smem:$0x3FAC] =	sst s10  }
0x38: {  	s10 =	sld [smem:$0x3FAD]  }
0x39: {  	_ = 	snop;
	(pc) =	sbr.ind lr, $3  }
0x3a: {  	_ = 	snop  }
0x3b: {  	_ = 	snop  }
0x3c: {  	p2 =	seq.s32 s10, $0x1;
	s10 =	sld [smem:$0x3FAC]  }
0x3d: {  	_ =	shalt  }
0x3e: {  	_ =	shalt  }
0x3f: {  	_ =	shalt  }
0x40: {  	_ =	shalt  }
0x41: {  	_ =	shalt  }
0x42: {  	_ =	shalt  }
0x43: {  	_ =	shalt  }
0x44: {  	_ =	shalt  }
0x45: {  	_ =	shalt  }
0x46: {  	_ =	shalt  }
0x47: {  	_ =	shalt  }
0x48: {  	_ =	shalt  }
0x49: {  	_ =	shalt  }
0x4a: {  	_ =	shalt  }
0x4b: {  	_ =	shalt  }
0x4c: {  	_ =	shalt  }
0x4d: {  	_ =	shalt  }
0x4e: {  	_ =	shalt  }
0x4f: {  	_ =	shalt  }
0x50: {  	_ =	shalt  }
0x51: {  	_ =	shalt  }
0x52: {  	_ =	shalt  }
0x53: {  	_ =	shalt  }
0x54: {  	_ =	shalt  }
0x55: {  	_ =	shalt  }
0x56: {  	_ =	shalt  }
0x57: {  	_ =	shalt  }
0x58: {  	_ =	shalt  }
0x59: {  	_ =	shalt  }
0x5a: {  	_ =	shalt  }
0x5b: {  	_ =	shalt  }
0x5c: {  	_ =	shalt  }
0x5d: {  	_ =	shalt  }
0x5e: {  	_ =	shalt  }
0x5f: {  	_ =	shalt  }
0x60: {  	_ =	shalt  }
0x61: {  	_ =	shalt  }
0x62: {  	_ =	shalt  }
0x63: {  	_ =	shalt  }
0x64: {  	_ =	shalt  }
0x65: {  	_ =	shalt  }
0x66: {  	_ =	shalt  }
0x67: {  	_ =	shalt  }
0x68: {  	_ =	shalt  }
0x69: {  	_ =	shalt  }
0x6a: {  	_ =	shalt  }
0x6b: {  	_ =	shalt  }
0x6c: {  	_ =	shalt  }
0x6d: {  	_ =	shalt  }
0x6e: {  	_ =	shalt  }
0x6f: {  	_ =	shalt  }
0x70: {  	_ =	shalt  }
0x71: {  	_ =	shalt  }
0x72: {  	_ =	shalt  }
0x73: {  	_ =	shalt  }
0x74: {  	_ =	shalt  }
0x75: {  	_ =	shalt  }
0x76: {  	_ =	shalt  }
0x77: {  	_ =	shalt  }
0x78: {  	_ =	shalt  }
0x79: {  	_ =	shalt  }
0x7a: {  	_ =	shalt  }
0x7b: {  	_ =	shalt  }
0x7c: {  	_ =	shalt  }
0x7d: {  	_ =	shalt  }
0x7e: {  	_ =	shalt  }
0x7f: {  	_ =	shalt  }
0x80: {  	_ =	shalt  }
0x81: {  	_ =	shalt  }
0x82: {  	_ =	shalt  }
0x83: {  	_ =	shalt  }
0x84: {  	_ =	shalt  }
0x85: {  	_ =	shalt  }
0x86: {  	_ =	shalt  }
0x87: {  	_ =	shalt  }
.Lfunc_end0:
.L_simem_size_0:
called_computation.3_lowered:
.L_overlay_start_0:
0x88: {  	s2 =	sld [smem:$0x3FD9]  }
0x89: {  	s3 =	sld [smem:$0x3FFE];
	_ =	sdelay $0x1  }
0x8a: {  	s1 =	srdreg.scid  }
0x8b: {  	s0 =	sand.u32 $0x1, s1  }
0x8c: {  	s17 =	sshll.u32 s0, $0xA;
	s2 =	sadd.s32 s3, s2  }
0x8d: {  	s2 =	sadd.s32 s2, s17  }
0x8e: {  	[smem:$0x3FB8] =	sst s2  }
0x8f: {  	_ = 	snop  }
0x90: {  	s2 =	sld [smem:$0x3FD0];
	(tm) =	ssettm $0x1  }
0x91: {  	s18 =	sld [smem:$0x3FFB];
	_ =	sdelay $0x3  }
0x92: {  	_ =	strace s18  }
0x93: {  	s3 =	sld [smem:$0x3FFC];
	_ =	sdelay $0x3  }
0x94: {  	_ =	strace s3  }
0x95: {  	s3 =	sld [smem:$0x3FFD];
	_ =	sdelay $0x3  }
0x96: {  	_ =	strace s3  }
0x97: {  	_ =	strace $0x8FFFFFFF  }
0x98: {  	s19 =	sld [smem:$0x3FDB];
	_ =	sdelay $0x1  }
0x99: {  	s4 =	simm.s32 $_scs_section_size  }
0x9a: {  	s5 =	simm.s32 $_size__tile_overlayer_lowered;
	s6 =	simm.s32 $_tile_overlayer_lowered  }
0x9b: {  	s22 =	simm.s32 $0x1BFF;
	s21 =	sshll.u32 s6, $0x1;
	s3 =	sadd.s32 s4, s19  }
0x9c: {  	s7 =	simm.s32 $0x0;
	s20 =	sshll.u32 s5, $0x1;
	s5 =	sadd.s32 s21, s3  }
0x9d: {  	[timem:s7], [sflag:s22] =	dma.local [hbm:s5], s20  }
0x9e: {  	_ =	swait.ge [sflag:s22], s20  }
0x9f: {  	s4 =	ssub.s32 $0x0, s20;
	[sflag:s22] =	ssyncset.done $0x0  }
0xa0: {  	[sflag:s22] =	ssyncadd.s32 s4;
	_ =	sdelay $0x1  }
0xa1: {  	s23 =	simm.s32 $0x1B8B  }
0xa2: {  	_ =	swait.ge [sflag:s23], $0x1  }
0xa3: {  	[sflag:s23] =	ssyncset.done $0x0  }
0xa4: {  	s25 =	simm.s32 $0x1B8E;
	s24 =	sld [smem:$0x3FFE];
	[sflag:s23] =	ssyncadd.s32 $0xFFFFFFFF  }
0xa5: {  	s26 =	simm.s32 $execute0_lowered;
	[smem:$0x3FD2] =	sst s25  }
0xa6: {  	s5 =	sshll.u32 s26, $0x1;
	_ =	strace $0x8000004F;
	[dreg:$0x1] =	wrdreg $0xFFFFFFFF  }
0xa7: {  	s28 =	simm.s32 $_size_execute0_lowered;
	s3 =	sadd.s32 s3, s5;
	[dreg:$0x0] =	wrdreg $0x0  }
0xa8: {  	s5 =	sshll.u32 s28, $0x1;
	[dreg:$0x2] =	wrdreg s3  }
0xa9: {  	[dreg:$0x3] =	wrdreg s5  }
0xaa: {  	[dreg:$0x4] =	wrdreg $0xC0  }
0xab: {  	_ =	task [dreg:s7], $0x5FFFF  }
0xac: {  	[dreg:$0x1] =	wrdreg $0xFFFFFFFF  }
0xad: {  	[dreg:$0x0] =	wrdreg $0x60  }
0xae: {  	[dreg:$0x2] =	wrdreg s2  }
0xaf: {  	[dreg:$0x3] =	wrdreg s24  }
0xb0: {  	[dreg:$0x4] =	wrdreg $0x0  }
0xb1: {  	[dreg:$0x5] =	wrdreg $0x9  }
0xb2: {  	_ =	task.clear_ibuf [dreg:s7], $0x6FFFF;
	_ =	strace $0x9000004F  }
0xb3: {  	s29 =	simm.s32 $0x9;
	_ =	strace $0x80000051  }
0xb4: {  	_ =	swait.ge [sflag:s29], $0x1  }
0xb5: {  	[sflag:s29] =	ssyncadd.s32 $0xFFFFFFFF  }
0xb6: {  	_ =	strace $0x90000051  }
0xb7: {  	_ =	sfence  }
0xb8: {  	s30 =	sld [smem:$0x0];
	_ =	sdelay $0x2  }
0xb9: {  	s31 =	sshll.u32 s1, $0xD;
	s1 =	sshrl.u32 s1, $0x2  }
0xba: {  	s3 =	sand.u32 $0x4000, s31;
	s1 =	sadd.s32 s1, s30  }
0xbb: {  	s0 =	sor.u32 s3, s0;
	s1 =	sshll.u32 s1, $0x11  }
0xbc: {  	s0 =	sor.u32 s1, s0  }
0xbd: {  	s0 =	sadd.s32 $0x8F2B, s0  }
0xbe: {  	[sflag:s0] =	ssyncadd.remote.s32 $0x1  }
0xbf: {  	_ =	sfence.sel $0xFFFF  }
0xc0: {  	[dreg:$0x0] =	wrdreg $0xFFFFFFFF;
	(pc) =	sbr.abs _section_cstart, $3  }
0xc1: {  	[dreg:$0x1] =	wrdreg $0xFFFFFFFF  }
0xc2: {  	_ =	task.clear_ibuf [dreg:s7], $0x2FFFF;
	_ =	strace $0x9FFFFFFF  }
0xc3: {  	(tm) =	ssettm $0x7FFFFFFF  }
tec
execute0_lowered:
.L_overlay_start_1:
0x0: {  	(tag) =	ssettag $0x1  }
0x1: {  	s1 =	rddreg [dreg:$0x0]  }
0x2: {  	s0 =	rddreg [dreg:$0x1]  }
0x3: {  	s2 =	rddreg [dreg:$0x2]  }
0x4: {  	s4 =	srdreg.scid;
	s19 =	stileid.u32  }
0x5: {  	s3 =	simm.s32 $0x0;
	s20 =	simm.s32 $0x2;
	s8 =	smul.u32 $0x50000, s19  }
0x6: {  	s21 =	simm.s32 $0x14000;
	s4 =	sand.u32 $0x1, s4;
	s11 =	smul.u32 $0x14000, s19  }
0x7: {  	[smem:$0x7FF] =	sst s3;
	s10 =	sshll.u32 s19, $0x6;
	s19 =	smul.u32 $0x500, s19  }
0x8: {  	s5 =	smul.u32 $0x5000, s4;
	_ =	strace $0x80000050;
	s7 =	ssub.s32 $0x2, s4  }
0x9: {  	s4 =	smul.u32 $0x140000, s4;
	s9 =	sshrl.u32 s7, $0x1;
	s8 =	sshrl.u32 s8, $0x2  }
0xa: {  	s12 =	sadd.s32 $0x4000, s11;
	s13 =	sadd.s32 $0x8000, s11;
	s14 =	sadd.s32 $0xC000, s11  }
0xb: {  	s15 =	sadd.s32 $0x10000, s11;
	s6 =	sadd.s32 s5, s0;
	s5 =	sadd.s32 $0x3600, s0  }
0xc: {  	s0 =	sadd.s32 $0x18400, s0;
	s17 =	ssub.s32 s7, s9;
	s22 =	sadd.s32 s8, s2  }
0xd: {  	s7 =	sor.u32 $0x1C02, s10;
	s23 =	sadd.s32 s12, s2;
	s24 =	sadd.s32 s13, s2  }
0xe: {  	s25 =	sadd.s32 s14, s2;
	s16 =	sadd.s32 s11, s4;
	[dreg:$0x4] =	wrdreg s22  }
0xf: {  	s11 =	sadd.s32 s15, s2;
	s18 =	sadd.s32 s4, s12;
	[dreg:$0x5] =	wrdreg s23  }
0x10: {  	s28 =	sadd.s32 s4, s13;
	s14 =	sadd.s32 s4, s14;
	[dreg:$0x6] =	wrdreg s24  }
0x11: {  	s4 =	sadd.s32 s4, s15;
	[dreg:$0x7] =	wrdreg s25;
	s16 =	sshrl.u32 s16, $0x3  }
0x12: {  	s26 =	sshrl.u32 s18, $0x3;
	s29 =	sshrl.u32 s28, $0x3;
	s30 =	sshrl.u32 s14, $0x3  }
0x13: {  	s4 =	sshrl.u32 s4, $0x3;
	s17 =	smax.u32 s17, $0x1;
	s31 =	sadd.s32 s19, s6  }
0x14: {  	s22 =	simm.s32 $0x14080;
	s23 =	simm.s32 $0x80;
	s24 =	simm.s32 $0x14100  }
0x15: {  	s25 =	simm.s32 $0x1;
	s12 =	sadd.s32 s0, s16;
	s13 =	sadd.s32 s0, s26  }
0x16: {  	s14 =	sadd.s32 s0, s29;
	s15 =	sadd.s32 s0, s30;
	s16 =	sadd.s32 s0, s4  }
0x17: {  	s18 =	sadd.s32 $0xE400, s31;
	s19 =	sadd.s32 $0x4400, s31;
	s26 =	simm.s32 $0x0  }
.LBB2_1:
0x18: {  	s0 =	rddreg [dreg:$0x4]  }
0x19: {  	s28 =	sshrl.u32 s0, $0x3  }
0x1a: {  	[spmem:s28], [sflag:s7] =	dma.local [hbm:s5], $0x800  }
0x1b: {  	_ =	swait.ge [sflag:s20], $0x800  }
0x1c: {  	[sflag:s20] =	ssyncset.done $0x0;
	s6 =	rddreg [dreg:$0x5]  }
0x1d: {  	[sflag:s20] =	ssyncadd.s32 $0xFFFFF800;
	s29 =	sshrl.u32 s6, $0x3  }
0x1e: {  	[spmem:s29], [sflag:s7] =	dma.local [hbm:s5], $0x800  }
0x1f: {  	_ =	swait.ge [sflag:s20], $0x800  }
0x20: {  	[sflag:s20] =	ssyncset.done $0x0;
	s8 =	rddreg [dreg:$0x6]  }
0x21: {  	[sflag:s20] =	ssyncadd.s32 $0xFFFFF800;
	s30 =	sshrl.u32 s8, $0x3  }
0x22: {  	[spmem:s30], [sflag:s7] =	dma.local [hbm:s5], $0x800  }
0x23: {  	_ =	swait.ge [sflag:s20], $0x800  }
0x24: {  	[sflag:s20] =	ssyncset.done $0x0;
	s9 =	rddreg [dreg:$0x7]  }
0x25: {  	[sflag:s20] =	ssyncadd.s32 $0xFFFFF800;
	s31 =	sshrl.u32 s9, $0x3  }
0x26: {  	[spmem:s31], [sflag:s7] =	dma.local [hbm:s5], $0x800  }
0x27: {  	_ =	swait.ge [sflag:s20], $0x800  }
0x28: {  	[sflag:s20] =	ssyncset.done $0x0  }
0x29: {  	s0 =	sshrl.u32 s11, $0x3;
	[sflag:s20] =	ssyncadd.s32 $0xFFFFF800  }
0x2a: {  	[spmem:s0], [sflag:s7] =	dma.local [hbm:s5], $0x800  }
0x2b: {  	_ =	swait.ge [sflag:s20], $0x800  }
0x2c: {  	[sflag:s20] =	ssyncset.done $0x0  }
0x2d: {  	[sflag:s20] =	ssyncadd.s32 $0xFFFFF800  }
0x2e: {  	s4 =	sadd.s32 $0x0, s19;
	[bflag:$0x0] =	sbarrier.arrive $0xFFFF  }
0x2f: {  	[tilespmem:s21], [sflag:$0x2] =	stream.linear.gather [hbm4b:s4+s3], $0x80, $0x38;
	[tilespmem:$0x18100] =	vst v63  }
0x30: {  	_ =	swait.ge [sflag:s20], $0x80  }
0x31: {  	[sflag:s20] =	ssyncset.done $0x0  }
0x32: {  	s10 =	sadd.s32 $0x0, s18;
	[sflag:s20] =	ssyncadd.s32 $0xFFFFFF80  }
0x33: {  	[tilespmem:s22], [sflag:$0x2] =	stream.linear.gather [hbm4b:s10+s3], $0x80, $0x38;
	[tilespmem:$0x18100] =	vst v63  }
0x34: {  	_ =	swait.ge [sflag:s20], $0x80  }
0x35: {  	[sflag:s20] =	ssyncset.done $0x0  }
0x36: {  	[sflag:s20] =	ssyncadd.s32 $0xFFFFFF80  }
0x37: {  	[tilespmem:s24], [sflag:$0x1] =	stream.indirect.gather [hbm4b:s1+s23], $0x80, s21, s23, $0xb8;
	[tilespmem:$0x18100] =	vst v63  }
0x38: {  	_ =	swait.ge [sflag:s25], $0x4000  }
0x39: {  	[sflag:s25] =	ssyncset.done $0x0  }
0x3a: {  	[sflag:s25] =	ssyncadd.s32 $0xFFFFC000  }
0x3b: {  	[spmem:s2] =	stream.indirect.scatter.add.f32 [tilespmem:s24], [sflag:$0x2], $0x80, s22, s23, $0xb8;
	[tilespmem:$0x18100] =	vst v63  }
0x3c: {  	_ =	swait.ge [sflag:s20], $0x4000  }
0x3d: {  	s6 =	simm.s32 $0x20;
	s4 =	simm.s32 $0x10;
	[sflag:s20] =	ssyncset.done $0x0  }
.LBB2_2:
0x3e: {  	s8 =	sadd.s32 s4, s19  }
0x3f: {  	[sflag:s20] =	ssyncadd.s32 $0xFFFFC000;
	s9 =	smov.u32 s6;
	s10 =	sadd.s32 $0x10, s6  }
0x40: {  	[tilespmem:s21], [sflag:$0x2] =	stream.linear.gather [hbm4b:s8+s3], $0x80, $0x38;
	[tilespmem:$0x18100] =	vst v63  }
0x41: {  	p0 =	sne.s32 s6, $0x4F0;
	_ =	swait.ge [sflag:s20], $0x80  }
0x42: {  	[sflag:s20] =	ssyncset.done $0x0  }
0x43: {  	s6 =	sadd.s32 s4, s18;
	s4 =	smov.u32 s9;
	[sflag:s20] =	ssyncadd.s32 $0xFFFFFF80  }
0x44: {  	[tilespmem:s22], [sflag:$0x2] =	stream.linear.gather [hbm4b:s6+s3], $0x80, $0x38;
	[tilespmem:$0x18100] =	vst v63  }
0x45: {  	_ =	swait.ge [sflag:s20], $0x80  }
0x46: {  	[sflag:s20] =	ssyncset.done $0x0  }
0x47: {  	[sflag:s20] =	ssyncadd.s32 $0xFFFFFF80  }
0x48: {  	[tilespmem:s24], [sflag:$0x1] =	stream.indirect.gather [hbm4b:s1+s23], $0x80, s21, s23, $0xb8;
	[tilespmem:$0x18100] =	vst v63  }
0x49: {  	_ =	swait.ge [sflag:s25], $0x4000  }
.Ltmp0:
0x4a: {  	[sflag:s25] =	ssyncset.done $0x0;
	(pc) =	sbr.rel @p0 .LBB2_2-.Ltmp0, $4  }
0x4b: {  	[sflag:s25] =	ssyncadd.s32 $0xFFFFC000  }
0x4c: {  	[spmem:s2] =	stream.indirect.scatter.add.f32 [tilespmem:s24], [sflag:$0x2], $0x80, s22, s23, $0xb8;
	[tilespmem:$0x18100] =	vst v63  }
0x4d: {  	_ =	swait.ge [sflag:s20], $0x4000  }
0x4e: {  	s6 =	smov.u32 s10;
	[sflag:s20] =	ssyncset.done $0x0  }
0x4f: {  	s6 =	sadd.s32 s4, s19;
	[sflag:s20] =	ssyncadd.s32 $0xFFFFC000  }
0x50: {  	[tilespmem:s21], [sflag:$0x2] =	stream.linear.gather [hbm4b:s6+s3], $0x80, $0x38;
	[tilespmem:$0x18100] =	vst v63  }
0x51: {  	_ =	swait.ge [sflag:s20], $0x80  }
0x52: {  	[sflag:s20] =	ssyncset.done $0x0  }
0x53: {  	s10 =	sadd.s32 s4, s18;
	[sflag:s20] =	ssyncadd.s32 $0xFFFFFF80  }
0x54: {  	[tilespmem:s22], [sflag:$0x2] =	stream.linear.gather [hbm4b:s10+s3], $0x80, $0x38;
	[tilespmem:$0x18100] =	vst v63  }
0x55: {  	_ =	swait.ge [sflag:s20], $0x80  }
0x56: {  	[sflag:s20] =	ssyncset.done $0x0  }
0x57: {  	[sflag:s20] =	ssyncadd.s32 $0xFFFFFF80  }
0x58: {  	[tilespmem:s24], [sflag:$0x1] =	stream.indirect.gather [hbm4b:s1+s23], $0x80, s21, s23, $0xb8;
	[tilespmem:$0x18100] =	vst v63  }
0x59: {  	_ =	swait.ge [sflag:s25], $0x4000  }
0x5a: {  	[sflag:s25] =	ssyncset.done $0x0  }
0x5b: {  	[sflag:s25] =	ssyncadd.s32 $0xFFFFC000  }
0x5c: {  	[spmem:s2] =	stream.indirect.scatter.add.f32 [tilespmem:s24], [sflag:$0x2], $0x80, s22, s23, $0xb8;
	[tilespmem:$0x18100] =	vst v63  }
0x5d: {  	_ =	swait.ge [sflag:s20], $0x4000  }
0x5e: {  	[sflag:s20] =	ssyncset.done $0x0  }
0x5f: {  	[sflag:s20] =	ssyncadd.s32 $0xFFFFC000  }
0x60: {  	[bflag:$0x0] =	sbarrier.arrive $0xFFFF  }
0x61: {  	[hbm:s12], [sflag:s7] =	dma.local [spmem:s28], $0x800  }
0x62: {  	_ =	swait.ge [sflag:s20], $0x800  }
0x63: {  	[sflag:s20] =	ssyncset.done $0x0  }
0x64: {  	[sflag:s20] =	ssyncadd.s32 $0xFFFFF800  }
0x65: {  	[hbm:s13], [sflag:s7] =	dma.local [spmem:s29], $0x800  }
0x66: {  	_ =	swait.ge [sflag:s20], $0x800  }
0x67: {  	[sflag:s20] =	ssyncset.done $0x0  }
0x68: {  	[sflag:s20] =	ssyncadd.s32 $0xFFFFF800  }
0x69: {  	[hbm:s14], [sflag:s7] =	dma.local [spmem:s30], $0x800  }
0x6a: {  	_ =	swait.ge [sflag:s20], $0x800  }
0x6b: {  	[sflag:s20] =	ssyncset.done $0x0  }
0x6c: {  	[sflag:s20] =	ssyncadd.s32 $0xFFFFF800  }
0x6d: {  	[hbm:s15], [sflag:s7] =	dma.local [spmem:s31], $0x800  }
0x6e: {  	s26 =	sadd.s32 $0x1, s26;
	_ =	swait.ge [sflag:s20], $0x800  }
0x6f: {  	p0 =	sne.s32 s26, s17;
	[sflag:s20] =	ssyncset.done $0x0  }
.Ltmp1:
0x70: {  	[sflag:s20] =	ssyncadd.s32 $0xFFFFF800;
	(pc) =	sbr.rel @p0 .LBB2_1-.Ltmp1, $4  }
0x71: {  	[hbm:s16], [sflag:s7] =	dma.local [spmem:s0], $0x800  }
0x72: {  	_ =	swait.ge [sflag:s20], $0x800  }
0x73: {  	[sflag:s20] =	ssyncset.done $0x0  }
0x74: {  	[sflag:s20] =	ssyncadd.s32 $0xFFFFF800  }
0x75: {  	_ =	sfence.sel $0x180000  }
0x76: {  	[bflag:$0x0] =	sbarrier.arrive $0xFFFF  }
0x77: {  	_ =	strace $0x90000050  }
0x78: {  	s0 =	stileid.u32;
	[bflag:$0x2] =	sbarrier.arrive $0xFFFF  }
0x79: {  	p0 =	sne.s32 s0, $0x0;
	s0 =	rddreg [dreg:$0x3]  }
0x7a: {  	s0 =	sadd.s32 @!p0 $0x100000, s0  }
0x7b: {  	[sflag:s0] =	ssyncadd.tile.s32 @!p0 $0x1;
	_ =	shalt  }
.Lfunc_end2:
_tile_overlayer_lowered:
.L_overlay_start_2:
0x7c: {  	(tag) =	ssettag $0x2  }
0x7d: {  	s0 =	rddreg [dreg:$0x0];
	s2 =	stileid.u32  }
0x7e: {  	s1 =	rddreg [dreg:$0x1];
	p0 =	sne.s32 s2, $0x0  }
0x7f: {  	s3 =	rddreg [dreg:$0x2];
	[bflag:$0x3] =	sbarrier.arrive $0xFFFF;
	s2 =	simm.s32 @!p0 $0x1C02  }
0x80: {  	[timem:s3], [sflag:s2] =	dma.local @!p0 [hbm:s0], s1  }
0x81: {  	s0 =	simm.s32 @!p0 $0x2  }
0x82: {  	_ =	swait.ge @!p0 [sflag:s0], s1  }
0x83: {  	s1 =	ssub.s32 @!p0 $0x0, s1;
	[sflag:s0] =	ssyncset.done @!p0 $0x0  }
0x84: {  	[sflag:s0] =	ssyncadd.s32 @!p0 s1  }
0x85: {  	[bflag:$0x3] =	sbarrier.arrive $0xFFFF  }
0x86: {  	_ =	shalt  }

</sc_bundles>
